<compile_context>
chip_gen: v7x
topology: tpu7x:2x2x1
jax: 0.10.2.dev20260603
libtpu: 0.0.44.dev20260713+nightly
codegen_flags: <defaults>
</compile_context>

<pallas_src>
import functools

import jax
import jax.numpy as jnp
from jax import lax
from jax.experimental import pallas as pl
from jax.experimental.pallas import tpu as pltpu
from jax.experimental.pallas import tpu_sc as plsc

NC = 2
NS = 16
L = 16
CHUNK = 128
NSLOT = 2

INV_SQRT3 = 0.57735026918962576
INV_SQRT2 = 0.70710678118654752


def _sc_aggregate(pos_flat, feats_flat, senders, receivers, n_nodes, n_edges):
    n_chunks = n_edges // CHUNK
    rows_per_tile = n_nodes // NS
    zrows = rows_per_tile // 10
    mesh = plsc.VectorSubcoreMesh(core_axis_name="c", subcore_axis_name="s",
                                  num_cores=NC, num_subcores=NS)

    idx_t = pltpu.VMEM((CHUNK,), jnp.int32)
    row_t = pltpu.VMEM((CHUNK, 16), jnp.float32)

    @functools.partial(
        pl.kernel,
        out_type=jax.ShapeDtypeStruct((NC, n_nodes, 16), jnp.float32),
        mesh=mesh,
        scratch_types=[
            [idx_t] * NSLOT,
            [idx_t] * NSLOT,
            [idx_t] * NSLOT,
            [idx_t] * NSLOT,
            [idx_t] * NSLOT,
            [idx_t] * NSLOT,
            [idx_t] * NSLOT,
            [idx_t] * NSLOT,
            [row_t] * NSLOT,
            [row_t] * NSLOT,
            [row_t] * NSLOT,
            [row_t] * NSLOT,
            pltpu.VMEM((zrows, 16), jnp.float32),
            pltpu.VMEM_SHARED((n_nodes, 16), jnp.float32),
            [pltpu.SemaphoreType.DMA] * NSLOT,
            [pltpu.SemaphoreType.DMA] * NSLOT,
            [pltpu.SemaphoreType.DMA] * NSLOT,
        ],
        compiler_params=pltpu.CompilerParams(
            use_tc_tiling_on_sc=False, needs_layout_passes=False),
    )
    def body(pos_hbm, feats_hbm, send_hbm, recv_hbm, out_hbm,
             sidx, ridx, fidx, spv, rpv, parbr, parbs, rsca,
             pos_r, pos_s, feats, tp, stage,
             agg, sem_lin, sem_gat, sem_sca):
        c = lax.axis_index("c")
        t = lax.axis_index("s")
        base_row = t * rows_per_tile
        pos2d = pos_hbm
        feats2d = feats_hbm

        def chunk_of(i):
            return t + NS * i

        def issue_linear(i, s):
            e0 = chunk_of(i) * CHUNK
            pltpu.async_copy(send_hbm.at[pl.ds(e0, CHUNK)], sidx[s],
                             sem_lin[s])
            pltpu.async_copy(recv_hbm.at[pl.ds(e0, CHUNK)], ridx[s],
                             sem_lin[s])

        def wait_linear(i, s):
            e0 = chunk_of(i) * CHUNK
            pltpu.make_async_copy(send_hbm.at[pl.ds(e0, CHUNK)], sidx[s],
                                  sem_lin[s]).wait()
            pltpu.make_async_copy(recv_hbm.at[pl.ds(e0, CHUNK)], ridx[s],
                                  sem_lin[s]).wait()

        def derive_gidx(s):
            def gbody(g, _):
                sl = pl.ds(g * L, L)
                s16 = sidx[s][sl]
                r16 = ridx[s][sl]
                fidx[s][sl] = s16 * 2 + c
                spv[s][sl] = s16 >> 2
                rpv[s][sl] = r16 >> 2
                return 0
            lax.fori_loop(0, CHUNK // L, gbody, 0)

        def derive_sca(s):
            def gbody(g, _):
                sl = pl.ds(g * L, L)
                s16 = sidx[s][sl]
                r16 = ridx[s][sl]
                parbs[s][sl] = (s16 & 3) * 4
                parbr[s][sl] = (r16 & 3) * 4
                rsca[s][sl] = r16
                return 0
            lax.fori_loop(0, CHUNK // L, gbody, 0)

        def issue_gathers(s):
            pltpu.async_copy(pos2d.at[rpv[s]], pos_r[s], sem_gat[s])
            pltpu.async_copy(pos2d.at[spv[s]], pos_s[s], sem_gat[s])
            pltpu.async_copy(feats2d.at[fidx[s]], feats[s], sem_gat[s])

        def wait_gathers(s):
            pltpu.make_async_copy(pos2d.at[rpv[s]], pos_r[s],
                                  sem_gat[s]).wait()
            pltpu.make_async_copy(pos2d.at[spv[s]], pos_s[s],
                                  sem_gat[s]).wait()
            pltpu.make_async_copy(feats2d.at[fidx[s]], feats[s],
                                  sem_gat[s]).wait()

        def issue_scatter(s):
            pltpu.async_copy(tp[s], agg.at[rsca[s]], sem_sca[s], add=True)

        def wait_scatter(s):
            pltpu.make_async_copy(tp[s], agg.at[rsca[s]],
                                  sem_sca[s]).wait()

        def compute(s):
            def gbody(g, _):
                rows = g * L + lax.iota(jnp.int32, L)
                par_r = parbr[s][pl.ds(g * L, L)]
                par_s = parbs[s][pl.ds(g * L, L)]
                dx = (plsc.load_gather(pos_r[s], [rows, par_r])
                      - plsc.load_gather(pos_s[s], [rows, par_s]))
                dy = (plsc.load_gather(pos_r[s], [rows, par_r + 1])
                      - plsc.load_gather(pos_s[s], [rows, par_s + 1]))
                dz = (plsc.load_gather(pos_r[s], [rows, par_r + 2])
                      - plsc.load_gather(pos_s[s], [rows, par_s + 2]))
                s2 = dx * dx + dy * dy + dz * dz
                bi = plsc.bitcast(s2, jnp.int32)
                bi = jnp.int32(0x5F3759DF) - (bi >> 1)
                y = plsc.bitcast(bi, jnp.float32)
                y = y * (1.5 - 0.5 * s2 * y * y)
                y = y * (1.5 - 0.5 * s2 * y * y)
                y = y * (1.5 - 0.5 * s2 * y * y)
                inv = 1.0 / (s2 * y + 1e-9)
                nx = dx * inv
                ny = dy * inv
                nz = dz * inv
                for f in range(4):
                    cw = [jnp.full((L,), 4 * f + q, jnp.int32)
                          for q in range(4)]
                    x0 = plsc.load_gather(feats[s], [rows, cw[0]])
                    x1 = plsc.load_gather(feats[s], [rows, cw[1]])
                    x2 = plsc.load_gather(feats[s], [rows, cw[2]])
                    x3 = plsc.load_gather(feats[s], [rows, cw[3]])
                    dot = (x1 * nx + x2 * ny + x3 * nz) * INV_SQRT3
                    o0 = x0 + dot
                    o1 = x0 * nx + x1 + (x2 * nz - x3 * ny) * INV_SQRT2
                    o2 = x0 * ny + x2 + (x3 * nx - x1 * nz) * INV_SQRT2
                    o3 = x0 * nz + x3 + (x1 * ny - x2 * nx) * INV_SQRT2
                    plsc.store_scatter(tp[s], [rows, cw[0]], o0)
                    plsc.store_scatter(tp[s], [rows, cw[1]], o1)
                    plsc.store_scatter(tp[s], [rows, cw[2]], o2)
                    plsc.store_scatter(tp[s], [rows, cw[3]], o3)
                return 0
            lax.fori_loop(0, CHUNK // L, gbody, 0)

        zero16 = jnp.zeros((L,), jnp.float32)

        def zrow(i, _):
            stage[i] = zero16
            return 0
        lax.fori_loop(0, zrows, zrow, 0)

        def zcopy(j, _):
            pltpu.sync_copy(stage, agg.at[pl.ds(base_row + j * zrows, zrows)])
            return 0
        lax.fori_loop(0, rows_per_tile // zrows, zcopy, 0)
        plsc.subcore_barrier()

        n_i = (n_chunks - t + NS - 1) // NS

        def pipe_body(i, j):
            s_a = j
            s_b = 1 - j

            @pl.when(jnp.logical_and(i + 1 >= 0, i + 1 < n_i))
            def _():
                @pl.when(i <= 0)
                def _():
                    issue_linear(i + 1, s_b)
                wait_linear(i + 1, s_b)
                derive_gidx(s_b)
                issue_gathers(s_b)

            @pl.when(i >= 0)
            def _():
                @pl.when(i >= 2)
                def _():
                    wait_scatter(s_a)
                derive_sca(s_a)
                @pl.when(i + 2 < n_i)
                def _():
                    issue_linear(i + 2, s_a)
                wait_gathers(s_a)
                compute(s_a)
                issue_scatter(s_a)

        def pair(m, _):
            i0 = m * NSLOT - 1
            for jj in range(NSLOT):
                i = i0 + jj
                j = (jj + 1) % NSLOT
                @pl.when(i < n_i)
                def _():
                    pipe_body(i, j)
            return 0
        lax.fori_loop(0, (n_i + 1 + NSLOT - 1) // NSLOT, pair, 0)

        wait_scatter(0)
        wait_scatter(1)

        plsc.subcore_barrier()

        def flush(jj, _):
            r0 = base_row + jj * zrows
            pltpu.sync_copy(agg.at[pl.ds(r0, zrows)], stage)
            pltpu.sync_copy(stage, out_hbm.at[c, pl.ds(r0, zrows)])
            return 0
        lax.fori_loop(0, rows_per_tile // zrows, flush, 0)

    return body(pos_flat, feats_flat, senders, receivers)


def _tc_dense(agg2, bd, b32, n_nodes):
    rows = 2000
    grid = n_nodes // rows

    def body(a_ref, bd_ref, b_ref, o_ref):
        x = jnp.concatenate([a_ref[0], a_ref[1]], axis=-1)
        o_ref[...] = (jnp.dot(x, bd_ref[...],
                              preferred_element_type=jnp.float32)
                      + b_ref[...])

    return pl.pallas_call(
        body,
        grid=(grid,),
        in_specs=[
            pl.BlockSpec((NC, rows, 16), lambda i: (0, i, 0)),
            pl.BlockSpec((32, 32), lambda i: (0, 0)),
            pl.BlockSpec((1, 32), lambda i: (0, 0)),
        ],
        out_specs=pl.BlockSpec((rows, 32), lambda i: (i, 0)),
        out_shape=jax.ShapeDtypeStruct((n_nodes, 32), jnp.float32),
    )(agg2, bd, b32)


def kernel(positions, node_feats, senders, receivers, W, b):
    n_nodes = positions.shape[0]
    n_edges = senders.shape[0]
    n_f = node_feats.shape[1]
    pos4 = jnp.pad(positions, ((0, 0), (0, 1))).reshape(n_nodes // 4, 16)
    feats2 = node_feats.reshape(n_nodes * NC, n_f * 4 // NC)
    agg2 = _sc_aggregate(pos4, feats2, senders, receivers,
                         n_nodes, n_edges)
    bd = jnp.kron(jnp.eye(n_f, dtype=W.dtype), W) * (1.0 / 16.0)
    b32 = jnp.tile(b, n_f).reshape(1, n_f * 4)
    out32 = _tc_dense(agg2, bd, b32, n_nodes)
    return out32.reshape(n_nodes, n_f, 4)

# --- scband reference (transcript-rebuilt; emitter-appended) ---
"""Pipeline reference for scband-e3j-layer-33612414059053 (READ-ONLY COPY).

The authoritative reference and input builder live on the scoring server;
editing this copy changes nothing except your own understanding.
"""

import jax, jax.numpy as jnp
import numpy as np

N = 100000
E = 1600000
F = 8
MAX_L = 1
DENOM = 16.0
C = (MAX_L + 1) ** 2  # 4


def spherical_harmonics(dirs):
    # normalize=True: unit direction vectors; real SH up to l=1 -> [1, nx, ny, nz]
    n = dirs / (jnp.linalg.norm(dirs, axis=-1, keepdims=True) + 1e-9)
    return jnp.concatenate([jnp.ones_like(n[..., :1]), n], axis=-1)  # [E, 4]


def tensor_product(x, sh):
    # x: [E, F, 4] irreps (l=0 scalar + l=1 vector), sh: [E, 4]
    # CG tensor product truncated to max_l3 = 1, paths summed into [E, F, 4]
    x0 = x[..., 0:1]            # [E, F, 1]
    x1 = x[..., 1:4]            # [E, F, 3]
    s0 = sh[:, None, 0:1]       # [E, 1, 1]
    s1 = sh[:, None, 1:4]       # [E, 1, 3]
    # l3 = 0 outputs: 0x0->0 and 1x1->0 (dot / sqrt(3))
    out0 = x0 * s0 + jnp.sum(x1 * s1, axis=-1, keepdims=True) / jnp.sqrt(3.0)
    # l3 = 1 outputs: 0x1->1, 1x0->1, 1x1->1 (cross / sqrt(2))
    out1 = x0 * s1 + x1 * s0 + jnp.cross(x1, jnp.broadcast_to(s1, x1.shape)) / jnp.sqrt(2.0)
    return jnp.concatenate([out0, out1], axis=-1)  # [E, F, 4]


def setup_inputs(seed: int = 0) -> dict:
    key = jax.random.key(seed)
    k1, k2, k3, k4, k5 = jax.random.split(key, 5)
    positions = jax.random.normal(k1, (N, 3), dtype=jnp.float32)
    node_feats = jax.random.normal(k2, (N, F, C), dtype=jnp.float32)
    senders = jax.random.randint(k3, (E,), 0, N, dtype=jnp.int32)
    receivers = jax.random.randint(k4, (E,), 0, N, dtype=jnp.int32)
    # flax.linen.Dense(features=C) over the last dim of aggregated edge features
    W = jax.random.normal(k5, (C, C), dtype=jnp.float32) / jnp.sqrt(float(C))
    b = jnp.zeros((C,), dtype=jnp.float32)
    return {"positions": positions, "node_feats": node_feats, "senders": senders,
            "receivers": receivers, "W": W, "b": b}


def reference(positions, node_feats, senders, receivers, W, b):
    # update_edge_fn: directional spherical harmonics tensor-producted with sender feats
    dirs = positions[receivers] - positions[senders]            # gather [E, 3]
    sh = spherical_harmonics(dirs)                              # [E, 4]
    sender_feats = node_feats[senders]                          # gather [E, F, 4]
    tp = tensor_product(sender_feats, sh)                       # [E, F, 4]
    # jraph GraphNetwork: segment-sum incoming edges to receiver nodes
    agg = jax.ops.segment_sum(tp, receivers, num_segments=node_feats.shape[0])  # [N, F, 4]
    # update_node_fn: scale by denominator, then Dense over last dim
    agg = agg / DENOM
    out = jnp.einsum('nfc,cd->nfd', agg, W) + b
    return out

if __name__ == "__main__":
    import jax
    _d = setup_inputs()
    print(jax.jit(kernel)(*tuple(_d.values())))

</pallas_src>

<mosaic_0001>
#map = affine_map<(d0, d1) -> (0, 0)>
#map1 = affine_map<(d0, d1) -> (0)>
#map2 = affine_map<(d0, d1) -> (0, 0, 0)>
module attributes {stable_mosaic.version = 14 : i64} {
  func.func @body(%arg0: i32, %arg1: i32, %arg2: memref<25000x16xf32, #tpu.memory_space<hbm>>, %arg3: memref<200000x16xf32, #tpu.memory_space<hbm>>, %arg4: memref<1600000xi32, #tpu.memory_space<hbm>>, %arg5: memref<1600000xi32, #tpu.memory_space<hbm>>, %arg6: memref<2x100000x16xf32, #tpu.memory_space<hbm>>, %arg7: memref<128xi32, #tpu.memory_space<vmem>>, %arg8: memref<128xi32, #tpu.memory_space<vmem>>, %arg9: memref<128xi32, #tpu.memory_space<vmem>>, %arg10: memref<128xi32, #tpu.memory_space<vmem>>, %arg11: memref<128xi32, #tpu.memory_space<vmem>>, %arg12: memref<128xi32, #tpu.memory_space<vmem>>, %arg13: memref<128xi32, #tpu.memory_space<vmem>>, %arg14: memref<128xi32, #tpu.memory_space<vmem>>, %arg15: memref<128xi32, #tpu.memory_space<vmem>>, %arg16: memref<128xi32, #tpu.memory_space<vmem>>, %arg17: memref<128xi32, #tpu.memory_space<vmem>>, %arg18: memref<128xi32, #tpu.memory_space<vmem>>, %arg19: memref<128xi32, #tpu.memory_space<vmem>>, %arg20: memref<128xi32, #tpu.memory_space<vmem>>, %arg21: memref<128xi32, #tpu.memory_space<vmem>>, %arg22: memref<128xi32, #tpu.memory_space<vmem>>, %arg23: memref<128x16xf32, #tpu.memory_space<vmem>>, %arg24: memref<128x16xf32, #tpu.memory_space<vmem>>, %arg25: memref<128x16xf32, #tpu.memory_space<vmem>>, %arg26: memref<128x16xf32, #tpu.memory_space<vmem>>, %arg27: memref<128x16xf32, #tpu.memory_space<vmem>>, %arg28: memref<128x16xf32, #tpu.memory_space<vmem>>, %arg29: memref<128x16xf32, #tpu.memory_space<vmem>>, %arg30: memref<128x16xf32, #tpu.memory_space<vmem>>, %arg31: memref<625x16xf32, #tpu.memory_space<vmem>>, %arg32: memref<100000x16xf32, #tpu.memory_space<vmem_shared>>, %arg33: memref<!tpu.dma_semaphore, #tpu.memory_space<semaphore_mem>>, %arg34: memref<!tpu.dma_semaphore, #tpu.memory_space<semaphore_mem>>, %arg35: memref<!tpu.dma_semaphore, #tpu.memory_space<semaphore_mem>>, %arg36: memref<!tpu.dma_semaphore, #tpu.memory_space<semaphore_mem>>, %arg37: memref<!tpu.dma_semaphore, #tpu.memory_space<semaphore_mem>>, %arg38: memref<!tpu.dma_semaphore, #tpu.memory_space<semaphore_mem>>) attributes {dimension_semantics = [#tpu.dimension_semantics<core_parallel>, #tpu.dimension_semantics<subcore_parallel>], iteration_bounds = array<i64: 2, 16>, scalar_prefetch = 0 : i64, scratch_operands = 32 : i64, tpu.core_type = #tpu.core_type<sc_vector_subcore>, window_params = [{transform_indices = #map}, {transform_indices = #map}, {transform_indices = #map1}, {transform_indices = #map1}, {transform_indices = #map2}]} {
    %mul3A = arith.constant 6250 : i32
    %mul3A_0 = arith.muli %arg1, %mul3A : i32
    %broadcast_in_dim3A = arith.constant 0.000000e+00 : f32
    %broadcast_in_dim3A_1 = vector.broadcast %broadcast_in_dim3A : f32 to vector<16xf32>
    %scan3A = arith.constant 0 : i32
    %scan3A_2 = arith.constant 0 : i32
    %scan3A_3 = arith.constant 625 : i32
    %scan3A_4 = arith.addi %scan3A_2, %scan3A_3 : i32
    %scan3A_5 = arith.constant 1 : i32
    %scan3A_6 = scf.for %scan3A_90 = %scan3A_2 to %scan3A_4 step %scan3A_5 iter_args(%scan3A_91 = %scan3A) -> (i32)  : i32 {
      %swap3A = arith.index_cast %scan3A_90 : i32 to index
      %swap3A_92 = arith.constant 0 : index
      %swap3A_93 = tpu.vector_load %arg31[%swap3A, %swap3A_92] {strides = array<i32>} : memref<625x16xf32, #tpu.memory_space<vmem>>, vector<16xf32>,
      tpu.vector_store %arg31[%swap3A, %swap3A_92], %broadcast_in_dim3A_1 {strides = array<i32>} : memref<625x16xf32, #tpu.memory_space<vmem>>, vector<16xf32>,
      %scan3A_94 = arith.constant 0 : i32
      scf.yield %scan3A_94 : i32
    }
    %scan3A_7 = arith.constant 625 : i32
    %scan3A_8 = arith.constant 0 : i32
    %scan3A_9 = arith.constant 0 : i32
    %scan3A_10 = arith.constant 10 : i32
    %scan3A_11 = arith.addi %scan3A_9, %scan3A_10 : i32
    %scan3A_12 = arith.constant 1 : i32
    %scan3A_13 = scf.for %scan3A_90 = %scan3A_9 to %scan3A_11 step %scan3A_12 iter_args(%scan3A_91 = %scan3A_8) -> (i32)  : i32 {
      %mul3A_92 = arith.constant 625 : i32
      %mul3A_93 = arith.muli %scan3A_90, %mul3A_92 : i32
      %add3A_94 = arith.addi %mul3A_0, %mul3A_93 : i32
      "tpu.region"() ({
        %run_scoped3A = tpu.sem_alloc : memref<!tpu.dma_semaphore, #tpu.memory_space<semaphore_mem>>
        %dma_start3A = arith.constant 0 : i32
        %dma_start3A_96 = tpu.memref_slice %arg32[%add3A_94, %dma_start3A] : memref<100000x16xf32, #tpu.memory_space<vmem_shared>> -> memref<625x16xf32, #tpu.memory_space<vmem_shared>>
        %dma_start3A_97 = arith.constant 0 : i32
        %dma_start3A_98 = tpu.memref_slice %arg32[%add3A_94, %dma_start3A_97] : memref<100000x16xf32, #tpu.memory_space<vmem_shared>> -> memref<625x16xf32, #tpu.memory_space<vmem_shared>>
        tpu.enqueue_dma source(%arg31 : memref<625x16xf32, #tpu.memory_space<vmem>>) target(%dma_start3A_98 : memref<625x16xf32, #tpu.memory_space<vmem_shared>>) target_semaphore(%run_scoped3A : memref<!tpu.dma_semaphore, #tpu.memory_space<semaphore_mem>>)
        %dma_wait3A_99 = arith.constant 0 : i32
        %dma_wait3A_100 = tpu.memref_slice %arg32[%add3A_94, %dma_wait3A_99] : memref<100000x16xf32, #tpu.memory_space<vmem_shared>> -> memref<625x16xf32, #tpu.memory_space<vmem_shared>>
        %dma_wait3A_101 = arith.constant 0 : i32
        %dma_wait3A_102 = tpu.memref_slice %arg32[%add3A_94, %dma_wait3A_101] : memref<100000x16xf32, #tpu.memory_space<vmem_shared>> -> memref<625x16xf32, #tpu.memory_space<vmem_shared>>
        tpu.wait_dma2 semaphore(%run_scoped3A : memref<!tpu.dma_semaphore, #tpu.memory_space<semaphore_mem>>) src(%arg31 : memref<625x16xf32, #tpu.memory_space<vmem>>) dst(%dma_wait3A_102 : memref<625x16xf32, #tpu.memory_space<vmem_shared>>)
        tpu.yield
      }) : () -> ()
      %scan3A_95 = arith.constant 0 : i32
      scf.yield %scan3A_95 : i32
    }
    %scan3A_14 = arith.constant 10 : i32
    %barrier3A = arith.constant 0 : index
    tpu.barrier barrier_id(%barrier3A)
    %sub3A = arith.constant 12500 : i32
    %sub3A_15 = arith.subi %sub3A, %arg1 : i32
    %add3A = arith.constant 16 : i32
    %add3A_16 = arith.addi %sub3A_15, %add3A : i32
    %sub3A_17 = arith.constant 1 : i32
    %sub3A_18 = arith.subi %add3A_16, %sub3A_17 : i32
    %jit3A = arith.constant 16 : i32
    %div3A = arith.divsi %sub3A_18, %jit3A : i32
    %sign3A = arith.constant 0 : i32
    %sign3A_19 = arith.cmpi sgt, %sub3A_18, %sign3A : i32
    %sign3A_20 = arith.extui %sign3A_19 : i1 to i32
    %sign3A_21 = arith.constant 0 : i32
    %sign3A_22 = arith.cmpi slt, %sub3A_18, %sign3A_21 : i32
    %sign3A_23 = arith.extui %sign3A_22 : i1 to i32
    %sign3A_24 = arith.subi %sign3A_20, %sign3A_23 : i32
    %sign3A_25 = arith.constant 0 : i32
    %sign3A_26 = arith.cmpi sgt, %jit3A, %sign3A_25 : i32
    %sign3A_27 = arith.extui %sign3A_26 : i1 to i32
    %sign3A_28 = arith.constant 0 : i32
    %sign3A_29 = arith.cmpi slt, %jit3A, %sign3A_28 : i32
    %sign3A_30 = arith.extui %sign3A_29 : i1 to i32
    %sign3A_31 = arith.subi %sign3A_27, %sign3A_30 : i32
    %ne3A = arith.cmpi ne, %sign3A_24, %sign3A_31 : i32
    %rem3A = arith.remsi %sub3A_18, %jit3A : i32
    %ne3A_32 = arith.constant 0 : i32
    %ne3A_33 = arith.cmpi ne, %rem3A, %ne3A_32 : i32
    %and3A = arith.andi %ne3A, %ne3A_33 : i1
    %sub3A_34 = arith.constant 1 : i32
    %sub3A_35 = arith.subi %div3A, %sub3A_34 : i32
    %select_n3A = arith.select %and3A, %sub3A_35, %div3A : i32
    %add3A_36 = arith.constant 1 : i32
    %add3A_37 = arith.addi %select_n3A, %add3A_36 : i32
    %add3A_38 = arith.constant 2 : i32
    %add3A_39 = arith.addi %add3A_37, %add3A_38 : i32
    %sub3A_40 = arith.constant 1 : i32
    %sub3A_41 = arith.subi %add3A_39, %sub3A_40 : i32
    %jit3A_42 = arith.constant 2 : i32
    %div3A_43 = arith.divsi %sub3A_41, %jit3A_42 : i32
    %sign3A_44 = arith.constant 0 : i32
    %sign3A_45 = arith.cmpi sgt, %sub3A_41, %sign3A_44 : i32
    %sign3A_46 = arith.extui %sign3A_45 : i1 to i32
    %sign3A_47 = arith.constant 0 : i32
    %sign3A_48 = arith.cmpi slt, %sub3A_41, %sign3A_47 : i32
    %sign3A_49 = arith.extui %sign3A_48 : i1 to i32
    %sign3A_50 = arith.subi %sign3A_46, %sign3A_49 : i32
    %sign3A_51 = arith.constant 0 : i32
    %sign3A_52 = arith.cmpi sgt, %jit3A_42, %sign3A_51 : i32
    %sign3A_53 = arith.extui %sign3A_52 : i1 to i32
    %sign3A_54 = arith.constant 0 : i32
    %sign3A_55 = arith.cmpi slt, %jit3A_42, %sign3A_54 : i32
    %sign3A_56 = arith.extui %sign3A_55 : i1 to i32
    %sign3A_57 = arith.subi %sign3A_53, %sign3A_56 : i32
    %ne3A_58 = arith.cmpi ne, %sign3A_50, %sign3A_57 : i32
    %rem3A_59 = arith.remsi %sub3A_41, %jit3A_42 : i32
    %ne3A_60 = arith.constant 0 : i32
    %ne3A_61 = arith.cmpi ne, %rem3A_59, %ne3A_60 : i32
    %and3A_62 = arith.andi %ne3A_58, %ne3A_61 : i1
    %sub3A_63 = arith.constant 1 : i32
    %sub3A_64 = arith.subi %div3A_43, %sub3A_63 : i32
    %select_n3A_65 = arith.select %and3A_62, %sub3A_64, %div3A_43 : i32
    %while3A = arith.constant 0 : i32
    %while3A_66 = arith.constant 0 : i32
    %while3A_67 = arith.subi %select_n3A_65, %while3A : i32
    %while3A_68 = arith.addi %while3A, %while3A_67 : i32
    %while3A_69 = arith.constant 1 : i32
    %while3A_70 = arith.divsi %while3A_67, %while3A_69 : i32
    %while3A_71 = arith.muli %while3A_70, %while3A_69 : i32
    %while3A_72 = arith.addi %while3A, %while3A_71 : i32
    %while3A_73 = arith.constant 1 : i32
    %while3A_74 = scf.for %while3A_90 = %while3A to %while3A_72 step %while3A_73 iter_args(%while3A_91 = %while3A_66) -> (i32)  : i32 {
      %mul3A_92 = arith.constant 2 : i32
      %mul3A_93 = arith.muli %while3A_90, %mul3A_92 : i32
      %sub3A_94 = arith.constant 1 : i32
      %sub3A_95 = arith.subi %mul3A_93, %sub3A_94 : i32
      %add3A_96 = arith.constant 0 : i32
      %add3A_97 = arith.addi %sub3A_95, %add3A_96 : i32
      %lt3A = arith.cmpi slt, %add3A_97, %select_n3A : i32
      %convert_element_type3A = arith.extui %lt3A : i1 to i32
      %cond3A = arith.constant 0 : i32
      %cond3A_98 = arith.cmpi ne, %convert_element_type3A, %cond3A : i32
      scf.if %cond3A_98 {
        %add3A_106 = arith.constant 1 : i32
        %add3A_107 = arith.addi %add3A_97, %add3A_106 : i32
        %ge3A = arith.constant 0 : i32
        %ge3A_108 = arith.cmpi sge, %add3A_107, %ge3A : i32
        %add3A_109 = arith.constant 1 : i32
        %add3A_110 = arith.addi %add3A_97, %add3A_109 : i32
        %lt3A_111 = arith.cmpi slt, %add3A_110, %select_n3A : i32
        %and3A_112 = arith.andi %ge3A_108, %lt3A_111 : i1
        %convert_element_type3A_113 = arith.extui %and3A_112 : i1 to i32
        %cond3A_114 = arith.constant 0 : i32
        %cond3A_115 = arith.cmpi ne, %convert_element_type3A_113, %cond3A_114 : i32
        scf.if %cond3A_115 {
          %le3A = arith.constant 0 : i32
          %le3A_121 = arith.cmpi sle, %add3A_97, %le3A : i32
          %convert_element_type3A_122 = arith.extui %le3A_121 : i1 to i32
          %cond3A_123 = arith.constant 0 : i32
          %cond3A_124 = arith.cmpi ne, %convert_element_type3A_122, %cond3A_123 : i32
          scf.if %cond3A_124 {
            %add3A_151 = arith.constant 1 : i32
            %add3A_152 = arith.addi %add3A_97, %add3A_151 : i32
            %mul3A_153 = arith.constant 16 : i32
            %mul3A_154 = arith.muli %mul3A_153, %add3A_152 : i32
            %add3A_155 = arith.addi %arg1, %mul3A_154 : i32
            %mul3A_156 = arith.constant 128 : i32
            %mul3A_157 = arith.muli %add3A_155, %mul3A_156 : i32
            %dma_start3A_158 = tpu.memref_slice %arg4[%mul3A_157] : memref<1600000xi32, #tpu.memory_space<hbm>> -> memref<128xi32, #tpu.memory_space<hbm>>
            %dma_start3A_159 = tpu.memref_slice %arg4[%mul3A_157] : memref<1600000xi32, #tpu.memory_space<hbm>> -> memref<128xi32, #tpu.memory_space<hbm>>
            tpu.enqueue_dma source(%dma_start3A_159 : memref<128xi32, #tpu.memory_space<hbm>>) target(%arg7 : memref<128xi32, #tpu.memory_space<vmem>>) target_semaphore(%arg33 : memref<!tpu.dma_semaphore, #tpu.memory_space<semaphore_mem>>)
            %dma_start3A_160 = tpu.memref_slice %arg5[%mul3A_157] : memref<1600000xi32, #tpu.memory_space<hbm>> -> memref<128xi32, #tpu.memory_space<hbm>>
            %dma_start3A_161 = tpu.memref_slice %arg5[%mul3A_157] : memref<1600000xi32, #tpu.memory_space<hbm>> -> memref<128xi32, #tpu.memory_space<hbm>>
            tpu.enqueue_dma source(%dma_start3A_161 : memref<128xi32, #tpu.memory_space<hbm>>) target(%arg9 : memref<128xi32, #tpu.memory_space<vmem>>) target_semaphore(%arg33 : memref<!tpu.dma_semaphore, #tpu.memory_space<semaphore_mem>>)
          } else {
          }
          %add3A_125 = arith.constant 1 : i32
          %add3A_126 = arith.addi %add3A_97, %add3A_125 : i32
          %mul3A_127 = arith.constant 16 : i32
          %mul3A_128 = arith.muli %mul3A_127, %add3A_126 : i32
          %add3A_129 = arith.addi %arg1, %mul3A_128 : i32
          %mul3A_130 = arith.constant 128 : i32
          %mul3A_131 = arith.muli %add3A_129, %mul3A_130 : i32
          %dma_wait3A_132 = tpu.memref_slice %arg4[%mul3A_131] : memref<1600000xi32, #tpu.memory_space<hbm>> -> memref<128xi32, #tpu.memory_space<hbm>>
          %dma_wait3A_133 = tpu.memref_slice %arg4[%mul3A_131] : memref<1600000xi32, #tpu.memory_space<hbm>> -> memref<128xi32, #tpu.memory_space<hbm>>
          tpu.wait_dma2 semaphore(%arg33 : memref<!tpu.dma_semaphore, #tpu.memory_space<semaphore_mem>>) src(%dma_wait3A_133 : memref<128xi32, #tpu.memory_space<hbm>>) dst(%arg7 : memref<128xi32, #tpu.memory_space<vmem>>)
          %dma_wait3A_134 = tpu.memref_slice %arg5[%mul3A_131] : memref<1600000xi32, #tpu.memory_space<hbm>> -> memref<128xi32, #tpu.memory_space<hbm>>
          %dma_wait3A_135 = tpu.memref_slice %arg5[%mul3A_131] : memref<1600000xi32, #tpu.memory_space<hbm>> -> memref<128xi32, #tpu.memory_space<hbm>>
          tpu.wait_dma2 semaphore(%arg33 : memref<!tpu.dma_semaphore, #tpu.memory_space<semaphore_mem>>) src(%dma_wait3A_135 : memref<128xi32, #tpu.memory_space<hbm>>) dst(%arg9 : memref<128xi32, #tpu.memory_space<vmem>>)
          %scan3A_136 = arith.constant 0 : i32
          %scan3A_137 = arith.constant 0 : i32
          %scan3A_138 = arith.constant 8 : i32
          %scan3A_139 = arith.addi %scan3A_137, %scan3A_138 : i32
          %scan3A_140 = arith.constant 1 : i32
          %scan3A_141 = scf.for %scan3A_151 = %scan3A_137 to %scan3A_139 step %scan3A_140 iter_args(%scan3A_152 = %scan3A_136) -> (i32)  : i32 {
            %mul3A_153 = arith.constant 16 : i32
            %mul3A_154 = arith.muli %scan3A_151, %mul3A_153 : i32
            %get3A = arith.index_cast %mul3A_154 : i32 to index
            %get3A_155 = tpu.vector_load %arg7[%get3A] {strides = array<i32>} : memref<128xi32, #tpu.memory_space<vmem>>, vector<16xi32>,
            %get3A_156 = arith.index_cast %mul3A_154 : i32 to index
            %get3A_157 = tpu.vector_load %arg9[%get3A_156] {strides = array<i32>} : memref<128xi32, #tpu.memory_space<vmem>>, vector<16xi32>,
            %mul3A_158 = arith.constant 2 : i32
            %mul3A_159 = vector.broadcast %mul3A_158 : i32 to vector<16xi32>
            %mul3A_160 = arith.muli %get3A_155, %mul3A_159 : vector<16xi32>
            %add3A_161 = vector.broadcast %arg0 : i32 to vector<16xi32>
            %add3A_162 = arith.addi %mul3A_160, %add3A_161 : vector<16xi32>
            %swap3A = arith.index_cast %mul3A_154 : i32 to index
            %swap3A_163 = tpu.vector_load %arg11[%swap3A] {strides = array<i32>} : memref<128xi32, #tpu.memory_space<vmem>>, vector<16xi32>,
            tpu.vector_store %arg11[%swap3A], %add3A_162 {strides = array<i32>} : memref<128xi32, #tpu.memory_space<vmem>>, vector<16xi32>,
            %shift_right_arithmetic3A = arith.constant 2 : i32
            %shift_right_arithmetic3A_164 = vector.broadcast %shift_right_arithmetic3A : i32 to vector<16xi32>
            %shift_right_arithmetic3A_165 = arith.shrsi %get3A_155, %shift_right_arithmetic3A_164 : vector<16xi32>
            %swap3A_166 = arith.index_cast %mul3A_154 : i32 to index
            %swap3A_167 = tpu.vector_load %arg13[%swap3A_166] {strides = array<i32>} : memref<128xi32, #tpu.memory_space<vmem>>, vector<16xi32>,
            tpu.vector_store %arg13[%swap3A_166], %shift_right_arithmetic3A_165 {strides = array<i32>} : memref<128xi32, #tpu.memory_space<vmem>>, vector<16xi32>,
            %shift_right_arithmetic3A_168 = arith.constant 2 : i32
            %shift_right_arithmetic3A_169 = vector.broadcast %shift_right_arithmetic3A_168 : i32 to vector<16xi32>
            %shift_right_arithmetic3A_170 = arith.shrsi %get3A_157, %shift_right_arithmetic3A_169 : vector<16xi32>
            %swap3A_171 = arith.index_cast %mul3A_154 : i32 to index
            %swap3A_172 = tpu.vector_load %arg15[%swap3A_171] {strides = array<i32>} : memref<128xi32, #tpu.memory_space<vmem>>, vector<16xi32>,
            tpu.vector_store %arg15[%swap3A_171], %shift_right_arithmetic3A_170 {strides = array<i32>} : memref<128xi32, #tpu.memory_space<vmem>>, vector<16xi32>,
            %scan3A_173 = arith.constant 0 : i32
            scf.yield %scan3A_173 : i32
          }
          %scan3A_142 = arith.constant 8 : i32
          %dma_start3A = arith.constant 0 : i32
          %dma_start3A_143 = arith.constant 0 : i32
          %dma_start3A_144 = tpu.memref_slice %arg2[%dma_start3A, %dma_start3A_143] : memref<25000x16xf32, #tpu.memory_space<hbm>> -> memref<25000x16xf32, #tpu.memory_space<hbm>>
          tpu.enqueue_indirect_dma source(%dma_start3A_144 : memref<25000x16xf32, #tpu.memory_space<hbm>>) target(%arg23 : memref<128x16xf32, #tpu.memory_space<vmem>>) offsets(%arg15 : memref<128xi32, #tpu.memory_space<vmem>>) semaphore(%arg35 : memref<!tpu.dma_semaphore, #tpu.memory_space<semaphore_mem>>)
          %dma_start3A_145 = arith.constant 0 : i32
          %dma_start3A_146 = arith.constant 0 : i32
          %dma_start3A_147 = tpu.memref_slice %arg2[%dma_start3A_145, %dma_start3A_146] : memref<25000x16xf32, #tpu.memory_space<hbm>> -> memref<25000x16xf32, #tpu.memory_space<hbm>>
          tpu.enqueue_indirect_dma source(%dma_start3A_147 : memref<25000x16xf32, #tpu.memory_space<hbm>>) target(%arg25 : memref<128x16xf32, #tpu.memory_space<vmem>>) offsets(%arg13 : memref<128xi32, #tpu.memory_space<vmem>>) semaphore(%arg35 : memref<!tpu.dma_semaphore, #tpu.memory_space<semaphore_mem>>)
          %dma_start3A_148 = arith.constant 0 : i32
          %dma_start3A_149 = arith.constant 0 : i32
          %dma_start3A_150 = tpu.memref_slice %arg3[%dma_start3A_148, %dma_start3A_149] : memref<200000x16xf32, #tpu.memory_space<hbm>> -> memref<200000x16xf32, #tpu.memory_space<hbm>>
          tpu.enqueue_indirect_dma source(%dma_start3A_150 : memref<200000x16xf32, #tpu.memory_space<hbm>>) target(%arg27 : memref<128x16xf32, #tpu.memory_space<vmem>>) offsets(%arg11 : memref<128xi32, #tpu.memory_space<vmem>>) semaphore(%arg35 : memref<!tpu.dma_semaphore, #tpu.memory_space<semaphore_mem>>)
        } else {
        }
        %ge3A_116 = arith.constant 0 : i32
        %ge3A_117 = arith.cmpi sge, %add3A_97, %ge3A_116 : i32
        %convert_element_type3A_118 = arith.extui %ge3A_117 : i1 to i32
        %cond3A_119 = arith.constant 0 : i32
        %cond3A_120 = arith.cmpi ne, %convert_element_type3A_118, %cond3A_119 : i32
        scf.if %cond3A_120 {
          %ge3A_121 = arith.constant 2 : i32
          %ge3A_122 = arith.cmpi sge, %add3A_97, %ge3A_121 : i32
          %convert_element_type3A_123 = arith.extui %ge3A_122 : i1 to i32
          %cond3A_124 = arith.constant 0 : i32
          %cond3A_125 = arith.cmpi ne, %convert_element_type3A_123, %cond3A_124 : i32
          scf.if %cond3A_125 {
            %dma_wait3A_157 = arith.constant 0 : i32
            %dma_wait3A_158 = arith.constant 0 : i32
            %dma_wait3A_159 = tpu.memref_slice %arg32[%dma_wait3A_157, %dma_wait3A_158] : memref<100000x16xf32, #tpu.memory_space<vmem_shared>> -> memref<100000x16xf32, #tpu.memory_space<vmem_shared>>
            tpu.wait_indirect_dma semaphore(%arg38 : memref<!tpu.dma_semaphore, #tpu.memory_space<semaphore_mem>>) src(%arg30 : memref<128x16xf32, #tpu.memory_space<vmem>>) dst(%dma_wait3A_159 : memref<100000x16xf32, #tpu.memory_space<vmem_shared>>)
          } else {
          }
          %scan3A_126 = arith.constant 0 : i32
          %scan3A_127 = arith.constant 0 : i32
          %scan3A_128 = arith.constant 8 : i32
          %scan3A_129 = arith.addi %scan3A_127, %scan3A_128 : i32
          %scan3A_130 = arith.constant 1 : i32
          %scan3A_131 = scf.for %scan3A_157 = %scan3A_127 to %scan3A_129 step %scan3A_130 iter_args(%scan3A_158 = %scan3A_126) -> (i32)  : i32 {
            %mul3A_159 = arith.constant 16 : i32
            %mul3A_160 = arith.muli %scan3A_157, %mul3A_159 : i32
            %get3A = arith.index_cast %mul3A_160 : i32 to index
            %get3A_161 = tpu.vector_load %arg8[%get3A] {strides = array<i32>} : memref<128xi32, #tpu.memory_space<vmem>>, vector<16xi32>,
            %get3A_162 = arith.index_cast %mul3A_160 : i32 to index
            %get3A_163 = tpu.vector_load %arg10[%get3A_162] {strides = array<i32>} : memref<128xi32, #tpu.memory_space<vmem>>, vector<16xi32>,
            %and3A_164 = arith.constant 3 : i32
            %and3A_165 = vector.broadcast %and3A_164 : i32 to vector<16xi32>
            %and3A_166 = arith.andi %get3A_161, %and3A_165 : vector<16xi32>
            %mul3A_167 = arith.constant 4 : i32
            %mul3A_168 = vector.broadcast %mul3A_167 : i32 to vector<16xi32>
            %mul3A_169 = arith.muli %and3A_166, %mul3A_168 : vector<16xi32>
            %swap3A = arith.index_cast %mul3A_160 : i32 to index
            %swap3A_170 = tpu.vector_load %arg20[%swap3A] {strides = array<i32>} : memref<128xi32, #tpu.memory_space<vmem>>, vector<16xi32>,
            tpu.vector_store %arg20[%swap3A], %mul3A_169 {strides = array<i32>} : memref<128xi32, #tpu.memory_space<vmem>>, vector<16xi32>,
            %and3A_171 = arith.constant 3 : i32
            %and3A_172 = vector.broadcast %and3A_171 : i32 to vector<16xi32>
            %and3A_173 = arith.andi %get3A_163, %and3A_172 : vector<16xi32>
            %mul3A_174 = arith.constant 4 : i32
            %mul3A_175 = vector.broadcast %mul3A_174 : i32 to vector<16xi32>
            %mul3A_176 = arith.muli %and3A_173, %mul3A_175 : vector<16xi32>
            %swap3A_177 = arith.index_cast %mul3A_160 : i32 to index
            %swap3A_178 = tpu.vector_load %arg18[%swap3A_177] {strides = array<i32>} : memref<128xi32, #tpu.memory_space<vmem>>, vector<16xi32>,
            tpu.vector_store %arg18[%swap3A_177], %mul3A_176 {strides = array<i32>} : memref<128xi32, #tpu.memory_space<vmem>>, vector<16xi32>,
            %swap3A_179 = arith.index_cast %mul3A_160 : i32 to index
            %swap3A_180 = tpu.vector_load %arg22[%swap3A_179] {strides = array<i32>} : memref<128xi32, #tpu.memory_space<vmem>>, vector<16xi32>,
            tpu.vector_store %arg22[%swap3A_179], %get3A_163 {strides = array<i32>} : memref<128xi32, #tpu.memory_space<vmem>>, vector<16xi32>,
            %scan3A_181 = arith.constant 0 : i32
            scf.yield %scan3A_181 : i32
          }
          %scan3A_132 = arith.constant 8 : i32
          %add3A_133 = arith.constant 2 : i32
          %add3A_134 = arith.addi %add3A_97, %add3A_133 : i32
          %lt3A_135 = arith.cmpi slt, %add3A_134, %select_n3A : i32
          %convert_element_type3A_136 = arith.extui %lt3A_135 : i1 to i32
          %cond3A_137 = arith.constant 0 : i32
          %cond3A_138 = arith.cmpi ne, %convert_element_type3A_136, %cond3A_137 : i32
          scf.if %cond3A_138 {
            %add3A_157 = arith.constant 2 : i32
            %add3A_158 = arith.addi %add3A_97, %add3A_157 : i32
            %mul3A_159 = arith.constant 16 : i32
            %mul3A_160 = arith.muli %mul3A_159, %add3A_158 : i32
            %add3A_161 = arith.addi %arg1, %mul3A_160 : i32
            %mul3A_162 = arith.constant 128 : i32
            %mul3A_163 = arith.muli %add3A_161, %mul3A_162 : i32
            %dma_start3A_164 = tpu.memref_slice %arg4[%mul3A_163] : memref<1600000xi32, #tpu.memory_space<hbm>> -> memref<128xi32, #tpu.memory_space<hbm>>
            %dma_start3A_165 = tpu.memref_slice %arg4[%mul3A_163] : memref<1600000xi32, #tpu.memory_space<hbm>> -> memref<128xi32, #tpu.memory_space<hbm>>
            tpu.enqueue_dma source(%dma_start3A_165 : memref<128xi32, #tpu.memory_space<hbm>>) target(%arg8 : memref<128xi32, #tpu.memory_space<vmem>>) target_semaphore(%arg34 : memref<!tpu.dma_semaphore, #tpu.memory_space<semaphore_mem>>)
            %dma_start3A_166 = tpu.memref_slice %arg5[%mul3A_163] : memref<1600000xi32, #tpu.memory_space<hbm>> -> memref<128xi32, #tpu.memory_space<hbm>>
            %dma_start3A_167 = tpu.memref_slice %arg5[%mul3A_163] : memref<1600000xi32, #tpu.memory_space<hbm>> -> memref<128xi32, #tpu.memory_space<hbm>>
            tpu.enqueue_dma source(%dma_start3A_167 : memref<128xi32, #tpu.memory_space<hbm>>) target(%arg10 : memref<128xi32, #tpu.memory_space<vmem>>) target_semaphore(%arg34 : memref<!tpu.dma_semaphore, #tpu.memory_space<semaphore_mem>>)
          } else {
          }
          %dma_wait3A_139 = arith.constant 0 : i32
          %dma_wait3A_140 = arith.constant 0 : i32
          %dma_wait3A_141 = tpu.memref_slice %arg2[%dma_wait3A_139, %dma_wait3A_140] : memref<25000x16xf32, #tpu.memory_space<hbm>> -> memref<25000x16xf32, #tpu.memory_space<hbm>>
          tpu.wait_indirect_dma semaphore(%arg36 : memref<!tpu.dma_semaphore, #tpu.memory_space<semaphore_mem>>) src(%dma_wait3A_141 : memref<25000x16xf32, #tpu.memory_space<hbm>>) dst(%arg24 : memref<128x16xf32, #tpu.memory_space<vmem>>)
          %dma_wait3A_142 = arith.constant 0 : i32
          %dma_wait3A_143 = arith.constant 0 : i32
          %dma_wait3A_144 = tpu.memref_slice %arg2[%dma_wait3A_142, %dma_wait3A_143] : memref<25000x16xf32, #tpu.memory_space<hbm>> -> memref<25000x16xf32, #tpu.memory_space<hbm>>
          tpu.wait_indirect_dma semaphore(%arg36 : memref<!tpu.dma_semaphore, #tpu.memory_space<semaphore_mem>>) src(%dma_wait3A_144 : memref<25000x16xf32, #tpu.memory_space<hbm>>) dst(%arg26 : memref<128x16xf32, #tpu.memory_space<vmem>>)
          %dma_wait3A_145 = arith.constant 0 : i32
          %dma_wait3A_146 = arith.constant 0 : i32
          %dma_wait3A_147 = tpu.memref_slice %arg3[%dma_wait3A_145, %dma_wait3A_146] : memref<200000x16xf32, #tpu.memory_space<hbm>> -> memref<200000x16xf32, #tpu.memory_space<hbm>>
          tpu.wait_indirect_dma semaphore(%arg36 : memref<!tpu.dma_semaphore, #tpu.memory_space<semaphore_mem>>) src(%dma_wait3A_147 : memref<200000x16xf32, #tpu.memory_space<hbm>>) dst(%arg28 : memref<128x16xf32, #tpu.memory_space<vmem>>)
          %scan3A_148 = arith.constant 0 : i32
          %scan3A_149 = arith.constant 0 : i32
          %scan3A_150 = arith.constant 8 : i32
          %scan3A_151 = arith.addi %scan3A_149, %scan3A_150 : i32
          %scan3A_152 = arith.constant 1 : i32
          %scan3A_153 = scf.for %scan3A_157 = %scan3A_149 to %scan3A_151 step %scan3A_152 iter_args(%scan3A_158 = %scan3A_148) -> (i32)  : i32 {
            %mul3A_159 = arith.constant 16 : i32
            %mul3A_160 = arith.muli %scan3A_157, %mul3A_159 : i32
            %iota3A = tpu.iota {dimensions = array<i32: 0>} : vector<16xi32>
            %add3A_161 = vector.broadcast %mul3A_160 : i32 to vector<16xi32>
            %add3A_162 = arith.addi %add3A_161, %iota3A : vector<16xi32>
            %mul3A_163 = arith.constant 16 : i32
            %mul3A_164 = arith.muli %scan3A_157, %mul3A_163 : i32
            %get3A = arith.index_cast %mul3A_164 : i32 to index
            %get3A_165 = tpu.vector_load %arg18[%get3A] {strides = array<i32>} : memref<128xi32, #tpu.memory_space<vmem>>, vector<16xi32>,
            %mul3A_166 = arith.constant 16 : i32
            %mul3A_167 = arith.muli %scan3A_157, %mul3A_166 : i32
            %get3A_168 = arith.index_cast %mul3A_167 : i32 to index
            %get3A_169 = tpu.vector_load %arg20[%get3A_168] {strides = array<i32>} : memref<128xi32, #tpu.memory_space<vmem>>, vector<16xi32>,
            %gather3A = tpu.vector_load_idx %arg24[%add3A_162, %get3A_165] : memref<128x16xf32, #tpu.memory_space<vmem>>[vector<16xi32>, vector<16xi32>], vector<16xf32>,
            %gather3A_170 = tpu.vector_load_idx %arg26[%add3A_162, %get3A_169] : memref<128x16xf32, #tpu.memory_space<vmem>>[vector<16xi32>, vector<16xi32>], vector<16xf32>,
            %sub3A_171 = arith.subf %gather3A, %gather3A_170 : vector<16xf32>
            %add3A_172 = arith.constant 1 : i32
            %add3A_173 = vector.broadcast %add3A_172 : i32 to vector<16xi32>
            %add3A_174 = arith.addi %get3A_165, %add3A_173 : vector<16xi32>
            %gather3A_175 = tpu.vector_load_idx %arg24[%add3A_162, %add3A_174] : memref<128x16xf32, #tpu.memory_space<vmem>>[vector<16xi32>, vector<16xi32>], vector<16xf32>,
            %add3A_176 = arith.constant 1 : i32
            %add3A_177 = vector.broadcast %add3A_176 : i32 to vector<16xi32>
            %add3A_178 = arith.addi %get3A_169, %add3A_177 : vector<16xi32>
            %gather3A_179 = tpu.vector_load_idx %arg26[%add3A_162, %add3A_178] : memref<128x16xf32, #tpu.memory_space<vmem>>[vector<16xi32>, vector<16xi32>], vector<16xf32>,
            %sub3A_180 = arith.subf %gather3A_175, %gather3A_179 : vector<16xf32>
            %add3A_181 = arith.constant 2 : i32
            %add3A_182 = vector.broadcast %add3A_181 : i32 to vector<16xi32>
            %add3A_183 = arith.addi %get3A_165, %add3A_182 : vector<16xi32>
            %gather3A_184 = tpu.vector_load_idx %arg24[%add3A_162, %add3A_183] : memref<128x16xf32, #tpu.memory_space<vmem>>[vector<16xi32>, vector<16xi32>], vector<16xf32>,
            %add3A_185 = arith.constant 2 : i32
            %add3A_186 = vector.broadcast %add3A_185 : i32 to vector<16xi32>
            %add3A_187 = arith.addi %get3A_169, %add3A_186 : vector<16xi32>
            %gather3A_188 = tpu.vector_load_idx %arg26[%add3A_162, %add3A_187] : memref<128x16xf32, #tpu.memory_space<vmem>>[vector<16xi32>, vector<16xi32>], vector<16xf32>,
            %sub3A_189 = arith.subf %gather3A_184, %gather3A_188 : vector<16xf32>
            %mul3A_190 = arith.mulf %sub3A_171, %sub3A_171 : vector<16xf32>
            %mul3A_191 = arith.mulf %sub3A_180, %sub3A_180 : vector<16xf32>
            %add3A_192 = arith.addf %mul3A_190, %mul3A_191 : vector<16xf32>
            %mul3A_193 = arith.mulf %sub3A_189, %sub3A_189 : vector<16xf32>
            %add3A_194 = arith.addf %add3A_192, %mul3A_193 : vector<16xf32>
            %bitcast3A = vector.bitcast %add3A_194 : vector<16xf32> to vector<16xi32>
            %shift_right_arithmetic3A = arith.constant 1 : i32
            %shift_right_arithmetic3A_195 = vector.broadcast %shift_right_arithmetic3A : i32 to vector<16xi32>
            %shift_right_arithmetic3A_196 = arith.shrsi %bitcast3A, %shift_right_arithmetic3A_195 : vector<16xi32>
            %sub3A_197 = arith.constant 1597463007 : i32
            %sub3A_198 = vector.broadcast %sub3A_197 : i32 to vector<16xi32>
            %sub3A_199 = arith.subi %sub3A_198, %shift_right_arithmetic3A_196 : vector<16xi32>
            %bitcast3A_200 = vector.bitcast %sub3A_199 : vector<16xi32> to vector<16xf32>
            %mul3A_201 = arith.constant 5.000000e-01 : f32
            %mul3A_202 = vector.broadcast %mul3A_201 : f32 to vector<16xf32>
            %mul3A_203 = arith.mulf %mul3A_202, %add3A_194 : vector<16xf32>
            %mul3A_204 = arith.mulf %mul3A_203, %bitcast3A_200 : vector<16xf32>
            %mul3A_205 = arith.mulf %mul3A_204, %bitcast3A_200 : vector<16xf32>
            %sub3A_206 = arith.constant 1.500000e+00 : f32
            %sub3A_207 = vector.broadcast %sub3A_206 : f32 to vector<16xf32>
            %sub3A_208 = arith.subf %sub3A_207, %mul3A_205 : vector<16xf32>
            %mul3A_209 = arith.mulf %bitcast3A_200, %sub3A_208 : vector<16xf32>
            %mul3A_210 = arith.constant 5.000000e-01 : f32
            %mul3A_211 = vector.broadcast %mul3A_210 : f32 to vector<16xf32>
            %mul3A_212 = arith.mulf %mul3A_211, %add3A_194 : vector<16xf32>
            %mul3A_213 = arith.mulf %mul3A_212, %mul3A_209 : vector<16xf32>
            %mul3A_214 = arith.mulf %mul3A_213, %mul3A_209 : vector<16xf32>
            %sub3A_215 = arith.constant 1.500000e+00 : f32
            %sub3A_216 = vector.broadcast %sub3A_215 : f32 to vector<16xf32>
            %sub3A_217 = arith.subf %sub3A_216, %mul3A_214 : vector<16xf32>
            %mul3A_218 = arith.mulf %mul3A_209, %sub3A_217 : vector<16xf32>
            %mul3A_219 = arith.constant 5.000000e-01 : f32
            %mul3A_220 = vector.broadcast %mul3A_219 : f32 to vector<16xf32>
            %mul3A_221 = arith.mulf %mul3A_220, %add3A_194 : vector<16xf32>
            %mul3A_222 = arith.mulf %mul3A_221, %mul3A_218 : vector<16xf32>
            %mul3A_223 = arith.mulf %mul3A_222, %mul3A_218 : vector<16xf32>
            %sub3A_224 = arith.constant 1.500000e+00 : f32
            %sub3A_225 = vector.broadcast %sub3A_224 : f32 to vector<16xf32>
            %sub3A_226 = arith.subf %sub3A_225, %mul3A_223 : vector<16xf32>
            %mul3A_227 = arith.mulf %mul3A_218, %sub3A_226 : vector<16xf32>
            %mul3A_228 = arith.mulf %add3A_194, %mul3A_227 : vector<16xf32>
            %add3A_229 = arith.constant 9.99999971E-10 : f32
            %add3A_230 = vector.broadcast %add3A_229 : f32 to vector<16xf32>
            %add3A_231 = arith.addf %mul3A_228, %add3A_230 : vector<16xf32>
            %div3A_232 = arith.constant 1.000000e+00 : f32
            %div3A_233 = vector.broadcast %div3A_232 : f32 to vector<16xf32>
            %div3A_234 = arith.divf %div3A_233, %add3A_231 : vector<16xf32>
            %mul3A_235 = arith.mulf %sub3A_171, %div3A_234 : vector<16xf32>
            %mul3A_236 = arith.mulf %sub3A_180, %div3A_234 : vector<16xf32>
            %mul3A_237 = arith.mulf %sub3A_189, %div3A_234 : vector<16xf32>
            %broadcast_in_dim3A_238 = arith.constant 0 : i32
            %broadcast_in_dim3A_239 = vector.broadcast %broadcast_in_dim3A_238 : i32 to vector<16xi32>
            %broadcast_in_dim3A_240 = arith.constant 1 : i32
            %broadcast_in_dim3A_241 = vector.broadcast %broadcast_in_dim3A_240 : i32 to vector<16xi32>
            %broadcast_in_dim3A_242 = arith.constant 2 : i32
            %broadcast_in_dim3A_243 = vector.broadcast %broadcast_in_dim3A_242 : i32 to vector<16xi32>
            %broadcast_in_dim3A_244 = arith.constant 3 : i32
            %broadcast_in_dim3A_245 = vector.broadcast %broadcast_in_dim3A_244 : i32 to vector<16xi32>
            %gather3A_246 = tpu.vector_load_idx %arg28[%add3A_162, %broadcast_in_dim3A_239] : memref<128x16xf32, #tpu.memory_space<vmem>>[vector<16xi32>, vector<16xi32>], vector<16xf32>,
            %gather3A_247 = tpu.vector_load_idx %arg28[%add3A_162, %broadcast_in_dim3A_241] : memref<128x16xf32, #tpu.memory_space<vmem>>[vector<16xi32>, vector<16xi32>], vector<16xf32>,
            %gather3A_248 = tpu.vector_load_idx %arg28[%add3A_162, %broadcast_in_dim3A_243] : memref<128x16xf32, #tpu.memory_space<vmem>>[vector<16xi32>, vector<16xi32>], vector<16xf32>,
            %gather3A_249 = tpu.vector_load_idx %arg28[%add3A_162, %broadcast_in_dim3A_245] : memref<128x16xf32, #tpu.memory_space<vmem>>[vector<16xi32>, vector<16xi32>], vector<16xf32>,
            %mul3A_250 = arith.mulf %gather3A_247, %mul3A_235 : vector<16xf32>
            %mul3A_251 = arith.mulf %gather3A_248, %mul3A_236 : vector<16xf32>
            %add3A_252 = arith.addf %mul3A_250, %mul3A_251 : vector<16xf32>
            %mul3A_253 = arith.mulf %gather3A_249, %mul3A_237 : vector<16xf32>
            %add3A_254 = arith.addf %add3A_252, %mul3A_253 : vector<16xf32>
            %mul3A_255 = arith.constant 0.577350259 : f32
            %mul3A_256 = vector.broadcast %mul3A_255 : f32 to vector<16xf32>
            %mul3A_257 = arith.mulf %add3A_254, %mul3A_256 : vector<16xf32>
            %add3A_258 = arith.addf %gather3A_246, %mul3A_257 : vector<16xf32>
            %mul3A_259 = arith.mulf %gather3A_246, %mul3A_235 : vector<16xf32>
            %add3A_260 = arith.addf %mul3A_259, %gather3A_247 : vector<16xf32>
            %mul3A_261 = arith.mulf %gather3A_248, %mul3A_237 : vector<16xf32>
            %mul3A_262 = arith.mulf %gather3A_249, %mul3A_236 : vector<16xf32>
            %sub3A_263 = arith.subf %mul3A_261, %mul3A_262 : vector<16xf32>
            %mul3A_264 = arith.constant 0.707106769 : f32
            %mul3A_265 = vector.broadcast %mul3A_264 : f32 to vector<16xf32>
            %mul3A_266 = arith.mulf %sub3A_263, %mul3A_265 : vector<16xf32>
            %add3A_267 = arith.addf %add3A_260, %mul3A_266 : vector<16xf32>
            %mul3A_268 = arith.mulf %gather3A_246, %mul3A_236 : vector<16xf32>
            %add3A_269 = arith.addf %mul3A_268, %gather3A_248 : vector<16xf32>
            %mul3A_270 = arith.mulf %gather3A_249, %mul3A_235 : vector<16xf32>
            %mul3A_271 = arith.mulf %gather3A_247, %mul3A_237 : vector<16xf32>
            %sub3A_272 = arith.subf %mul3A_270, %mul3A_271 : vector<16xf32>
            %mul3A_273 = arith.constant 0.707106769 : f32
            %mul3A_274 = vector.broadcast %mul3A_273 : f32 to vector<16xf32>
            %mul3A_275 = arith.mulf %sub3A_272, %mul3A_274 : vector<16xf32>
            %add3A_276 = arith.addf %add3A_269, %mul3A_275 : vector<16xf32>
            %mul3A_277 = arith.mulf %gather3A_246, %mul3A_237 : vector<16xf32>
            %add3A_278 = arith.addf %mul3A_277, %gather3A_249 : vector<16xf32>
            %mul3A_279 = arith.mulf %gather3A_247, %mul3A_236 : vector<16xf32>
            %mul3A_280 = arith.mulf %gather3A_248, %mul3A_235 : vector<16xf32>
            %sub3A_281 = arith.subf %mul3A_279, %mul3A_280 : vector<16xf32>
            %mul3A_282 = arith.constant 0.707106769 : f32
            %mul3A_283 = vector.broadcast %mul3A_282 : f32 to vector<16xf32>
            %mul3A_284 = arith.mulf %sub3A_281, %mul3A_283 : vector<16xf32>
            %add3A_285 = arith.addf %add3A_278, %mul3A_284 : vector<16xf32>
            tpu.vector_store_idx %arg30[%add3A_162, %broadcast_in_dim3A_239], %add3A_258 : memref<128x16xf32, #tpu.memory_space<vmem>>[vector<16xi32>, vector<16xi32>], vector<16xf32>,
            tpu.vector_store_idx %arg30[%add3A_162, %broadcast_in_dim3A_241], %add3A_267 : memref<128x16xf32, #tpu.memory_space<vmem>>[vector<16xi32>, vector<16xi32>], vector<16xf32>,
            tpu.vector_store_idx %arg30[%add3A_162, %broadcast_in_dim3A_243], %add3A_276 : memref<128x16xf32, #tpu.memory_space<vmem>>[vector<16xi32>, vector<16xi32>], vector<16xf32>,
            tpu.vector_store_idx %arg30[%add3A_162, %broadcast_in_dim3A_245], %add3A_285 : memref<128x16xf32, #tpu.memory_space<vmem>>[vector<16xi32>, vector<16xi32>], vector<16xf32>,
            %broadcast_in_dim3A_286 = arith.constant 4 : i32
            %broadcast_in_dim3A_287 = vector.broadcast %broadcast_in_dim3A_286 : i32 to vector<16xi32>
            %broadcast_in_dim3A_288 = arith.constant 5 : i32
            %broadcast_in_dim3A_289 = vector.broadcast %broadcast_in_dim3A_288 : i32 to vector<16xi32>
            %broadcast_in_dim3A_290 = arith.constant 6 : i32
            %broadcast_in_dim3A_291 = vector.broadcast %broadcast_in_dim3A_290 : i32 to vector<16xi32>
            %broadcast_in_dim3A_292 = arith.constant 7 : i32
            %broadcast_in_dim3A_293 = vector.broadcast %broadcast_in_dim3A_292 : i32 to vector<16xi32>
            %gather3A_294 = tpu.vector_load_idx %arg28[%add3A_162, %broadcast_in_dim3A_287] : memref<128x16xf32, #tpu.memory_space<vmem>>[vector<16xi32>, vector<16xi32>], vector<16xf32>,
            %gather3A_295 = tpu.vector_load_idx %arg28[%add3A_162, %broadcast_in_dim3A_289] : memref<128x16xf32, #tpu.memory_space<vmem>>[vector<16xi32>, vector<16xi32>], vector<16xf32>,
            %gather3A_296 = tpu.vector_load_idx %arg28[%add3A_162, %broadcast_in_dim3A_291] : memref<128x16xf32, #tpu.memory_space<vmem>>[vector<16xi32>, vector<16xi32>], vector<16xf32>,
            %gather3A_297 = tpu.vector_load_idx %arg28[%add3A_162, %broadcast_in_dim3A_293] : memref<128x16xf32, #tpu.memory_space<vmem>>[vector<16xi32>, vector<16xi32>], vector<16xf32>,
            %mul3A_298 = arith.mulf %gather3A_295, %mul3A_235 : vector<16xf32>
            %mul3A_299 = arith.mulf %gather3A_296, %mul3A_236 : vector<16xf32>
            %add3A_300 = arith.addf %mul3A_298, %mul3A_299 : vector<16xf32>
            %mul3A_301 = arith.mulf %gather3A_297, %mul3A_237 : vector<16xf32>
            %add3A_302 = arith.addf %add3A_300, %mul3A_301 : vector<16xf32>
            %mul3A_303 = arith.constant 0.577350259 : f32
            %mul3A_304 = vector.broadcast %mul3A_303 : f32 to vector<16xf32>
            %mul3A_305 = arith.mulf %add3A_302, %mul3A_304 : vector<16xf32>
            %add3A_306 = arith.addf %gather3A_294, %mul3A_305 : vector<16xf32>
            %mul3A_307 = arith.mulf %gather3A_294, %mul3A_235 : vector<16xf32>
            %add3A_308 = arith.addf %mul3A_307, %gather3A_295 : vector<16xf32>
            %mul3A_309 = arith.mulf %gather3A_296, %mul3A_237 : vector<16xf32>
            %mul3A_310 = arith.mulf %gather3A_297, %mul3A_236 : vector<16xf32>
            %sub3A_311 = arith.subf %mul3A_309, %mul3A_310 : vector<16xf32>
            %mul3A_312 = arith.constant 0.707106769 : f32
            %mul3A_313 = vector.broadcast %mul3A_312 : f32 to vector<16xf32>
            %mul3A_314 = arith.mulf %sub3A_311, %mul3A_313 : vector<16xf32>
            %add3A_315 = arith.addf %add3A_308, %mul3A_314 : vector<16xf32>
            %mul3A_316 = arith.mulf %gather3A_294, %mul3A_236 : vector<16xf32>
            %add3A_317 = arith.addf %mul3A_316, %gather3A_296 : vector<16xf32>
            %mul3A_318 = arith.mulf %gather3A_297, %mul3A_235 : vector<16xf32>
            %mul3A_319 = arith.mulf %gather3A_295, %mul3A_237 : vector<16xf32>
            %sub3A_320 = arith.subf %mul3A_318, %mul3A_319 : vector<16xf32>
            %mul3A_321 = arith.constant 0.707106769 : f32
            %mul3A_322 = vector.broadcast %mul3A_321 : f32 to vector<16xf32>
            %mul3A_323 = arith.mulf %sub3A_320, %mul3A_322 : vector<16xf32>
            %add3A_324 = arith.addf %add3A_317, %mul3A_323 : vector<16xf32>
            %mul3A_325 = arith.mulf %gather3A_294, %mul3A_237 : vector<16xf32>
            %add3A_326 = arith.addf %mul3A_325, %gather3A_297 : vector<16xf32>
            %mul3A_327 = arith.mulf %gather3A_295, %mul3A_236 : vector<16xf32>
            %mul3A_328 = arith.mulf %gather3A_296, %mul3A_235 : vector<16xf32>
            %sub3A_329 = arith.subf %mul3A_327, %mul3A_328 : vector<16xf32>
            %mul3A_330 = arith.constant 0.707106769 : f32
            %mul3A_331 = vector.broadcast %mul3A_330 : f32 to vector<16xf32>
            %mul3A_332 = arith.mulf %sub3A_329, %mul3A_331 : vector<16xf32>
            %add3A_333 = arith.addf %add3A_326, %mul3A_332 : vector<16xf32>
            tpu.vector_store_idx %arg30[%add3A_162, %broadcast_in_dim3A_287], %add3A_306 : memref<128x16xf32, #tpu.memory_space<vmem>>[vector<16xi32>, vector<16xi32>], vector<16xf32>,
            tpu.vector_store_idx %arg30[%add3A_162, %broadcast_in_dim3A_289], %add3A_315 : memref<128x16xf32, #tpu.memory_space<vmem>>[vector<16xi32>, vector<16xi32>], vector<16xf32>,
            tpu.vector_store_idx %arg30[%add3A_162, %broadcast_in_dim3A_291], %add3A_324 : memref<128x16xf32, #tpu.memory_space<vmem>>[vector<16xi32>, vector<16xi32>], vector<16xf32>,
            tpu.vector_store_idx %arg30[%add3A_162, %broadcast_in_dim3A_293], %add3A_333 : memref<128x16xf32, #tpu.memory_space<vmem>>[vector<16xi32>, vector<16xi32>], vector<16xf32>,
            %broadcast_in_dim3A_334 = arith.constant 8 : i32
            %broadcast_in_dim3A_335 = vector.broadcast %broadcast_in_dim3A_334 : i32 to vector<16xi32>
            %broadcast_in_dim3A_336 = arith.constant 9 : i32
            %broadcast_in_dim3A_337 = vector.broadcast %broadcast_in_dim3A_336 : i32 to vector<16xi32>
            %broadcast_in_dim3A_338 = arith.constant 10 : i32
            %broadcast_in_dim3A_339 = vector.broadcast %broadcast_in_dim3A_338 : i32 to vector<16xi32>
            %broadcast_in_dim3A_340 = arith.constant 11 : i32
            %broadcast_in_dim3A_341 = vector.broadcast %broadcast_in_dim3A_340 : i32 to vector<16xi32>
            %gather3A_342 = tpu.vector_load_idx %arg28[%add3A_162, %broadcast_in_dim3A_335] : memref<128x16xf32, #tpu.memory_space<vmem>>[vector<16xi32>, vector<16xi32>], vector<16xf32>,
            %gather3A_343 = tpu.vector_load_idx %arg28[%add3A_162, %broadcast_in_dim3A_337] : memref<128x16xf32, #tpu.memory_space<vmem>>[vector<16xi32>, vector<16xi32>], vector<16xf32>,
            %gather3A_344 = tpu.vector_load_idx %arg28[%add3A_162, %broadcast_in_dim3A_339] : memref<128x16xf32, #tpu.memory_space<vmem>>[vector<16xi32>, vector<16xi32>], vector<16xf32>,
            %gather3A_345 = tpu.vector_load_idx %arg28[%add3A_162, %broadcast_in_dim3A_341] : memref<128x16xf32, #tpu.memory_space<vmem>>[vector<16xi32>, vector<16xi32>], vector<16xf32>,
            %mul3A_346 = arith.mulf %gather3A_343, %mul3A_235 : vector<16xf32>
            %mul3A_347 = arith.mulf %gather3A_344, %mul3A_236 : vector<16xf32>
            %add3A_348 = arith.addf %mul3A_346, %mul3A_347 : vector<16xf32>
            %mul3A_349 = arith.mulf %gather3A_345, %mul3A_237 : vector<16xf32>
            %add3A_350 = arith.addf %add3A_348, %mul3A_349 : vector<16xf32>
            %mul3A_351 = arith.constant 0.577350259 : f32
            %mul3A_352 = vector.broadcast %mul3A_351 : f32 to vector<16xf32>
            %mul3A_353 = arith.mulf %add3A_350, %mul3A_352 : vector<16xf32>
            %add3A_354 = arith.addf %gather3A_342, %mul3A_353 : vector<16xf32>
            %mul3A_355 = arith.mulf %gather3A_342, %mul3A_235 : vector<16xf32>
            %add3A_356 = arith.addf %mul3A_355, %gather3A_343 : vector<16xf32>
            %mul3A_357 = arith.mulf %gather3A_344, %mul3A_237 : vector<16xf32>
            %mul3A_358 = arith.mulf %gather3A_345, %mul3A_236 : vector<16xf32>
            %sub3A_359 = arith.subf %mul3A_357, %mul3A_358 : vector<16xf32>
            %mul3A_360 = arith.constant 0.707106769 : f32
            %mul3A_361 = vector.broadcast %mul3A_360 : f32 to vector<16xf32>
            %mul3A_362 = arith.mulf %sub3A_359, %mul3A_361 : vector<16xf32>
            %add3A_363 = arith.addf %add3A_356, %mul3A_362 : vector<16xf32>
            %mul3A_364 = arith.mulf %gather3A_342, %mul3A_236 : vector<16xf32>
            %add3A_365 = arith.addf %mul3A_364, %gather3A_344 : vector<16xf32>
            %mul3A_366 = arith.mulf %gather3A_345, %mul3A_235 : vector<16xf32>
            %mul3A_367 = arith.mulf %gather3A_343, %mul3A_237 : vector<16xf32>
            %sub3A_368 = arith.subf %mul3A_366, %mul3A_367 : vector<16xf32>
            %mul3A_369 = arith.constant 0.707106769 : f32
            %mul3A_370 = vector.broadcast %mul3A_369 : f32 to vector<16xf32>
            %mul3A_371 = arith.mulf %sub3A_368, %mul3A_370 : vector<16xf32>
            %add3A_372 = arith.addf %add3A_365, %mul3A_371 : vector<16xf32>
            %mul3A_373 = arith.mulf %gather3A_342, %mul3A_237 : vector<16xf32>
            %add3A_374 = arith.addf %mul3A_373, %gather3A_345 : vector<16xf32>
            %mul3A_375 = arith.mulf %gather3A_343, %mul3A_236 : vector<16xf32>
            %mul3A_376 = arith.mulf %gather3A_344, %mul3A_235 : vector<16xf32>
            %sub3A_377 = arith.subf %mul3A_375, %mul3A_376 : vector<16xf32>
            %mul3A_378 = arith.constant 0.707106769 : f32
            %mul3A_379 = vector.broadcast %mul3A_378 : f32 to vector<16xf32>
            %mul3A_380 = arith.mulf %sub3A_377, %mul3A_379 : vector<16xf32>
            %add3A_381 = arith.addf %add3A_374, %mul3A_380 : vector<16xf32>
            tpu.vector_store_idx %arg30[%add3A_162, %broadcast_in_dim3A_335], %add3A_354 : memref<128x16xf32, #tpu.memory_space<vmem>>[vector<16xi32>, vector<16xi32>], vector<16xf32>,
            tpu.vector_store_idx %arg30[%add3A_162, %broadcast_in_dim3A_337], %add3A_363 : memref<128x16xf32, #tpu.memory_space<vmem>>[vector<16xi32>, vector<16xi32>], vector<16xf32>,
            tpu.vector_store_idx %arg30[%add3A_162, %broadcast_in_dim3A_339], %add3A_372 : memref<128x16xf32, #tpu.memory_space<vmem>>[vector<16xi32>, vector<16xi32>], vector<16xf32>,
            tpu.vector_store_idx %arg30[%add3A_162, %broadcast_in_dim3A_341], %add3A_381 : memref<128x16xf32, #tpu.memory_space<vmem>>[vector<16xi32>, vector<16xi32>], vector<16xf32>,
            %broadcast_in_dim3A_382 = arith.constant 12 : i32
            %broadcast_in_dim3A_383 = vector.broadcast %broadcast_in_dim3A_382 : i32 to vector<16xi32>
            %broadcast_in_dim3A_384 = arith.constant 13 : i32
            %broadcast_in_dim3A_385 = vector.broadcast %broadcast_in_dim3A_384 : i32 to vector<16xi32>
            %broadcast_in_dim3A_386 = arith.constant 14 : i32
            %broadcast_in_dim3A_387 = vector.broadcast %broadcast_in_dim3A_386 : i32 to vector<16xi32>
            %broadcast_in_dim3A_388 = arith.constant 15 : i32
            %broadcast_in_dim3A_389 = vector.broadcast %broadcast_in_dim3A_388 : i32 to vector<16xi32>
            %gather3A_390 = tpu.vector_load_idx %arg28[%add3A_162, %broadcast_in_dim3A_383] : memref<128x16xf32, #tpu.memory_space<vmem>>[vector<16xi32>, vector<16xi32>], vector<16xf32>,
            %gather3A_391 = tpu.vector_load_idx %arg28[%add3A_162, %broadcast_in_dim3A_385] : memref<128x16xf32, #tpu.memory_space<vmem>>[vector<16xi32>, vector<16xi32>], vector<16xf32>,
            %gather3A_392 = tpu.vector_load_idx %arg28[%add3A_162, %broadcast_in_dim3A_387] : memref<128x16xf32, #tpu.memory_space<vmem>>[vector<16xi32>, vector<16xi32>], vector<16xf32>,
            %gather3A_393 = tpu.vector_load_idx %arg28[%add3A_162, %broadcast_in_dim3A_389] : memref<128x16xf32, #tpu.memory_space<vmem>>[vector<16xi32>, vector<16xi32>], vector<16xf32>,
            %mul3A_394 = arith.mulf %gather3A_391, %mul3A_235 : vector<16xf32>
            %mul3A_395 = arith.mulf %gather3A_392, %mul3A_236 : vector<16xf32>
            %add3A_396 = arith.addf %mul3A_394, %mul3A_395 : vector<16xf32>
            %mul3A_397 = arith.mulf %gather3A_393, %mul3A_237 : vector<16xf32>
            %add3A_398 = arith.addf %add3A_396, %mul3A_397 : vector<16xf32>
            %mul3A_399 = arith.constant 0.577350259 : f32
            %mul3A_400 = vector.broadcast %mul3A_399 : f32 to vector<16xf32>
            %mul3A_401 = arith.mulf %add3A_398, %mul3A_400 : vector<16xf32>
            %add3A_402 = arith.addf %gather3A_390, %mul3A_401 : vector<16xf32>
            %mul3A_403 = arith.mulf %gather3A_390, %mul3A_235 : vector<16xf32>
            %add3A_404 = arith.addf %mul3A_403, %gather3A_391 : vector<16xf32>
            %mul3A_405 = arith.mulf %gather3A_392, %mul3A_237 : vector<16xf32>
            %mul3A_406 = arith.mulf %gather3A_393, %mul3A_236 : vector<16xf32>
            %sub3A_407 = arith.subf %mul3A_405, %mul3A_406 : vector<16xf32>
            %mul3A_408 = arith.constant 0.707106769 : f32
            %mul3A_409 = vector.broadcast %mul3A_408 : f32 to vector<16xf32>
            %mul3A_410 = arith.mulf %sub3A_407, %mul3A_409 : vector<16xf32>
            %add3A_411 = arith.addf %add3A_404, %mul3A_410 : vector<16xf32>
            %mul3A_412 = arith.mulf %gather3A_390, %mul3A_236 : vector<16xf32>
            %add3A_413 = arith.addf %mul3A_412, %gather3A_392 : vector<16xf32>
            %mul3A_414 = arith.mulf %gather3A_393, %mul3A_235 : vector<16xf32>
            %mul3A_415 = arith.mulf %gather3A_391, %mul3A_237 : vector<16xf32>
            %sub3A_416 = arith.subf %mul3A_414, %mul3A_415 : vector<16xf32>
            %mul3A_417 = arith.constant 0.707106769 : f32
            %mul3A_418 = vector.broadcast %mul3A_417 : f32 to vector<16xf32>
            %mul3A_419 = arith.mulf %sub3A_416, %mul3A_418 : vector<16xf32>
            %add3A_420 = arith.addf %add3A_413, %mul3A_419 : vector<16xf32>
            %mul3A_421 = arith.mulf %gather3A_390, %mul3A_237 : vector<16xf32>
            %add3A_422 = arith.addf %mul3A_421, %gather3A_393 : vector<16xf32>
            %mul3A_423 = arith.mulf %gather3A_391, %mul3A_236 : vector<16xf32>
            %mul3A_424 = arith.mulf %gather3A_392, %mul3A_235 : vector<16xf32>
            %sub3A_425 = arith.subf %mul3A_423, %mul3A_424 : vector<16xf32>
            %mul3A_426 = arith.constant 0.707106769 : f32
            %mul3A_427 = vector.broadcast %mul3A_426 : f32 to vector<16xf32>
            %mul3A_428 = arith.mulf %sub3A_425, %mul3A_427 : vector<16xf32>
            %add3A_429 = arith.addf %add3A_422, %mul3A_428 : vector<16xf32>
            tpu.vector_store_idx %arg30[%add3A_162, %broadcast_in_dim3A_383], %add3A_402 : memref<128x16xf32, #tpu.memory_space<vmem>>[vector<16xi32>, vector<16xi32>], vector<16xf32>,
            tpu.vector_store_idx %arg30[%add3A_162, %broadcast_in_dim3A_385], %add3A_411 : memref<128x16xf32, #tpu.memory_space<vmem>>[vector<16xi32>, vector<16xi32>], vector<16xf32>,
            tpu.vector_store_idx %arg30[%add3A_162, %broadcast_in_dim3A_387], %add3A_420 : memref<128x16xf32, #tpu.memory_space<vmem>>[vector<16xi32>, vector<16xi32>], vector<16xf32>,
            tpu.vector_store_idx %arg30[%add3A_162, %broadcast_in_dim3A_389], %add3A_429 : memref<128x16xf32, #tpu.memory_space<vmem>>[vector<16xi32>, vector<16xi32>], vector<16xf32>,
            %scan3A_430 = arith.constant 0 : i32
            scf.yield %scan3A_430 : i32
          }
          %scan3A_154 = arith.constant 8 : i32
          %dma_start3A = arith.constant 0 : i32
          %dma_start3A_155 = arith.constant 0 : i32
          %dma_start3A_156 = tpu.memref_slice %arg32[%dma_start3A, %dma_start3A_155] : memref<100000x16xf32, #tpu.memory_space<vmem_shared>> -> memref<100000x16xf32, #tpu.memory_space<vmem_shared>>
          tpu.enqueue_indirect_dma source(%arg30 : memref<128x16xf32, #tpu.memory_space<vmem>>) target(%dma_start3A_156 : memref<100000x16xf32, #tpu.memory_space<vmem_shared>>) offsets(%arg22 : memref<128xi32, #tpu.memory_space<vmem>>) semaphore(%arg38 : memref<!tpu.dma_semaphore, #tpu.memory_space<semaphore_mem>>) {add = true}
        } else {
        }
      } else {
      }
      %add3A_99 = arith.constant 1 : i32
      %add3A_100 = arith.addi %sub3A_95, %add3A_99 : i32
      %lt3A_101 = arith.cmpi slt, %add3A_100, %select_n3A : i32
      %convert_element_type3A_102 = arith.extui %lt3A_101 : i1 to i32
      %cond3A_103 = arith.constant 0 : i32
      %cond3A_104 = arith.cmpi ne, %convert_element_type3A_102, %cond3A_103 : i32
      scf.if %cond3A_104 {
        %add3A_106 = arith.constant 1 : i32
        %add3A_107 = arith.addi %add3A_100, %add3A_106 : i32
        %ge3A = arith.constant 0 : i32
        %ge3A_108 = arith.cmpi sge, %add3A_107, %ge3A : i32
        %add3A_109 = arith.constant 1 : i32
        %add3A_110 = arith.addi %add3A_100, %add3A_109 : i32
        %lt3A_111 = arith.cmpi slt, %add3A_110, %select_n3A : i32
        %and3A_112 = arith.andi %ge3A_108, %lt3A_111 : i1
        %convert_element_type3A_113 = arith.extui %and3A_112 : i1 to i32
        %cond3A_114 = arith.constant 0 : i32
        %cond3A_115 = arith.cmpi ne, %convert_element_type3A_113, %cond3A_114 : i32
        scf.if %cond3A_115 {
          %le3A = arith.constant 0 : i32
          %le3A_121 = arith.cmpi sle, %add3A_100, %le3A : i32
          %convert_element_type3A_122 = arith.extui %le3A_121 : i1 to i32
          %cond3A_123 = arith.constant 0 : i32
          %cond3A_124 = arith.cmpi ne, %convert_element_type3A_122, %cond3A_123 : i32
          scf.if %cond3A_124 {
            %add3A_151 = arith.constant 1 : i32
            %add3A_152 = arith.addi %add3A_100, %add3A_151 : i32
            %mul3A_153 = arith.constant 16 : i32
            %mul3A_154 = arith.muli %mul3A_153, %add3A_152 : i32
            %add3A_155 = arith.addi %arg1, %mul3A_154 : i32
            %mul3A_156 = arith.constant 128 : i32
            %mul3A_157 = arith.muli %add3A_155, %mul3A_156 : i32
            %dma_start3A_158 = tpu.memref_slice %arg4[%mul3A_157] : memref<1600000xi32, #tpu.memory_space<hbm>> -> memref<128xi32, #tpu.memory_space<hbm>>
            %dma_start3A_159 = tpu.memref_slice %arg4[%mul3A_157] : memref<1600000xi32, #tpu.memory_space<hbm>> -> memref<128xi32, #tpu.memory_space<hbm>>
            tpu.enqueue_dma source(%dma_start3A_159 : memref<128xi32, #tpu.memory_space<hbm>>) target(%arg8 : memref<128xi32, #tpu.memory_space<vmem>>) target_semaphore(%arg34 : memref<!tpu.dma_semaphore, #tpu.memory_space<semaphore_mem>>)
            %dma_start3A_160 = tpu.memref_slice %arg5[%mul3A_157] : memref<1600000xi32, #tpu.memory_space<hbm>> -> memref<128xi32, #tpu.memory_space<hbm>>
            %dma_start3A_161 = tpu.memref_slice %arg5[%mul3A_157] : memref<1600000xi32, #tpu.memory_space<hbm>> -> memref<128xi32, #tpu.memory_space<hbm>>
            tpu.enqueue_dma source(%dma_start3A_161 : memref<128xi32, #tpu.memory_space<hbm>>) target(%arg10 : memref<128xi32, #tpu.memory_space<vmem>>) target_semaphore(%arg34 : memref<!tpu.dma_semaphore, #tpu.memory_space<semaphore_mem>>)
          } else {
          }
          %add3A_125 = arith.constant 1 : i32
          %add3A_126 = arith.addi %add3A_100, %add3A_125 : i32
          %mul3A_127 = arith.constant 16 : i32
          %mul3A_128 = arith.muli %mul3A_127, %add3A_126 : i32
          %add3A_129 = arith.addi %arg1, %mul3A_128 : i32
          %mul3A_130 = arith.constant 128 : i32
          %mul3A_131 = arith.muli %add3A_129, %mul3A_130 : i32
          %dma_wait3A_132 = tpu.memref_slice %arg4[%mul3A_131] : memref<1600000xi32, #tpu.memory_space<hbm>> -> memref<128xi32, #tpu.memory_space<hbm>>
          %dma_wait3A_133 = tpu.memref_slice %arg4[%mul3A_131] : memref<1600000xi32, #tpu.memory_space<hbm>> -> memref<128xi32, #tpu.memory_space<hbm>>
          tpu.wait_dma2 semaphore(%arg34 : memref<!tpu.dma_semaphore, #tpu.memory_space<semaphore_mem>>) src(%dma_wait3A_133 : memref<128xi32, #tpu.memory_space<hbm>>) dst(%arg8 : memref<128xi32, #tpu.memory_space<vmem>>)
          %dma_wait3A_134 = tpu.memref_slice %arg5[%mul3A_131] : memref<1600000xi32, #tpu.memory_space<hbm>> -> memref<128xi32, #tpu.memory_space<hbm>>
          %dma_wait3A_135 = tpu.memref_slice %arg5[%mul3A_131] : memref<1600000xi32, #tpu.memory_space<hbm>> -> memref<128xi32, #tpu.memory_space<hbm>>
          tpu.wait_dma2 semaphore(%arg34 : memref<!tpu.dma_semaphore, #tpu.memory_space<semaphore_mem>>) src(%dma_wait3A_135 : memref<128xi32, #tpu.memory_space<hbm>>) dst(%arg10 : memref<128xi32, #tpu.memory_space<vmem>>)
          %scan3A_136 = arith.constant 0 : i32
          %scan3A_137 = arith.constant 0 : i32
          %scan3A_138 = arith.constant 8 : i32
          %scan3A_139 = arith.addi %scan3A_137, %scan3A_138 : i32
          %scan3A_140 = arith.constant 1 : i32
          %scan3A_141 = scf.for %scan3A_151 = %scan3A_137 to %scan3A_139 step %scan3A_140 iter_args(%scan3A_152 = %scan3A_136) -> (i32)  : i32 {
            %mul3A_153 = arith.constant 16 : i32
            %mul3A_154 = arith.muli %scan3A_151, %mul3A_153 : i32
            %get3A = arith.index_cast %mul3A_154 : i32 to index
            %get3A_155 = tpu.vector_load %arg8[%get3A] {strides = array<i32>} : memref<128xi32, #tpu.memory_space<vmem>>, vector<16xi32>,
            %get3A_156 = arith.index_cast %mul3A_154 : i32 to index
            %get3A_157 = tpu.vector_load %arg10[%get3A_156] {strides = array<i32>} : memref<128xi32, #tpu.memory_space<vmem>>, vector<16xi32>,
            %mul3A_158 = arith.constant 2 : i32
            %mul3A_159 = vector.broadcast %mul3A_158 : i32 to vector<16xi32>
            %mul3A_160 = arith.muli %get3A_155, %mul3A_159 : vector<16xi32>
            %add3A_161 = vector.broadcast %arg0 : i32 to vector<16xi32>
            %add3A_162 = arith.addi %mul3A_160, %add3A_161 : vector<16xi32>
            %swap3A = arith.index_cast %mul3A_154 : i32 to index
            %swap3A_163 = tpu.vector_load %arg12[%swap3A] {strides = array<i32>} : memref<128xi32, #tpu.memory_space<vmem>>, vector<16xi32>,
            tpu.vector_store %arg12[%swap3A], %add3A_162 {strides = array<i32>} : memref<128xi32, #tpu.memory_space<vmem>>, vector<16xi32>,
            %shift_right_arithmetic3A = arith.constant 2 : i32
            %shift_right_arithmetic3A_164 = vector.broadcast %shift_right_arithmetic3A : i32 to vector<16xi32>
            %shift_right_arithmetic3A_165 = arith.shrsi %get3A_155, %shift_right_arithmetic3A_164 : vector<16xi32>
            %swap3A_166 = arith.index_cast %mul3A_154 : i32 to index
            %swap3A_167 = tpu.vector_load %arg14[%swap3A_166] {strides = array<i32>} : memref<128xi32, #tpu.memory_space<vmem>>, vector<16xi32>,
            tpu.vector_store %arg14[%swap3A_166], %shift_right_arithmetic3A_165 {strides = array<i32>} : memref<128xi32, #tpu.memory_space<vmem>>, vector<16xi32>,
            %shift_right_arithmetic3A_168 = arith.constant 2 : i32
            %shift_right_arithmetic3A_169 = vector.broadcast %shift_right_arithmetic3A_168 : i32 to vector<16xi32>
            %shift_right_arithmetic3A_170 = arith.shrsi %get3A_157, %shift_right_arithmetic3A_169 : vector<16xi32>
            %swap3A_171 = arith.index_cast %mul3A_154 : i32 to index
            %swap3A_172 = tpu.vector_load %arg16[%swap3A_171] {strides = array<i32>} : memref<128xi32, #tpu.memory_space<vmem>>, vector<16xi32>,
            tpu.vector_store %arg16[%swap3A_171], %shift_right_arithmetic3A_170 {strides = array<i32>} : memref<128xi32, #tpu.memory_space<vmem>>, vector<16xi32>,
            %scan3A_173 = arith.constant 0 : i32
            scf.yield %scan3A_173 : i32
          }
          %scan3A_142 = arith.constant 8 : i32
          %dma_start3A = arith.constant 0 : i32
          %dma_start3A_143 = arith.constant 0 : i32
          %dma_start3A_144 = tpu.memref_slice %arg2[%dma_start3A, %dma_start3A_143] : memref<25000x16xf32, #tpu.memory_space<hbm>> -> memref<25000x16xf32, #tpu.memory_space<hbm>>
          tpu.enqueue_indirect_dma source(%dma_start3A_144 : memref<25000x16xf32, #tpu.memory_space<hbm>>) target(%arg24 : memref<128x16xf32, #tpu.memory_space<vmem>>) offsets(%arg16 : memref<128xi32, #tpu.memory_space<vmem>>) semaphore(%arg36 : memref<!tpu.dma_semaphore, #tpu.memory_space<semaphore_mem>>)
          %dma_start3A_145 = arith.constant 0 : i32
          %dma_start3A_146 = arith.constant 0 : i32
          %dma_start3A_147 = tpu.memref_slice %arg2[%dma_start3A_145, %dma_start3A_146] : memref<25000x16xf32, #tpu.memory_space<hbm>> -> memref<25000x16xf32, #tpu.memory_space<hbm>>
          tpu.enqueue_indirect_dma source(%dma_start3A_147 : memref<25000x16xf32, #tpu.memory_space<hbm>>) target(%arg26 : memref<128x16xf32, #tpu.memory_space<vmem>>) offsets(%arg14 : memref<128xi32, #tpu.memory_space<vmem>>) semaphore(%arg36 : memref<!tpu.dma_semaphore, #tpu.memory_space<semaphore_mem>>)
          %dma_start3A_148 = arith.constant 0 : i32
          %dma_start3A_149 = arith.constant 0 : i32
          %dma_start3A_150 = tpu.memref_slice %arg3[%dma_start3A_148, %dma_start3A_149] : memref<200000x16xf32, #tpu.memory_space<hbm>> -> memref<200000x16xf32, #tpu.memory_space<hbm>>
          tpu.enqueue_indirect_dma source(%dma_start3A_150 : memref<200000x16xf32, #tpu.memory_space<hbm>>) target(%arg28 : memref<128x16xf32, #tpu.memory_space<vmem>>) offsets(%arg12 : memref<128xi32, #tpu.memory_space<vmem>>) semaphore(%arg36 : memref<!tpu.dma_semaphore, #tpu.memory_space<semaphore_mem>>)
        } else {
        }
        %ge3A_116 = arith.constant 0 : i32
        %ge3A_117 = arith.cmpi sge, %add3A_100, %ge3A_116 : i32
        %convert_element_type3A_118 = arith.extui %ge3A_117 : i1 to i32
        %cond3A_119 = arith.constant 0 : i32
        %cond3A_120 = arith.cmpi ne, %convert_element_type3A_118, %cond3A_119 : i32
        scf.if %cond3A_120 {
          %ge3A_121 = arith.constant 2 : i32
          %ge3A_122 = arith.cmpi sge, %add3A_100, %ge3A_121 : i32
          %convert_element_type3A_123 = arith.extui %ge3A_122 : i1 to i32
          %cond3A_124 = arith.constant 0 : i32
          %cond3A_125 = arith.cmpi ne, %convert_element_type3A_123, %cond3A_124 : i32
          scf.if %cond3A_125 {
            %dma_wait3A_157 = arith.constant 0 : i32
            %dma_wait3A_158 = arith.constant 0 : i32
            %dma_wait3A_159 = tpu.memref_slice %arg32[%dma_wait3A_157, %dma_wait3A_158] : memref<100000x16xf32, #tpu.memory_space<vmem_shared>> -> memref<100000x16xf32, #tpu.memory_space<vmem_shared>>
            tpu.wait_indirect_dma semaphore(%arg37 : memref<!tpu.dma_semaphore, #tpu.memory_space<semaphore_mem>>) src(%arg29 : memref<128x16xf32, #tpu.memory_space<vmem>>) dst(%dma_wait3A_159 : memref<100000x16xf32, #tpu.memory_space<vmem_shared>>)
          } else {
          }
          %scan3A_126 = arith.constant 0 : i32
          %scan3A_127 = arith.constant 0 : i32
          %scan3A_128 = arith.constant 8 : i32
          %scan3A_129 = arith.addi %scan3A_127, %scan3A_128 : i32
          %scan3A_130 = arith.constant 1 : i32
          %scan3A_131 = scf.for %scan3A_157 = %scan3A_127 to %scan3A_129 step %scan3A_130 iter_args(%scan3A_158 = %scan3A_126) -> (i32)  : i32 {
            %mul3A_159 = arith.constant 16 : i32
            %mul3A_160 = arith.muli %scan3A_157, %mul3A_159 : i32
            %get3A = arith.index_cast %mul3A_160 : i32 to index
            %get3A_161 = tpu.vector_load %arg7[%get3A] {strides = array<i32>} : memref<128xi32, #tpu.memory_space<vmem>>, vector<16xi32>,
            %get3A_162 = arith.index_cast %mul3A_160 : i32 to index
            %get3A_163 = tpu.vector_load %arg9[%get3A_162] {strides = array<i32>} : memref<128xi32, #tpu.memory_space<vmem>>, vector<16xi32>,
            %and3A_164 = arith.constant 3 : i32
            %and3A_165 = vector.broadcast %and3A_164 : i32 to vector<16xi32>
            %and3A_166 = arith.andi %get3A_161, %and3A_165 : vector<16xi32>
            %mul3A_167 = arith.constant 4 : i32
            %mul3A_168 = vector.broadcast %mul3A_167 : i32 to vector<16xi32>
            %mul3A_169 = arith.muli %and3A_166, %mul3A_168 : vector<16xi32>
            %swap3A = arith.index_cast %mul3A_160 : i32 to index
            %swap3A_170 = tpu.vector_load %arg19[%swap3A] {strides = array<i32>} : memref<128xi32, #tpu.memory_space<vmem>>, vector<16xi32>,
            tpu.vector_store %arg19[%swap3A], %mul3A_169 {strides = array<i32>} : memref<128xi32, #tpu.memory_space<vmem>>, vector<16xi32>,
            %and3A_171 = arith.constant 3 : i32
            %and3A_172 = vector.broadcast %and3A_171 : i32 to vector<16xi32>
            %and3A_173 = arith.andi %get3A_163, %and3A_172 : vector<16xi32>
            %mul3A_174 = arith.constant 4 : i32
            %mul3A_175 = vector.broadcast %mul3A_174 : i32 to vector<16xi32>
            %mul3A_176 = arith.muli %and3A_173, %mul3A_175 : vector<16xi32>
            %swap3A_177 = arith.index_cast %mul3A_160 : i32 to index
            %swap3A_178 = tpu.vector_load %arg17[%swap3A_177] {strides = array<i32>} : memref<128xi32, #tpu.memory_space<vmem>>, vector<16xi32>,
            tpu.vector_store %arg17[%swap3A_177], %mul3A_176 {strides = array<i32>} : memref<128xi32, #tpu.memory_space<vmem>>, vector<16xi32>,
            %swap3A_179 = arith.index_cast %mul3A_160 : i32 to index
            %swap3A_180 = tpu.vector_load %arg21[%swap3A_179] {strides = array<i32>} : memref<128xi32, #tpu.memory_space<vmem>>, vector<16xi32>,
            tpu.vector_store %arg21[%swap3A_179], %get3A_163 {strides = array<i32>} : memref<128xi32, #tpu.memory_space<vmem>>, vector<16xi32>,
            %scan3A_181 = arith.constant 0 : i32
            scf.yield %scan3A_181 : i32
          }
          %scan3A_132 = arith.constant 8 : i32
          %add3A_133 = arith.constant 2 : i32
          %add3A_134 = arith.addi %add3A_100, %add3A_133 : i32
          %lt3A_135 = arith.cmpi slt, %add3A_134, %select_n3A : i32
          %convert_element_type3A_136 = arith.extui %lt3A_135 : i1 to i32
          %cond3A_137 = arith.constant 0 : i32
          %cond3A_138 = arith.cmpi ne, %convert_element_type3A_136, %cond3A_137 : i32
          scf.if %cond3A_138 {
            %add3A_157 = arith.constant 2 : i32
            %add3A_158 = arith.addi %add3A_100, %add3A_157 : i32
            %mul3A_159 = arith.constant 16 : i32
            %mul3A_160 = arith.muli %mul3A_159, %add3A_158 : i32
            %add3A_161 = arith.addi %arg1, %mul3A_160 : i32
            %mul3A_162 = arith.constant 128 : i32
            %mul3A_163 = arith.muli %add3A_161, %mul3A_162 : i32
            %dma_start3A_164 = tpu.memref_slice %arg4[%mul3A_163] : memref<1600000xi32, #tpu.memory_space<hbm>> -> memref<128xi32, #tpu.memory_space<hbm>>
            %dma_start3A_165 = tpu.memref_slice %arg4[%mul3A_163] : memref<1600000xi32, #tpu.memory_space<hbm>> -> memref<128xi32, #tpu.memory_space<hbm>>
            tpu.enqueue_dma source(%dma_start3A_165 : memref<128xi32, #tpu.memory_space<hbm>>) target(%arg7 : memref<128xi32, #tpu.memory_space<vmem>>) target_semaphore(%arg33 : memref<!tpu.dma_semaphore, #tpu.memory_space<semaphore_mem>>)
            %dma_start3A_166 = tpu.memref_slice %arg5[%mul3A_163] : memref<1600000xi32, #tpu.memory_space<hbm>> -> memref<128xi32, #tpu.memory_space<hbm>>
            %dma_start3A_167 = tpu.memref_slice %arg5[%mul3A_163] : memref<1600000xi32, #tpu.memory_space<hbm>> -> memref<128xi32, #tpu.memory_space<hbm>>
            tpu.enqueue_dma source(%dma_start3A_167 : memref<128xi32, #tpu.memory_space<hbm>>) target(%arg9 : memref<128xi32, #tpu.memory_space<vmem>>) target_semaphore(%arg33 : memref<!tpu.dma_semaphore, #tpu.memory_space<semaphore_mem>>)
          } else {
          }
          %dma_wait3A_139 = arith.constant 0 : i32
          %dma_wait3A_140 = arith.constant 0 : i32
          %dma_wait3A_141 = tpu.memref_slice %arg2[%dma_wait3A_139, %dma_wait3A_140] : memref<25000x16xf32, #tpu.memory_space<hbm>> -> memref<25000x16xf32, #tpu.memory_space<hbm>>
          tpu.wait_indirect_dma semaphore(%arg35 : memref<!tpu.dma_semaphore, #tpu.memory_space<semaphore_mem>>) src(%dma_wait3A_141 : memref<25000x16xf32, #tpu.memory_space<hbm>>) dst(%arg23 : memref<128x16xf32, #tpu.memory_space<vmem>>)
          %dma_wait3A_142 = arith.constant 0 : i32
          %dma_wait3A_143 = arith.constant 0 : i32
          %dma_wait3A_144 = tpu.memref_slice %arg2[%dma_wait3A_142, %dma_wait3A_143] : memref<25000x16xf32, #tpu.memory_space<hbm>> -> memref<25000x16xf32, #tpu.memory_space<hbm>>
          tpu.wait_indirect_dma semaphore(%arg35 : memref<!tpu.dma_semaphore, #tpu.memory_space<semaphore_mem>>) src(%dma_wait3A_144 : memref<25000x16xf32, #tpu.memory_space<hbm>>) dst(%arg25 : memref<128x16xf32, #tpu.memory_space<vmem>>)
          %dma_wait3A_145 = arith.constant 0 : i32
          %dma_wait3A_146 = arith.constant 0 : i32
          %dma_wait3A_147 = tpu.memref_slice %arg3[%dma_wait3A_145, %dma_wait3A_146] : memref<200000x16xf32, #tpu.memory_space<hbm>> -> memref<200000x16xf32, #tpu.memory_space<hbm>>
          tpu.wait_indirect_dma semaphore(%arg35 : memref<!tpu.dma_semaphore, #tpu.memory_space<semaphore_mem>>) src(%dma_wait3A_147 : memref<200000x16xf32, #tpu.memory_space<hbm>>) dst(%arg27 : memref<128x16xf32, #tpu.memory_space<vmem>>)
          %scan3A_148 = arith.constant 0 : i32
          %scan3A_149 = arith.constant 0 : i32
          %scan3A_150 = arith.constant 8 : i32
          %scan3A_151 = arith.addi %scan3A_149, %scan3A_150 : i32
          %scan3A_152 = arith.constant 1 : i32
          %scan3A_153 = scf.for %scan3A_157 = %scan3A_149 to %scan3A_151 step %scan3A_152 iter_args(%scan3A_158 = %scan3A_148) -> (i32)  : i32 {
            %mul3A_159 = arith.constant 16 : i32
            %mul3A_160 = arith.muli %scan3A_157, %mul3A_159 : i32
            %iota3A = tpu.iota {dimensions = array<i32: 0>} : vector<16xi32>
            %add3A_161 = vector.broadcast %mul3A_160 : i32 to vector<16xi32>
            %add3A_162 = arith.addi %add3A_161, %iota3A : vector<16xi32>
            %mul3A_163 = arith.constant 16 : i32
            %mul3A_164 = arith.muli %scan3A_157, %mul3A_163 : i32
            %get3A = arith.index_cast %mul3A_164 : i32 to index
            %get3A_165 = tpu.vector_load %arg17[%get3A] {strides = array<i32>} : memref<128xi32, #tpu.memory_space<vmem>>, vector<16xi32>,
            %mul3A_166 = arith.constant 16 : i32
            %mul3A_167 = arith.muli %scan3A_157, %mul3A_166 : i32
            %get3A_168 = arith.index_cast %mul3A_167 : i32 to index
            %get3A_169 = tpu.vector_load %arg19[%get3A_168] {strides = array<i32>} : memref<128xi32, #tpu.memory_space<vmem>>, vector<16xi32>,
            %gather3A = tpu.vector_load_idx %arg23[%add3A_162, %get3A_165] : memref<128x16xf32, #tpu.memory_space<vmem>>[vector<16xi32>, vector<16xi32>], vector<16xf32>,
            %gather3A_170 = tpu.vector_load_idx %arg25[%add3A_162, %get3A_169] : memref<128x16xf32, #tpu.memory_space<vmem>>[vector<16xi32>, vector<16xi32>], vector<16xf32>,
            %sub3A_171 = arith.subf %gather3A, %gather3A_170 : vector<16xf32>
            %add3A_172 = arith.constant 1 : i32
            %add3A_173 = vector.broadcast %add3A_172 : i32 to vector<16xi32>
            %add3A_174 = arith.addi %get3A_165, %add3A_173 : vector<16xi32>
            %gather3A_175 = tpu.vector_load_idx %arg23[%add3A_162, %add3A_174] : memref<128x16xf32, #tpu.memory_space<vmem>>[vector<16xi32>, vector<16xi32>], vector<16xf32>,
            %add3A_176 = arith.constant 1 : i32
            %add3A_177 = vector.broadcast %add3A_176 : i32 to vector<16xi32>
            %add3A_178 = arith.addi %get3A_169, %add3A_177 : vector<16xi32>
            %gather3A_179 = tpu.vector_load_idx %arg25[%add3A_162, %add3A_178] : memref<128x16xf32, #tpu.memory_space<vmem>>[vector<16xi32>, vector<16xi32>], vector<16xf32>,
            %sub3A_180 = arith.subf %gather3A_175, %gather3A_179 : vector<16xf32>
            %add3A_181 = arith.constant 2 : i32
            %add3A_182 = vector.broadcast %add3A_181 : i32 to vector<16xi32>
            %add3A_183 = arith.addi %get3A_165, %add3A_182 : vector<16xi32>
            %gather3A_184 = tpu.vector_load_idx %arg23[%add3A_162, %add3A_183] : memref<128x16xf32, #tpu.memory_space<vmem>>[vector<16xi32>, vector<16xi32>], vector<16xf32>,
            %add3A_185 = arith.constant 2 : i32
            %add3A_186 = vector.broadcast %add3A_185 : i32 to vector<16xi32>
            %add3A_187 = arith.addi %get3A_169, %add3A_186 : vector<16xi32>
            %gather3A_188 = tpu.vector_load_idx %arg25[%add3A_162, %add3A_187] : memref<128x16xf32, #tpu.memory_space<vmem>>[vector<16xi32>, vector<16xi32>], vector<16xf32>,
            %sub3A_189 = arith.subf %gather3A_184, %gather3A_188 : vector<16xf32>
            %mul3A_190 = arith.mulf %sub3A_171, %sub3A_171 : vector<16xf32>
            %mul3A_191 = arith.mulf %sub3A_180, %sub3A_180 : vector<16xf32>
            %add3A_192 = arith.addf %mul3A_190, %mul3A_191 : vector<16xf32>
            %mul3A_193 = arith.mulf %sub3A_189, %sub3A_189 : vector<16xf32>
            %add3A_194 = arith.addf %add3A_192, %mul3A_193 : vector<16xf32>
            %bitcast3A = vector.bitcast %add3A_194 : vector<16xf32> to vector<16xi32>
            %shift_right_arithmetic3A = arith.constant 1 : i32
            %shift_right_arithmetic3A_195 = vector.broadcast %shift_right_arithmetic3A : i32 to vector<16xi32>
            %shift_right_arithmetic3A_196 = arith.shrsi %bitcast3A, %shift_right_arithmetic3A_195 : vector<16xi32>
            %sub3A_197 = arith.constant 1597463007 : i32
            %sub3A_198 = vector.broadcast %sub3A_197 : i32 to vector<16xi32>
            %sub3A_199 = arith.subi %sub3A_198, %shift_right_arithmetic3A_196 : vector<16xi32>
            %bitcast3A_200 = vector.bitcast %sub3A_199 : vector<16xi32> to vector<16xf32>
            %mul3A_201 = arith.constant 5.000000e-01 : f32
            %mul3A_202 = vector.broadcast %mul3A_201 : f32 to vector<16xf32>
            %mul3A_203 = arith.mulf %mul3A_202, %add3A_194 : vector<16xf32>
            %mul3A_204 = arith.mulf %mul3A_203, %bitcast3A_200 : vector<16xf32>
            %mul3A_205 = arith.mulf %mul3A_204, %bitcast3A_200 : vector<16xf32>
            %sub3A_206 = arith.constant 1.500000e+00 : f32
            %sub3A_207 = vector.broadcast %sub3A_206 : f32 to vector<16xf32>
            %sub3A_208 = arith.subf %sub3A_207, %mul3A_205 : vector<16xf32>
            %mul3A_209 = arith.mulf %bitcast3A_200, %sub3A_208 : vector<16xf32>
            %mul3A_210 = arith.constant 5.000000e-01 : f32
            %mul3A_211 = vector.broadcast %mul3A_210 : f32 to vector<16xf32>
            %mul3A_212 = arith.mulf %mul3A_211, %add3A_194 : vector<16xf32>
            %mul3A_213 = arith.mulf %mul3A_212, %mul3A_209 : vector<16xf32>
            %mul3A_214 = arith.mulf %mul3A_213, %mul3A_209 : vector<16xf32>
            %sub3A_215 = arith.constant 1.500000e+00 : f32
            %sub3A_216 = vector.broadcast %sub3A_215 : f32 to vector<16xf32>
            %sub3A_217 = arith.subf %sub3A_216, %mul3A_214 : vector<16xf32>
            %mul3A_218 = arith.mulf %mul3A_209, %sub3A_217 : vector<16xf32>
            %mul3A_219 = arith.constant 5.000000e-01 : f32
            %mul3A_220 = vector.broadcast %mul3A_219 : f32 to vector<16xf32>
            %mul3A_221 = arith.mulf %mul3A_220, %add3A_194 : vector<16xf32>
            %mul3A_222 = arith.mulf %mul3A_221, %mul3A_218 : vector<16xf32>
            %mul3A_223 = arith.mulf %mul3A_222, %mul3A_218 : vector<16xf32>
            %sub3A_224 = arith.constant 1.500000e+00 : f32
            %sub3A_225 = vector.broadcast %sub3A_224 : f32 to vector<16xf32>
            %sub3A_226 = arith.subf %sub3A_225, %mul3A_223 : vector<16xf32>
            %mul3A_227 = arith.mulf %mul3A_218, %sub3A_226 : vector<16xf32>
            %mul3A_228 = arith.mulf %add3A_194, %mul3A_227 : vector<16xf32>
            %add3A_229 = arith.constant 9.99999971E-10 : f32
            %add3A_230 = vector.broadcast %add3A_229 : f32 to vector<16xf32>
            %add3A_231 = arith.addf %mul3A_228, %add3A_230 : vector<16xf32>
            %div3A_232 = arith.constant 1.000000e+00 : f32
            %div3A_233 = vector.broadcast %div3A_232 : f32 to vector<16xf32>
            %div3A_234 = arith.divf %div3A_233, %add3A_231 : vector<16xf32>
            %mul3A_235 = arith.mulf %sub3A_171, %div3A_234 : vector<16xf32>
            %mul3A_236 = arith.mulf %sub3A_180, %div3A_234 : vector<16xf32>
            %mul3A_237 = arith.mulf %sub3A_189, %div3A_234 : vector<16xf32>
            %broadcast_in_dim3A_238 = arith.constant 0 : i32
            %broadcast_in_dim3A_239 = vector.broadcast %broadcast_in_dim3A_238 : i32 to vector<16xi32>
            %broadcast_in_dim3A_240 = arith.constant 1 : i32
            %broadcast_in_dim3A_241 = vector.broadcast %broadcast_in_dim3A_240 : i32 to vector<16xi32>
            %broadcast_in_dim3A_242 = arith.constant 2 : i32
            %broadcast_in_dim3A_243 = vector.broadcast %broadcast_in_dim3A_242 : i32 to vector<16xi32>
            %broadcast_in_dim3A_244 = arith.constant 3 : i32
            %broadcast_in_dim3A_245 = vector.broadcast %broadcast_in_dim3A_244 : i32 to vector<16xi32>
            %gather3A_246 = tpu.vector_load_idx %arg27[%add3A_162, %broadcast_in_dim3A_239] : memref<128x16xf32, #tpu.memory_space<vmem>>[vector<16xi32>, vector<16xi32>], vector<16xf32>,
            %gather3A_247 = tpu.vector_load_idx %arg27[%add3A_162, %broadcast_in_dim3A_241] : memref<128x16xf32, #tpu.memory_space<vmem>>[vector<16xi32>, vector<16xi32>], vector<16xf32>,
            %gather3A_248 = tpu.vector_load_idx %arg27[%add3A_162, %broadcast_in_dim3A_243] : memref<128x16xf32, #tpu.memory_space<vmem>>[vector<16xi32>, vector<16xi32>], vector<16xf32>,
            %gather3A_249 = tpu.vector_load_idx %arg27[%add3A_162, %broadcast_in_dim3A_245] : memref<128x16xf32, #tpu.memory_space<vmem>>[vector<16xi32>, vector<16xi32>], vector<16xf32>,
            %mul3A_250 = arith.mulf %gather3A_247, %mul3A_235 : vector<16xf32>
            %mul3A_251 = arith.mulf %gather3A_248, %mul3A_236 : vector<16xf32>
            %add3A_252 = arith.addf %mul3A_250, %mul3A_251 : vector<16xf32>
            %mul3A_253 = arith.mulf %gather3A_249, %mul3A_237 : vector<16xf32>
            %add3A_254 = arith.addf %add3A_252, %mul3A_253 : vector<16xf32>
            %mul3A_255 = arith.constant 0.577350259 : f32
            %mul3A_256 = vector.broadcast %mul3A_255 : f32 to vector<16xf32>
            %mul3A_257 = arith.mulf %add3A_254, %mul3A_256 : vector<16xf32>
            %add3A_258 = arith.addf %gather3A_246, %mul3A_257 : vector<16xf32>
            %mul3A_259 = arith.mulf %gather3A_246, %mul3A_235 : vector<16xf32>
            %add3A_260 = arith.addf %mul3A_259, %gather3A_247 : vector<16xf32>
            %mul3A_261 = arith.mulf %gather3A_248, %mul3A_237 : vector<16xf32>
            %mul3A_262 = arith.mulf %gather3A_249, %mul3A_236 : vector<16xf32>
            %sub3A_263 = arith.subf %mul3A_261, %mul3A_262 : vector<16xf32>
            %mul3A_264 = arith.constant 0.707106769 : f32
            %mul3A_265 = vector.broadcast %mul3A_264 : f32 to vector<16xf32>
            %mul3A_266 = arith.mulf %sub3A_263, %mul3A_265 : vector<16xf32>
            %add3A_267 = arith.addf %add3A_260, %mul3A_266 : vector<16xf32>
            %mul3A_268 = arith.mulf %gather3A_246, %mul3A_236 : vector<16xf32>
            %add3A_269 = arith.addf %mul3A_268, %gather3A_248 : vector<16xf32>
            %mul3A_270 = arith.mulf %gather3A_249, %mul3A_235 : vector<16xf32>
            %mul3A_271 = arith.mulf %gather3A_247, %mul3A_237 : vector<16xf32>
            %sub3A_272 = arith.subf %mul3A_270, %mul3A_271 : vector<16xf32>
            %mul3A_273 = arith.constant 0.707106769 : f32
            %mul3A_274 = vector.broadcast %mul3A_273 : f32 to vector<16xf32>
            %mul3A_275 = arith.mulf %sub3A_272, %mul3A_274 : vector<16xf32>
            %add3A_276 = arith.addf %add3A_269, %mul3A_275 : vector<16xf32>
            %mul3A_277 = arith.mulf %gather3A_246, %mul3A_237 : vector<16xf32>
            %add3A_278 = arith.addf %mul3A_277, %gather3A_249 : vector<16xf32>
            %mul3A_279 = arith.mulf %gather3A_247, %mul3A_236 : vector<16xf32>
            %mul3A_280 = arith.mulf %gather3A_248, %mul3A_235 : vector<16xf32>
            %sub3A_281 = arith.subf %mul3A_279, %mul3A_280 : vector<16xf32>
            %mul3A_282 = arith.constant 0.707106769 : f32
            %mul3A_283 = vector.broadcast %mul3A_282 : f32 to vector<16xf32>
            %mul3A_284 = arith.mulf %sub3A_281, %mul3A_283 : vector<16xf32>
            %add3A_285 = arith.addf %add3A_278, %mul3A_284 : vector<16xf32>
            tpu.vector_store_idx %arg29[%add3A_162, %broadcast_in_dim3A_239], %add3A_258 : memref<128x16xf32, #tpu.memory_space<vmem>>[vector<16xi32>, vector<16xi32>], vector<16xf32>,
            tpu.vector_store_idx %arg29[%add3A_162, %broadcast_in_dim3A_241], %add3A_267 : memref<128x16xf32, #tpu.memory_space<vmem>>[vector<16xi32>, vector<16xi32>], vector<16xf32>,
            tpu.vector_store_idx %arg29[%add3A_162, %broadcast_in_dim3A_243], %add3A_276 : memref<128x16xf32, #tpu.memory_space<vmem>>[vector<16xi32>, vector<16xi32>], vector<16xf32>,
            tpu.vector_store_idx %arg29[%add3A_162, %broadcast_in_dim3A_245], %add3A_285 : memref<128x16xf32, #tpu.memory_space<vmem>>[vector<16xi32>, vector<16xi32>], vector<16xf32>,
            %broadcast_in_dim3A_286 = arith.constant 4 : i32
            %broadcast_in_dim3A_287 = vector.broadcast %broadcast_in_dim3A_286 : i32 to vector<16xi32>
            %broadcast_in_dim3A_288 = arith.constant 5 : i32
            %broadcast_in_dim3A_289 = vector.broadcast %broadcast_in_dim3A_288 : i32 to vector<16xi32>
            %broadcast_in_dim3A_290 = arith.constant 6 : i32
            %broadcast_in_dim3A_291 = vector.broadcast %broadcast_in_dim3A_290 : i32 to vector<16xi32>
            %broadcast_in_dim3A_292 = arith.constant 7 : i32
            %broadcast_in_dim3A_293 = vector.broadcast %broadcast_in_dim3A_292 : i32 to vector<16xi32>
            %gather3A_294 = tpu.vector_load_idx %arg27[%add3A_162, %broadcast_in_dim3A_287] : memref<128x16xf32, #tpu.memory_space<vmem>>[vector<16xi32>, vector<16xi32>], vector<16xf32>,
            %gather3A_295 = tpu.vector_load_idx %arg27[%add3A_162, %broadcast_in_dim3A_289] : memref<128x16xf32, #tpu.memory_space<vmem>>[vector<16xi32>, vector<16xi32>], vector<16xf32>,
            %gather3A_296 = tpu.vector_load_idx %arg27[%add3A_162, %broadcast_in_dim3A_291] : memref<128x16xf32, #tpu.memory_space<vmem>>[vector<16xi32>, vector<16xi32>], vector<16xf32>,
            %gather3A_297 = tpu.vector_load_idx %arg27[%add3A_162, %broadcast_in_dim3A_293] : memref<128x16xf32, #tpu.memory_space<vmem>>[vector<16xi32>, vector<16xi32>], vector<16xf32>,
            %mul3A_298 = arith.mulf %gather3A_295, %mul3A_235 : vector<16xf32>
            %mul3A_299 = arith.mulf %gather3A_296, %mul3A_236 : vector<16xf32>
            %add3A_300 = arith.addf %mul3A_298, %mul3A_299 : vector<16xf32>
            %mul3A_301 = arith.mulf %gather3A_297, %mul3A_237 : vector<16xf32>
            %add3A_302 = arith.addf %add3A_300, %mul3A_301 : vector<16xf32>
            %mul3A_303 = arith.constant 0.577350259 : f32
            %mul3A_304 = vector.broadcast %mul3A_303 : f32 to vector<16xf32>
            %mul3A_305 = arith.mulf %add3A_302, %mul3A_304 : vector<16xf32>
            %add3A_306 = arith.addf %gather3A_294, %mul3A_305 : vector<16xf32>
            %mul3A_307 = arith.mulf %gather3A_294, %mul3A_235 : vector<16xf32>
            %add3A_308 = arith.addf %mul3A_307, %gather3A_295 : vector<16xf32>
            %mul3A_309 = arith.mulf %gather3A_296, %mul3A_237 : vector<16xf32>
            %mul3A_310 = arith.mulf %gather3A_297, %mul3A_236 : vector<16xf32>
            %sub3A_311 = arith.subf %mul3A_309, %mul3A_310 : vector<16xf32>
            %mul3A_312 = arith.constant 0.707106769 : f32
            %mul3A_313 = vector.broadcast %mul3A_312 : f32 to vector<16xf32>
            %mul3A_314 = arith.mulf %sub3A_311, %mul3A_313 : vector<16xf32>
            %add3A_315 = arith.addf %add3A_308, %mul3A_314 : vector<16xf32>
            %mul3A_316 = arith.mulf %gather3A_294, %mul3A_236 : vector<16xf32>
            %add3A_317 = arith.addf %mul3A_316, %gather3A_296 : vector<16xf32>
            %mul3A_318 = arith.mulf %gather3A_297, %mul3A_235 : vector<16xf32>
            %mul3A_319 = arith.mulf %gather3A_295, %mul3A_237 : vector<16xf32>
            %sub3A_320 = arith.subf %mul3A_318, %mul3A_319 : vector<16xf32>
            %mul3A_321 = arith.constant 0.707106769 : f32
            %mul3A_322 = vector.broadcast %mul3A_321 : f32 to vector<16xf32>
            %mul3A_323 = arith.mulf %sub3A_320, %mul3A_322 : vector<16xf32>
            %add3A_324 = arith.addf %add3A_317, %mul3A_323 : vector<16xf32>
            %mul3A_325 = arith.mulf %gather3A_294, %mul3A_237 : vector<16xf32>
            %add3A_326 = arith.addf %mul3A_325, %gather3A_297 : vector<16xf32>
            %mul3A_327 = arith.mulf %gather3A_295, %mul3A_236 : vector<16xf32>
            %mul3A_328 = arith.mulf %gather3A_296, %mul3A_235 : vector<16xf32>
            %sub3A_329 = arith.subf %mul3A_327, %mul3A_328 : vector<16xf32>
            %mul3A_330 = arith.constant 0.707106769 : f32
            %mul3A_331 = vector.broadcast %mul3A_330 : f32 to vector<16xf32>
            %mul3A_332 = arith.mulf %sub3A_329, %mul3A_331 : vector<16xf32>
            %add3A_333 = arith.addf %add3A_326, %mul3A_332 : vector<16xf32>
            tpu.vector_store_idx %arg29[%add3A_162, %broadcast_in_dim3A_287], %add3A_306 : memref<128x16xf32, #tpu.memory_space<vmem>>[vector<16xi32>, vector<16xi32>], vector<16xf32>,
            tpu.vector_store_idx %arg29[%add3A_162, %broadcast_in_dim3A_289], %add3A_315 : memref<128x16xf32, #tpu.memory_space<vmem>>[vector<16xi32>, vector<16xi32>], vector<16xf32>,
            tpu.vector_store_idx %arg29[%add3A_162, %broadcast_in_dim3A_291], %add3A_324 : memref<128x16xf32, #tpu.memory_space<vmem>>[vector<16xi32>, vector<16xi32>], vector<16xf32>,
            tpu.vector_store_idx %arg29[%add3A_162, %broadcast_in_dim3A_293], %add3A_333 : memref<128x16xf32, #tpu.memory_space<vmem>>[vector<16xi32>, vector<16xi32>], vector<16xf32>,
            %broadcast_in_dim3A_334 = arith.constant 8 : i32
            %broadcast_in_dim3A_335 = vector.broadcast %broadcast_in_dim3A_334 : i32 to vector<16xi32>
            %broadcast_in_dim3A_336 = arith.constant 9 : i32
            %broadcast_in_dim3A_337 = vector.broadcast %broadcast_in_dim3A_336 : i32 to vector<16xi32>
            %broadcast_in_dim3A_338 = arith.constant 10 : i32
            %broadcast_in_dim3A_339 = vector.broadcast %broadcast_in_dim3A_338 : i32 to vector<16xi32>
            %broadcast_in_dim3A_340 = arith.constant 11 : i32
            %broadcast_in_dim3A_341 = vector.broadcast %broadcast_in_dim3A_340 : i32 to vector<16xi32>
            %gather3A_342 = tpu.vector_load_idx %arg27[%add3A_162, %broadcast_in_dim3A_335] : memref<128x16xf32, #tpu.memory_space<vmem>>[vector<16xi32>, vector<16xi32>], vector<16xf32>,
            %gather3A_343 = tpu.vector_load_idx %arg27[%add3A_162, %broadcast_in_dim3A_337] : memref<128x16xf32, #tpu.memory_space<vmem>>[vector<16xi32>, vector<16xi32>], vector<16xf32>,
            %gather3A_344 = tpu.vector_load_idx %arg27[%add3A_162, %broadcast_in_dim3A_339] : memref<128x16xf32, #tpu.memory_space<vmem>>[vector<16xi32>, vector<16xi32>], vector<16xf32>,
            %gather3A_345 = tpu.vector_load_idx %arg27[%add3A_162, %broadcast_in_dim3A_341] : memref<128x16xf32, #tpu.memory_space<vmem>>[vector<16xi32>, vector<16xi32>], vector<16xf32>,
            %mul3A_346 = arith.mulf %gather3A_343, %mul3A_235 : vector<16xf32>
            %mul3A_347 = arith.mulf %gather3A_344, %mul3A_236 : vector<16xf32>
            %add3A_348 = arith.addf %mul3A_346, %mul3A_347 : vector<16xf32>
            %mul3A_349 = arith.mulf %gather3A_345, %mul3A_237 : vector<16xf32>
            %add3A_350 = arith.addf %add3A_348, %mul3A_349 : vector<16xf32>
            %mul3A_351 = arith.constant 0.577350259 : f32
            %mul3A_352 = vector.broadcast %mul3A_351 : f32 to vector<16xf32>
            %mul3A_353 = arith.mulf %add3A_350, %mul3A_352 : vector<16xf32>
            %add3A_354 = arith.addf %gather3A_342, %mul3A_353 : vector<16xf32>
            %mul3A_355 = arith.mulf %gather3A_342, %mul3A_235 : vector<16xf32>
            %add3A_356 = arith.addf %mul3A_355, %gather3A_343 : vector<16xf32>
            %mul3A_357 = arith.mulf %gather3A_344, %mul3A_237 : vector<16xf32>
            %mul3A_358 = arith.mulf %gather3A_345, %mul3A_236 : vector<16xf32>
            %sub3A_359 = arith.subf %mul3A_357, %mul3A_358 : vector<16xf32>
            %mul3A_360 = arith.constant 0.707106769 : f32
            %mul3A_361 = vector.broadcast %mul3A_360 : f32 to vector<16xf32>
            %mul3A_362 = arith.mulf %sub3A_359, %mul3A_361 : vector<16xf32>
            %add3A_363 = arith.addf %add3A_356, %mul3A_362 : vector<16xf32>
            %mul3A_364 = arith.mulf %gather3A_342, %mul3A_236 : vector<16xf32>
            %add3A_365 = arith.addf %mul3A_364, %gather3A_344 : vector<16xf32>
            %mul3A_366 = arith.mulf %gather3A_345, %mul3A_235 : vector<16xf32>
            %mul3A_367 = arith.mulf %gather3A_343, %mul3A_237 : vector<16xf32>
            %sub3A_368 = arith.subf %mul3A_366, %mul3A_367 : vector<16xf32>
            %mul3A_369 = arith.constant 0.707106769 : f32
            %mul3A_370 = vector.broadcast %mul3A_369 : f32 to vector<16xf32>
            %mul3A_371 = arith.mulf %sub3A_368, %mul3A_370 : vector<16xf32>
            %add3A_372 = arith.addf %add3A_365, %mul3A_371 : vector<16xf32>
            %mul3A_373 = arith.mulf %gather3A_342, %mul3A_237 : vector<16xf32>
            %add3A_374 = arith.addf %mul3A_373, %gather3A_345 : vector<16xf32>
            %mul3A_375 = arith.mulf %gather3A_343, %mul3A_236 : vector<16xf32>
            %mul3A_376 = arith.mulf %gather3A_344, %mul3A_235 : vector<16xf32>
            %sub3A_377 = arith.subf %mul3A_375, %mul3A_376 : vector<16xf32>
            %mul3A_378 = arith.constant 0.707106769 : f32
            %mul3A_379 = vector.broadcast %mul3A_378 : f32 to vector<16xf32>
            %mul3A_380 = arith.mulf %sub3A_377, %mul3A_379 : vector<16xf32>
            %add3A_381 = arith.addf %add3A_374, %mul3A_380 : vector<16xf32>
            tpu.vector_store_idx %arg29[%add3A_162, %broadcast_in_dim3A_335], %add3A_354 : memref<128x16xf32, #tpu.memory_space<vmem>>[vector<16xi32>, vector<16xi32>], vector<16xf32>,
            tpu.vector_store_idx %arg29[%add3A_162, %broadcast_in_dim3A_337], %add3A_363 : memref<128x16xf32, #tpu.memory_space<vmem>>[vector<16xi32>, vector<16xi32>], vector<16xf32>,
            tpu.vector_store_idx %arg29[%add3A_162, %broadcast_in_dim3A_339], %add3A_372 : memref<128x16xf32, #tpu.memory_space<vmem>>[vector<16xi32>, vector<16xi32>], vector<16xf32>,
            tpu.vector_store_idx %arg29[%add3A_162, %broadcast_in_dim3A_341], %add3A_381 : memref<128x16xf32, #tpu.memory_space<vmem>>[vector<16xi32>, vector<16xi32>], vector<16xf32>,
            %broadcast_in_dim3A_382 = arith.constant 12 : i32
            %broadcast_in_dim3A_383 = vector.broadcast %broadcast_in_dim3A_382 : i32 to vector<16xi32>
            %broadcast_in_dim3A_384 = arith.constant 13 : i32
            %broadcast_in_dim3A_385 = vector.broadcast %broadcast_in_dim3A_384 : i32 to vector<16xi32>
            %broadcast_in_dim3A_386 = arith.constant 14 : i32
            %broadcast_in_dim3A_387 = vector.broadcast %broadcast_in_dim3A_386 : i32 to vector<16xi32>
            %broadcast_in_dim3A_388 = arith.constant 15 : i32
            %broadcast_in_dim3A_389 = vector.broadcast %broadcast_in_dim3A_388 : i32 to vector<16xi32>
            %gather3A_390 = tpu.vector_load_idx %arg27[%add3A_162, %broadcast_in_dim3A_383] : memref<128x16xf32, #tpu.memory_space<vmem>>[vector<16xi32>, vector<16xi32>], vector<16xf32>,
            %gather3A_391 = tpu.vector_load_idx %arg27[%add3A_162, %broadcast_in_dim3A_385] : memref<128x16xf32, #tpu.memory_space<vmem>>[vector<16xi32>, vector<16xi32>], vector<16xf32>,
            %gather3A_392 = tpu.vector_load_idx %arg27[%add3A_162, %broadcast_in_dim3A_387] : memref<128x16xf32, #tpu.memory_space<vmem>>[vector<16xi32>, vector<16xi32>], vector<16xf32>,
            %gather3A_393 = tpu.vector_load_idx %arg27[%add3A_162, %broadcast_in_dim3A_389] : memref<128x16xf32, #tpu.memory_space<vmem>>[vector<16xi32>, vector<16xi32>], vector<16xf32>,
            %mul3A_394 = arith.mulf %gather3A_391, %mul3A_235 : vector<16xf32>
            %mul3A_395 = arith.mulf %gather3A_392, %mul3A_236 : vector<16xf32>
            %add3A_396 = arith.addf %mul3A_394, %mul3A_395 : vector<16xf32>
            %mul3A_397 = arith.mulf %gather3A_393, %mul3A_237 : vector<16xf32>
            %add3A_398 = arith.addf %add3A_396, %mul3A_397 : vector<16xf32>
            %mul3A_399 = arith.constant 0.577350259 : f32
            %mul3A_400 = vector.broadcast %mul3A_399 : f32 to vector<16xf32>
            %mul3A_401 = arith.mulf %add3A_398, %mul3A_400 : vector<16xf32>
            %add3A_402 = arith.addf %gather3A_390, %mul3A_401 : vector<16xf32>
            %mul3A_403 = arith.mulf %gather3A_390, %mul3A_235 : vector<16xf32>
            %add3A_404 = arith.addf %mul3A_403, %gather3A_391 : vector<16xf32>
            %mul3A_405 = arith.mulf %gather3A_392, %mul3A_237 : vector<16xf32>
            %mul3A_406 = arith.mulf %gather3A_393, %mul3A_236 : vector<16xf32>
            %sub3A_407 = arith.subf %mul3A_405, %mul3A_406 : vector<16xf32>
            %mul3A_408 = arith.constant 0.707106769 : f32
            %mul3A_409 = vector.broadcast %mul3A_408 : f32 to vector<16xf32>
            %mul3A_410 = arith.mulf %sub3A_407, %mul3A_409 : vector<16xf32>
            %add3A_411 = arith.addf %add3A_404, %mul3A_410 : vector<16xf32>
            %mul3A_412 = arith.mulf %gather3A_390, %mul3A_236 : vector<16xf32>
            %add3A_413 = arith.addf %mul3A_412, %gather3A_392 : vector<16xf32>
            %mul3A_414 = arith.mulf %gather3A_393, %mul3A_235 : vector<16xf32>
            %mul3A_415 = arith.mulf %gather3A_391, %mul3A_237 : vector<16xf32>
            %sub3A_416 = arith.subf %mul3A_414, %mul3A_415 : vector<16xf32>
            %mul3A_417 = arith.constant 0.707106769 : f32
            %mul3A_418 = vector.broadcast %mul3A_417 : f32 to vector<16xf32>
            %mul3A_419 = arith.mulf %sub3A_416, %mul3A_418 : vector<16xf32>
            %add3A_420 = arith.addf %add3A_413, %mul3A_419 : vector<16xf32>
            %mul3A_421 = arith.mulf %gather3A_390, %mul3A_237 : vector<16xf32>
            %add3A_422 = arith.addf %mul3A_421, %gather3A_393 : vector<16xf32>
            %mul3A_423 = arith.mulf %gather3A_391, %mul3A_236 : vector<16xf32>
            %mul3A_424 = arith.mulf %gather3A_392, %mul3A_235 : vector<16xf32>
            %sub3A_425 = arith.subf %mul3A_423, %mul3A_424 : vector<16xf32>
            %mul3A_426 = arith.constant 0.707106769 : f32
            %mul3A_427 = vector.broadcast %mul3A_426 : f32 to vector<16xf32>
            %mul3A_428 = arith.mulf %sub3A_425, %mul3A_427 : vector<16xf32>
            %add3A_429 = arith.addf %add3A_422, %mul3A_428 : vector<16xf32>
            tpu.vector_store_idx %arg29[%add3A_162, %broadcast_in_dim3A_383], %add3A_402 : memref<128x16xf32, #tpu.memory_space<vmem>>[vector<16xi32>, vector<16xi32>], vector<16xf32>,
            tpu.vector_store_idx %arg29[%add3A_162, %broadcast_in_dim3A_385], %add3A_411 : memref<128x16xf32, #tpu.memory_space<vmem>>[vector<16xi32>, vector<16xi32>], vector<16xf32>,
            tpu.vector_store_idx %arg29[%add3A_162, %broadcast_in_dim3A_387], %add3A_420 : memref<128x16xf32, #tpu.memory_space<vmem>>[vector<16xi32>, vector<16xi32>], vector<16xf32>,
            tpu.vector_store_idx %arg29[%add3A_162, %broadcast_in_dim3A_389], %add3A_429 : memref<128x16xf32, #tpu.memory_space<vmem>>[vector<16xi32>, vector<16xi32>], vector<16xf32>,
            %scan3A_430 = arith.constant 0 : i32
            scf.yield %scan3A_430 : i32
          }
          %scan3A_154 = arith.constant 8 : i32
          %dma_start3A = arith.constant 0 : i32
          %dma_start3A_155 = arith.constant 0 : i32
          %dma_start3A_156 = tpu.memref_slice %arg32[%dma_start3A, %dma_start3A_155] : memref<100000x16xf32, #tpu.memory_space<vmem_shared>> -> memref<100000x16xf32, #tpu.memory_space<vmem_shared>>
          tpu.enqueue_indirect_dma source(%arg29 : memref<128x16xf32, #tpu.memory_space<vmem>>) target(%dma_start3A_156 : memref<100000x16xf32, #tpu.memory_space<vmem_shared>>) offsets(%arg21 : memref<128xi32, #tpu.memory_space<vmem>>) semaphore(%arg37 : memref<!tpu.dma_semaphore, #tpu.memory_space<semaphore_mem>>) {add = true}
        } else {
        }
      } else {
      }
      %while3A_105 = arith.constant 0 : i32
      scf.yield %while3A_105 : i32
    }
    %while3A_75 = arith.constant 1 : i32
    %while3A_76 = scf.for %while3A_90 = %while3A_72 to %while3A_68 step %while3A_75 iter_args(%while3A_91 = %while3A_74) -> (i32)  : i32 {
      %mul3A_92 = arith.constant 2 : i32
      %mul3A_93 = arith.muli %while3A_90, %mul3A_92 : i32
      %sub3A_94 = arith.constant 1 : i32
      %sub3A_95 = arith.subi %mul3A_93, %sub3A_94 : i32
      %add3A_96 = arith.constant 0 : i32
      %add3A_97 = arith.addi %sub3A_95, %add3A_96 : i32
      %lt3A = arith.cmpi slt, %add3A_97, %select_n3A : i32
      %convert_element_type3A = arith.extui %lt3A : i1 to i32
      %cond3A = arith.constant 0 : i32
      %cond3A_98 = arith.cmpi ne, %convert_element_type3A, %cond3A : i32
      scf.if %cond3A_98 {
        %add3A_106 = arith.constant 1 : i32
        %add3A_107 = arith.addi %add3A_97, %add3A_106 : i32
        %ge3A = arith.constant 0 : i32
        %ge3A_108 = arith.cmpi sge, %add3A_107, %ge3A : i32
        %add3A_109 = arith.constant 1 : i32
        %add3A_110 = arith.addi %add3A_97, %add3A_109 : i32
        %lt3A_111 = arith.cmpi slt, %add3A_110, %select_n3A : i32
        %and3A_112 = arith.andi %ge3A_108, %lt3A_111 : i1
        %convert_element_type3A_113 = arith.extui %and3A_112 : i1 to i32
        %cond3A_114 = arith.constant 0 : i32
        %cond3A_115 = arith.cmpi ne, %convert_element_type3A_113, %cond3A_114 : i32
        scf.if %cond3A_115 {
          %le3A = arith.constant 0 : i32
          %le3A_121 = arith.cmpi sle, %add3A_97, %le3A : i32
          %convert_element_type3A_122 = arith.extui %le3A_121 : i1 to i32
          %cond3A_123 = arith.constant 0 : i32
          %cond3A_124 = arith.cmpi ne, %convert_element_type3A_122, %cond3A_123 : i32
          scf.if %cond3A_124 {
            %add3A_151 = arith.constant 1 : i32
            %add3A_152 = arith.addi %add3A_97, %add3A_151 : i32
            %mul3A_153 = arith.constant 16 : i32
            %mul3A_154 = arith.muli %mul3A_153, %add3A_152 : i32
            %add3A_155 = arith.addi %arg1, %mul3A_154 : i32
            %mul3A_156 = arith.constant 128 : i32
            %mul3A_157 = arith.muli %add3A_155, %mul3A_156 : i32
            %dma_start3A_158 = tpu.memref_slice %arg4[%mul3A_157] : memref<1600000xi32, #tpu.memory_space<hbm>> -> memref<128xi32, #tpu.memory_space<hbm>>
            %dma_start3A_159 = tpu.memref_slice %arg4[%mul3A_157] : memref<1600000xi32, #tpu.memory_space<hbm>> -> memref<128xi32, #tpu.memory_space<hbm>>
            tpu.enqueue_dma source(%dma_start3A_159 : memref<128xi32, #tpu.memory_space<hbm>>) target(%arg7 : memref<128xi32, #tpu.memory_space<vmem>>) target_semaphore(%arg33 : memref<!tpu.dma_semaphore, #tpu.memory_space<semaphore_mem>>)
            %dma_start3A_160 = tpu.memref_slice %arg5[%mul3A_157] : memref<1600000xi32, #tpu.memory_space<hbm>> -> memref<128xi32, #tpu.memory_space<hbm>>
            %dma_start3A_161 = tpu.memref_slice %arg5[%mul3A_157] : memref<1600000xi32, #tpu.memory_space<hbm>> -> memref<128xi32, #tpu.memory_space<hbm>>
            tpu.enqueue_dma source(%dma_start3A_161 : memref<128xi32, #tpu.memory_space<hbm>>) target(%arg9 : memref<128xi32, #tpu.memory_space<vmem>>) target_semaphore(%arg33 : memref<!tpu.dma_semaphore, #tpu.memory_space<semaphore_mem>>)
          } else {
          }
          %add3A_125 = arith.constant 1 : i32
          %add3A_126 = arith.addi %add3A_97, %add3A_125 : i32
          %mul3A_127 = arith.constant 16 : i32
          %mul3A_128 = arith.muli %mul3A_127, %add3A_126 : i32
          %add3A_129 = arith.addi %arg1, %mul3A_128 : i32
          %mul3A_130 = arith.constant 128 : i32
          %mul3A_131 = arith.muli %add3A_129, %mul3A_130 : i32
          %dma_wait3A_132 = tpu.memref_slice %arg4[%mul3A_131] : memref<1600000xi32, #tpu.memory_space<hbm>> -> memref<128xi32, #tpu.memory_space<hbm>>
          %dma_wait3A_133 = tpu.memref_slice %arg4[%mul3A_131] : memref<1600000xi32, #tpu.memory_space<hbm>> -> memref<128xi32, #tpu.memory_space<hbm>>
          tpu.wait_dma2 semaphore(%arg33 : memref<!tpu.dma_semaphore, #tpu.memory_space<semaphore_mem>>) src(%dma_wait3A_133 : memref<128xi32, #tpu.memory_space<hbm>>) dst(%arg7 : memref<128xi32, #tpu.memory_space<vmem>>)
          %dma_wait3A_134 = tpu.memref_slice %arg5[%mul3A_131] : memref<1600000xi32, #tpu.memory_space<hbm>> -> memref<128xi32, #tpu.memory_space<hbm>>
          %dma_wait3A_135 = tpu.memref_slice %arg5[%mul3A_131] : memref<1600000xi32, #tpu.memory_space<hbm>> -> memref<128xi32, #tpu.memory_space<hbm>>
          tpu.wait_dma2 semaphore(%arg33 : memref<!tpu.dma_semaphore, #tpu.memory_space<semaphore_mem>>) src(%dma_wait3A_135 : memref<128xi32, #tpu.memory_space<hbm>>) dst(%arg9 : memref<128xi32, #tpu.memory_space<vmem>>)
          %scan3A_136 = arith.constant 0 : i32
          %scan3A_137 = arith.constant 0 : i32
          %scan3A_138 = arith.constant 8 : i32
          %scan3A_139 = arith.addi %scan3A_137, %scan3A_138 : i32
          %scan3A_140 = arith.constant 1 : i32
          %scan3A_141 = scf.for %scan3A_151 = %scan3A_137 to %scan3A_139 step %scan3A_140 iter_args(%scan3A_152 = %scan3A_136) -> (i32)  : i32 {
            %mul3A_153 = arith.constant 16 : i32
            %mul3A_154 = arith.muli %scan3A_151, %mul3A_153 : i32
            %get3A = arith.index_cast %mul3A_154 : i32 to index
            %get3A_155 = tpu.vector_load %arg7[%get3A] {strides = array<i32>} : memref<128xi32, #tpu.memory_space<vmem>>, vector<16xi32>,
            %get3A_156 = arith.index_cast %mul3A_154 : i32 to index
            %get3A_157 = tpu.vector_load %arg9[%get3A_156] {strides = array<i32>} : memref<128xi32, #tpu.memory_space<vmem>>, vector<16xi32>,
            %mul3A_158 = arith.constant 2 : i32
            %mul3A_159 = vector.broadcast %mul3A_158 : i32 to vector<16xi32>
            %mul3A_160 = arith.muli %get3A_155, %mul3A_159 : vector<16xi32>
            %add3A_161 = vector.broadcast %arg0 : i32 to vector<16xi32>
            %add3A_162 = arith.addi %mul3A_160, %add3A_161 : vector<16xi32>
            %swap3A = arith.index_cast %mul3A_154 : i32 to index
            %swap3A_163 = tpu.vector_load %arg11[%swap3A] {strides = array<i32>} : memref<128xi32, #tpu.memory_space<vmem>>, vector<16xi32>,
            tpu.vector_store %arg11[%swap3A], %add3A_162 {strides = array<i32>} : memref<128xi32, #tpu.memory_space<vmem>>, vector<16xi32>,
            %shift_right_arithmetic3A = arith.constant 2 : i32
            %shift_right_arithmetic3A_164 = vector.broadcast %shift_right_arithmetic3A : i32 to vector<16xi32>
            %shift_right_arithmetic3A_165 = arith.shrsi %get3A_155, %shift_right_arithmetic3A_164 : vector<16xi32>
            %swap3A_166 = arith.index_cast %mul3A_154 : i32 to index
            %swap3A_167 = tpu.vector_load %arg13[%swap3A_166] {strides = array<i32>} : memref<128xi32, #tpu.memory_space<vmem>>, vector<16xi32>,
            tpu.vector_store %arg13[%swap3A_166], %shift_right_arithmetic3A_165 {strides = array<i32>} : memref<128xi32, #tpu.memory_space<vmem>>, vector<16xi32>,
            %shift_right_arithmetic3A_168 = arith.constant 2 : i32
            %shift_right_arithmetic3A_169 = vector.broadcast %shift_right_arithmetic3A_168 : i32 to vector<16xi32>
            %shift_right_arithmetic3A_170 = arith.shrsi %get3A_157, %shift_right_arithmetic3A_169 : vector<16xi32>
            %swap3A_171 = arith.index_cast %mul3A_154 : i32 to index
            %swap3A_172 = tpu.vector_load %arg15[%swap3A_171] {strides = array<i32>} : memref<128xi32, #tpu.memory_space<vmem>>, vector<16xi32>,
            tpu.vector_store %arg15[%swap3A_171], %shift_right_arithmetic3A_170 {strides = array<i32>} : memref<128xi32, #tpu.memory_space<vmem>>, vector<16xi32>,
            %scan3A_173 = arith.constant 0 : i32
            scf.yield %scan3A_173 : i32
          }
          %scan3A_142 = arith.constant 8 : i32
          %dma_start3A = arith.constant 0 : i32
          %dma_start3A_143 = arith.constant 0 : i32
          %dma_start3A_144 = tpu.memref_slice %arg2[%dma_start3A, %dma_start3A_143] : memref<25000x16xf32, #tpu.memory_space<hbm>> -> memref<25000x16xf32, #tpu.memory_space<hbm>>
          tpu.enqueue_indirect_dma source(%dma_start3A_144 : memref<25000x16xf32, #tpu.memory_space<hbm>>) target(%arg23 : memref<128x16xf32, #tpu.memory_space<vmem>>) offsets(%arg15 : memref<128xi32, #tpu.memory_space<vmem>>) semaphore(%arg35 : memref<!tpu.dma_semaphore, #tpu.memory_space<semaphore_mem>>)
          %dma_start3A_145 = arith.constant 0 : i32
          %dma_start3A_146 = arith.constant 0 : i32
          %dma_start3A_147 = tpu.memref_slice %arg2[%dma_start3A_145, %dma_start3A_146] : memref<25000x16xf32, #tpu.memory_space<hbm>> -> memref<25000x16xf32, #tpu.memory_space<hbm>>
          tpu.enqueue_indirect_dma source(%dma_start3A_147 : memref<25000x16xf32, #tpu.memory_space<hbm>>) target(%arg25 : memref<128x16xf32, #tpu.memory_space<vmem>>) offsets(%arg13 : memref<128xi32, #tpu.memory_space<vmem>>) semaphore(%arg35 : memref<!tpu.dma_semaphore, #tpu.memory_space<semaphore_mem>>)
          %dma_start3A_148 = arith.constant 0 : i32
          %dma_start3A_149 = arith.constant 0 : i32
          %dma_start3A_150 = tpu.memref_slice %arg3[%dma_start3A_148, %dma_start3A_149] : memref<200000x16xf32, #tpu.memory_space<hbm>> -> memref<200000x16xf32, #tpu.memory_space<hbm>>
          tpu.enqueue_indirect_dma source(%dma_start3A_150 : memref<200000x16xf32, #tpu.memory_space<hbm>>) target(%arg27 : memref<128x16xf32, #tpu.memory_space<vmem>>) offsets(%arg11 : memref<128xi32, #tpu.memory_space<vmem>>) semaphore(%arg35 : memref<!tpu.dma_semaphore, #tpu.memory_space<semaphore_mem>>)
        } else {
        }
        %ge3A_116 = arith.constant 0 : i32
        %ge3A_117 = arith.cmpi sge, %add3A_97, %ge3A_116 : i32
        %convert_element_type3A_118 = arith.extui %ge3A_117 : i1 to i32
        %cond3A_119 = arith.constant 0 : i32
        %cond3A_120 = arith.cmpi ne, %convert_element_type3A_118, %cond3A_119 : i32
        scf.if %cond3A_120 {
          %ge3A_121 = arith.constant 2 : i32
          %ge3A_122 = arith.cmpi sge, %add3A_97, %ge3A_121 : i32
          %convert_element_type3A_123 = arith.extui %ge3A_122 : i1 to i32
          %cond3A_124 = arith.constant 0 : i32
          %cond3A_125 = arith.cmpi ne, %convert_element_type3A_123, %cond3A_124 : i32
          scf.if %cond3A_125 {
            %dma_wait3A_157 = arith.constant 0 : i32
            %dma_wait3A_158 = arith.constant 0 : i32
            %dma_wait3A_159 = tpu.memref_slice %arg32[%dma_wait3A_157, %dma_wait3A_158] : memref<100000x16xf32, #tpu.memory_space<vmem_shared>> -> memref<100000x16xf32, #tpu.memory_space<vmem_shared>>
            tpu.wait_indirect_dma semaphore(%arg38 : memref<!tpu.dma_semaphore, #tpu.memory_space<semaphore_mem>>) src(%arg30 : memref<128x16xf32, #tpu.memory_space<vmem>>) dst(%dma_wait3A_159 : memref<100000x16xf32, #tpu.memory_space<vmem_shared>>)
          } else {
          }
          %scan3A_126 = arith.constant 0 : i32
          %scan3A_127 = arith.constant 0 : i32
          %scan3A_128 = arith.constant 8 : i32
          %scan3A_129 = arith.addi %scan3A_127, %scan3A_128 : i32
          %scan3A_130 = arith.constant 1 : i32
          %scan3A_131 = scf.for %scan3A_157 = %scan3A_127 to %scan3A_129 step %scan3A_130 iter_args(%scan3A_158 = %scan3A_126) -> (i32)  : i32 {
            %mul3A_159 = arith.constant 16 : i32
            %mul3A_160 = arith.muli %scan3A_157, %mul3A_159 : i32
            %get3A = arith.index_cast %mul3A_160 : i32 to index
            %get3A_161 = tpu.vector_load %arg8[%get3A] {strides = array<i32>} : memref<128xi32, #tpu.memory_space<vmem>>, vector<16xi32>,
            %get3A_162 = arith.index_cast %mul3A_160 : i32 to index
            %get3A_163 = tpu.vector_load %arg10[%get3A_162] {strides = array<i32>} : memref<128xi32, #tpu.memory_space<vmem>>, vector<16xi32>,
            %and3A_164 = arith.constant 3 : i32
            %and3A_165 = vector.broadcast %and3A_164 : i32 to vector<16xi32>
            %and3A_166 = arith.andi %get3A_161, %and3A_165 : vector<16xi32>
            %mul3A_167 = arith.constant 4 : i32
            %mul3A_168 = vector.broadcast %mul3A_167 : i32 to vector<16xi32>
            %mul3A_169 = arith.muli %and3A_166, %mul3A_168 : vector<16xi32>
            %swap3A = arith.index_cast %mul3A_160 : i32 to index
            %swap3A_170 = tpu.vector_load %arg20[%swap3A] {strides = array<i32>} : memref<128xi32, #tpu.memory_space<vmem>>, vector<16xi32>,
            tpu.vector_store %arg20[%swap3A], %mul3A_169 {strides = array<i32>} : memref<128xi32, #tpu.memory_space<vmem>>, vector<16xi32>,
            %and3A_171 = arith.constant 3 : i32
            %and3A_172 = vector.broadcast %and3A_171 : i32 to vector<16xi32>
            %and3A_173 = arith.andi %get3A_163, %and3A_172 : vector<16xi32>
            %mul3A_174 = arith.constant 4 : i32
            %mul3A_175 = vector.broadcast %mul3A_174 : i32 to vector<16xi32>
            %mul3A_176 = arith.muli %and3A_173, %mul3A_175 : vector<16xi32>
            %swap3A_177 = arith.index_cast %mul3A_160 : i32 to index
            %swap3A_178 = tpu.vector_load %arg18[%swap3A_177] {strides = array<i32>} : memref<128xi32, #tpu.memory_space<vmem>>, vector<16xi32>,
            tpu.vector_store %arg18[%swap3A_177], %mul3A_176 {strides = array<i32>} : memref<128xi32, #tpu.memory_space<vmem>>, vector<16xi32>,
            %swap3A_179 = arith.index_cast %mul3A_160 : i32 to index
            %swap3A_180 = tpu.vector_load %arg22[%swap3A_179] {strides = array<i32>} : memref<128xi32, #tpu.memory_space<vmem>>, vector<16xi32>,
            tpu.vector_store %arg22[%swap3A_179], %get3A_163 {strides = array<i32>} : memref<128xi32, #tpu.memory_space<vmem>>, vector<16xi32>,
            %scan3A_181 = arith.constant 0 : i32
            scf.yield %scan3A_181 : i32
          }
          %scan3A_132 = arith.constant 8 : i32
          %add3A_133 = arith.constant 2 : i32
          %add3A_134 = arith.addi %add3A_97, %add3A_133 : i32
          %lt3A_135 = arith.cmpi slt, %add3A_134, %select_n3A : i32
          %convert_element_type3A_136 = arith.extui %lt3A_135 : i1 to i32
          %cond3A_137 = arith.constant 0 : i32
          %cond3A_138 = arith.cmpi ne, %convert_element_type3A_136, %cond3A_137 : i32
          scf.if %cond3A_138 {
            %add3A_157 = arith.constant 2 : i32
            %add3A_158 = arith.addi %add3A_97, %add3A_157 : i32
            %mul3A_159 = arith.constant 16 : i32
            %mul3A_160 = arith.muli %mul3A_159, %add3A_158 : i32
            %add3A_161 = arith.addi %arg1, %mul3A_160 : i32
            %mul3A_162 = arith.constant 128 : i32
            %mul3A_163 = arith.muli %add3A_161, %mul3A_162 : i32
            %dma_start3A_164 = tpu.memref_slice %arg4[%mul3A_163] : memref<1600000xi32, #tpu.memory_space<hbm>> -> memref<128xi32, #tpu.memory_space<hbm>>
            %dma_start3A_165 = tpu.memref_slice %arg4[%mul3A_163] : memref<1600000xi32, #tpu.memory_space<hbm>> -> memref<128xi32, #tpu.memory_space<hbm>>
            tpu.enqueue_dma source(%dma_start3A_165 : memref<128xi32, #tpu.memory_space<hbm>>) target(%arg8 : memref<128xi32, #tpu.memory_space<vmem>>) target_semaphore(%arg34 : memref<!tpu.dma_semaphore, #tpu.memory_space<semaphore_mem>>)
            %dma_start3A_166 = tpu.memref_slice %arg5[%mul3A_163] : memref<1600000xi32, #tpu.memory_space<hbm>> -> memref<128xi32, #tpu.memory_space<hbm>>
            %dma_start3A_167 = tpu.memref_slice %arg5[%mul3A_163] : memref<1600000xi32, #tpu.memory_space<hbm>> -> memref<128xi32, #tpu.memory_space<hbm>>
            tpu.enqueue_dma source(%dma_start3A_167 : memref<128xi32, #tpu.memory_space<hbm>>) target(%arg10 : memref<128xi32, #tpu.memory_space<vmem>>) target_semaphore(%arg34 : memref<!tpu.dma_semaphore, #tpu.memory_space<semaphore_mem>>)
          } else {
          }
          %dma_wait3A_139 = arith.constant 0 : i32
          %dma_wait3A_140 = arith.constant 0 : i32
          %dma_wait3A_141 = tpu.memref_slice %arg2[%dma_wait3A_139, %dma_wait3A_140] : memref<25000x16xf32, #tpu.memory_space<hbm>> -> memref<25000x16xf32, #tpu.memory_space<hbm>>
          tpu.wait_indirect_dma semaphore(%arg36 : memref<!tpu.dma_semaphore, #tpu.memory_space<semaphore_mem>>) src(%dma_wait3A_141 : memref<25000x16xf32, #tpu.memory_space<hbm>>) dst(%arg24 : memref<128x16xf32, #tpu.memory_space<vmem>>)
          %dma_wait3A_142 = arith.constant 0 : i32
          %dma_wait3A_143 = arith.constant 0 : i32
          %dma_wait3A_144 = tpu.memref_slice %arg2[%dma_wait3A_142, %dma_wait3A_143] : memref<25000x16xf32, #tpu.memory_space<hbm>> -> memref<25000x16xf32, #tpu.memory_space<hbm>>
          tpu.wait_indirect_dma semaphore(%arg36 : memref<!tpu.dma_semaphore, #tpu.memory_space<semaphore_mem>>) src(%dma_wait3A_144 : memref<25000x16xf32, #tpu.memory_space<hbm>>) dst(%arg26 : memref<128x16xf32, #tpu.memory_space<vmem>>)
          %dma_wait3A_145 = arith.constant 0 : i32
          %dma_wait3A_146 = arith.constant 0 : i32
          %dma_wait3A_147 = tpu.memref_slice %arg3[%dma_wait3A_145, %dma_wait3A_146] : memref<200000x16xf32, #tpu.memory_space<hbm>> -> memref<200000x16xf32, #tpu.memory_space<hbm>>
          tpu.wait_indirect_dma semaphore(%arg36 : memref<!tpu.dma_semaphore, #tpu.memory_space<semaphore_mem>>) src(%dma_wait3A_147 : memref<200000x16xf32, #tpu.memory_space<hbm>>) dst(%arg28 : memref<128x16xf32, #tpu.memory_space<vmem>>)
          %scan3A_148 = arith.constant 0 : i32
          %scan3A_149 = arith.constant 0 : i32
          %scan3A_150 = arith.constant 8 : i32
          %scan3A_151 = arith.addi %scan3A_149, %scan3A_150 : i32
          %scan3A_152 = arith.constant 1 : i32
          %scan3A_153 = scf.for %scan3A_157 = %scan3A_149 to %scan3A_151 step %scan3A_152 iter_args(%scan3A_158 = %scan3A_148) -> (i32)  : i32 {
            %mul3A_159 = arith.constant 16 : i32
            %mul3A_160 = arith.muli %scan3A_157, %mul3A_159 : i32
            %iota3A = tpu.iota {dimensions = array<i32: 0>} : vector<16xi32>
            %add3A_161 = vector.broadcast %mul3A_160 : i32 to vector<16xi32>
            %add3A_162 = arith.addi %add3A_161, %iota3A : vector<16xi32>
            %mul3A_163 = arith.constant 16 : i32
            %mul3A_164 = arith.muli %scan3A_157, %mul3A_163 : i32
            %get3A = arith.index_cast %mul3A_164 : i32 to index
            %get3A_165 = tpu.vector_load %arg18[%get3A] {strides = array<i32>} : memref<128xi32, #tpu.memory_space<vmem>>, vector<16xi32>,
            %mul3A_166 = arith.constant 16 : i32
            %mul3A_167 = arith.muli %scan3A_157, %mul3A_166 : i32
            %get3A_168 = arith.index_cast %mul3A_167 : i32 to index
            %get3A_169 = tpu.vector_load %arg20[%get3A_168] {strides = array<i32>} : memref<128xi32, #tpu.memory_space<vmem>>, vector<16xi32>,
            %gather3A = tpu.vector_load_idx %arg24[%add3A_162, %get3A_165] : memref<128x16xf32, #tpu.memory_space<vmem>>[vector<16xi32>, vector<16xi32>], vector<16xf32>,
            %gather3A_170 = tpu.vector_load_idx %arg26[%add3A_162, %get3A_169] : memref<128x16xf32, #tpu.memory_space<vmem>>[vector<16xi32>, vector<16xi32>], vector<16xf32>,
            %sub3A_171 = arith.subf %gather3A, %gather3A_170 : vector<16xf32>
            %add3A_172 = arith.constant 1 : i32
            %add3A_173 = vector.broadcast %add3A_172 : i32 to vector<16xi32>
            %add3A_174 = arith.addi %get3A_165, %add3A_173 : vector<16xi32>
            %gather3A_175 = tpu.vector_load_idx %arg24[%add3A_162, %add3A_174] : memref<128x16xf32, #tpu.memory_space<vmem>>[vector<16xi32>, vector<16xi32>], vector<16xf32>,
            %add3A_176 = arith.constant 1 : i32
            %add3A_177 = vector.broadcast %add3A_176 : i32 to vector<16xi32>
            %add3A_178 = arith.addi %get3A_169, %add3A_177 : vector<16xi32>
            %gather3A_179 = tpu.vector_load_idx %arg26[%add3A_162, %add3A_178] : memref<128x16xf32, #tpu.memory_space<vmem>>[vector<16xi32>, vector<16xi32>], vector<16xf32>,
            %sub3A_180 = arith.subf %gather3A_175, %gather3A_179 : vector<16xf32>
            %add3A_181 = arith.constant 2 : i32
            %add3A_182 = vector.broadcast %add3A_181 : i32 to vector<16xi32>
            %add3A_183 = arith.addi %get3A_165, %add3A_182 : vector<16xi32>
            %gather3A_184 = tpu.vector_load_idx %arg24[%add3A_162, %add3A_183] : memref<128x16xf32, #tpu.memory_space<vmem>>[vector<16xi32>, vector<16xi32>], vector<16xf32>,
            %add3A_185 = arith.constant 2 : i32
            %add3A_186 = vector.broadcast %add3A_185 : i32 to vector<16xi32>
            %add3A_187 = arith.addi %get3A_169, %add3A_186 : vector<16xi32>
            %gather3A_188 = tpu.vector_load_idx %arg26[%add3A_162, %add3A_187] : memref<128x16xf32, #tpu.memory_space<vmem>>[vector<16xi32>, vector<16xi32>], vector<16xf32>,
            %sub3A_189 = arith.subf %gather3A_184, %gather3A_188 : vector<16xf32>
            %mul3A_190 = arith.mulf %sub3A_171, %sub3A_171 : vector<16xf32>
            %mul3A_191 = arith.mulf %sub3A_180, %sub3A_180 : vector<16xf32>
            %add3A_192 = arith.addf %mul3A_190, %mul3A_191 : vector<16xf32>
            %mul3A_193 = arith.mulf %sub3A_189, %sub3A_189 : vector<16xf32>
            %add3A_194 = arith.addf %add3A_192, %mul3A_193 : vector<16xf32>
            %bitcast3A = vector.bitcast %add3A_194 : vector<16xf32> to vector<16xi32>
            %shift_right_arithmetic3A = arith.constant 1 : i32
            %shift_right_arithmetic3A_195 = vector.broadcast %shift_right_arithmetic3A : i32 to vector<16xi32>
            %shift_right_arithmetic3A_196 = arith.shrsi %bitcast3A, %shift_right_arithmetic3A_195 : vector<16xi32>
            %sub3A_197 = arith.constant 1597463007 : i32
            %sub3A_198 = vector.broadcast %sub3A_197 : i32 to vector<16xi32>
            %sub3A_199 = arith.subi %sub3A_198, %shift_right_arithmetic3A_196 : vector<16xi32>
            %bitcast3A_200 = vector.bitcast %sub3A_199 : vector<16xi32> to vector<16xf32>
            %mul3A_201 = arith.constant 5.000000e-01 : f32
            %mul3A_202 = vector.broadcast %mul3A_201 : f32 to vector<16xf32>
            %mul3A_203 = arith.mulf %mul3A_202, %add3A_194 : vector<16xf32>
            %mul3A_204 = arith.mulf %mul3A_203, %bitcast3A_200 : vector<16xf32>
            %mul3A_205 = arith.mulf %mul3A_204, %bitcast3A_200 : vector<16xf32>
            %sub3A_206 = arith.constant 1.500000e+00 : f32
            %sub3A_207 = vector.broadcast %sub3A_206 : f32 to vector<16xf32>
            %sub3A_208 = arith.subf %sub3A_207, %mul3A_205 : vector<16xf32>
            %mul3A_209 = arith.mulf %bitcast3A_200, %sub3A_208 : vector<16xf32>
            %mul3A_210 = arith.constant 5.000000e-01 : f32
            %mul3A_211 = vector.broadcast %mul3A_210 : f32 to vector<16xf32>
            %mul3A_212 = arith.mulf %mul3A_211, %add3A_194 : vector<16xf32>
            %mul3A_213 = arith.mulf %mul3A_212, %mul3A_209 : vector<16xf32>
            %mul3A_214 = arith.mulf %mul3A_213, %mul3A_209 : vector<16xf32>
            %sub3A_215 = arith.constant 1.500000e+00 : f32
            %sub3A_216 = vector.broadcast %sub3A_215 : f32 to vector<16xf32>
            %sub3A_217 = arith.subf %sub3A_216, %mul3A_214 : vector<16xf32>
            %mul3A_218 = arith.mulf %mul3A_209, %sub3A_217 : vector<16xf32>
            %mul3A_219 = arith.constant 5.000000e-01 : f32
            %mul3A_220 = vector.broadcast %mul3A_219 : f32 to vector<16xf32>
            %mul3A_221 = arith.mulf %mul3A_220, %add3A_194 : vector<16xf32>
            %mul3A_222 = arith.mulf %mul3A_221, %mul3A_218 : vector<16xf32>
            %mul3A_223 = arith.mulf %mul3A_222, %mul3A_218 : vector<16xf32>
            %sub3A_224 = arith.constant 1.500000e+00 : f32
            %sub3A_225 = vector.broadcast %sub3A_224 : f32 to vector<16xf32>
            %sub3A_226 = arith.subf %sub3A_225, %mul3A_223 : vector<16xf32>
            %mul3A_227 = arith.mulf %mul3A_218, %sub3A_226 : vector<16xf32>
            %mul3A_228 = arith.mulf %add3A_194, %mul3A_227 : vector<16xf32>
            %add3A_229 = arith.constant 9.99999971E-10 : f32
            %add3A_230 = vector.broadcast %add3A_229 : f32 to vector<16xf32>
            %add3A_231 = arith.addf %mul3A_228, %add3A_230 : vector<16xf32>
            %div3A_232 = arith.constant 1.000000e+00 : f32
            %div3A_233 = vector.broadcast %div3A_232 : f32 to vector<16xf32>
            %div3A_234 = arith.divf %div3A_233, %add3A_231 : vector<16xf32>
            %mul3A_235 = arith.mulf %sub3A_171, %div3A_234 : vector<16xf32>
            %mul3A_236 = arith.mulf %sub3A_180, %div3A_234 : vector<16xf32>
            %mul3A_237 = arith.mulf %sub3A_189, %div3A_234 : vector<16xf32>
            %broadcast_in_dim3A_238 = arith.constant 0 : i32
            %broadcast_in_dim3A_239 = vector.broadcast %broadcast_in_dim3A_238 : i32 to vector<16xi32>
            %broadcast_in_dim3A_240 = arith.constant 1 : i32
            %broadcast_in_dim3A_241 = vector.broadcast %broadcast_in_dim3A_240 : i32 to vector<16xi32>
            %broadcast_in_dim3A_242 = arith.constant 2 : i32
            %broadcast_in_dim3A_243 = vector.broadcast %broadcast_in_dim3A_242 : i32 to vector<16xi32>
            %broadcast_in_dim3A_244 = arith.constant 3 : i32
            %broadcast_in_dim3A_245 = vector.broadcast %broadcast_in_dim3A_244 : i32 to vector<16xi32>
            %gather3A_246 = tpu.vector_load_idx %arg28[%add3A_162, %broadcast_in_dim3A_239] : memref<128x16xf32, #tpu.memory_space<vmem>>[vector<16xi32>, vector<16xi32>], vector<16xf32>,
            %gather3A_247 = tpu.vector_load_idx %arg28[%add3A_162, %broadcast_in_dim3A_241] : memref<128x16xf32, #tpu.memory_space<vmem>>[vector<16xi32>, vector<16xi32>], vector<16xf32>,
            %gather3A_248 = tpu.vector_load_idx %arg28[%add3A_162, %broadcast_in_dim3A_243] : memref<128x16xf32, #tpu.memory_space<vmem>>[vector<16xi32>, vector<16xi32>], vector<16xf32>,
            %gather3A_249 = tpu.vector_load_idx %arg28[%add3A_162, %broadcast_in_dim3A_245] : memref<128x16xf32, #tpu.memory_space<vmem>>[vector<16xi32>, vector<16xi32>], vector<16xf32>,
            %mul3A_250 = arith.mulf %gather3A_247, %mul3A_235 : vector<16xf32>
            %mul3A_251 = arith.mulf %gather3A_248, %mul3A_236 : vector<16xf32>
            %add3A_252 = arith.addf %mul3A_250, %mul3A_251 : vector<16xf32>
            %mul3A_253 = arith.mulf %gather3A_249, %mul3A_237 : vector<16xf32>
            %add3A_254 = arith.addf %add3A_252, %mul3A_253 : vector<16xf32>
            %mul3A_255 = arith.constant 0.577350259 : f32
            %mul3A_256 = vector.broadcast %mul3A_255 : f32 to vector<16xf32>
            %mul3A_257 = arith.mulf %add3A_254, %mul3A_256 : vector<16xf32>
            %add3A_258 = arith.addf %gather3A_246, %mul3A_257 : vector<16xf32>
            %mul3A_259 = arith.mulf %gather3A_246, %mul3A_235 : vector<16xf32>
            %add3A_260 = arith.addf %mul3A_259, %gather3A_247 : vector<16xf32>
            %mul3A_261 = arith.mulf %gather3A_248, %mul3A_237 : vector<16xf32>
            %mul3A_262 = arith.mulf %gather3A_249, %mul3A_236 : vector<16xf32>
            %sub3A_263 = arith.subf %mul3A_261, %mul3A_262 : vector<16xf32>
            %mul3A_264 = arith.constant 0.707106769 : f32
            %mul3A_265 = vector.broadcast %mul3A_264 : f32 to vector<16xf32>
            %mul3A_266 = arith.mulf %sub3A_263, %mul3A_265 : vector<16xf32>
            %add3A_267 = arith.addf %add3A_260, %mul3A_266 : vector<16xf32>
            %mul3A_268 = arith.mulf %gather3A_246, %mul3A_236 : vector<16xf32>
            %add3A_269 = arith.addf %mul3A_268, %gather3A_248 : vector<16xf32>
            %mul3A_270 = arith.mulf %gather3A_249, %mul3A_235 : vector<16xf32>
            %mul3A_271 = arith.mulf %gather3A_247, %mul3A_237 : vector<16xf32>
            %sub3A_272 = arith.subf %mul3A_270, %mul3A_271 : vector<16xf32>
            %mul3A_273 = arith.constant 0.707106769 : f32
            %mul3A_274 = vector.broadcast %mul3A_273 : f32 to vector<16xf32>
            %mul3A_275 = arith.mulf %sub3A_272, %mul3A_274 : vector<16xf32>
            %add3A_276 = arith.addf %add3A_269, %mul3A_275 : vector<16xf32>
            %mul3A_277 = arith.mulf %gather3A_246, %mul3A_237 : vector<16xf32>
            %add3A_278 = arith.addf %mul3A_277, %gather3A_249 : vector<16xf32>
            %mul3A_279 = arith.mulf %gather3A_247, %mul3A_236 : vector<16xf32>
            %mul3A_280 = arith.mulf %gather3A_248, %mul3A_235 : vector<16xf32>
            %sub3A_281 = arith.subf %mul3A_279, %mul3A_280 : vector<16xf32>
            %mul3A_282 = arith.constant 0.707106769 : f32
            %mul3A_283 = vector.broadcast %mul3A_282 : f32 to vector<16xf32>
            %mul3A_284 = arith.mulf %sub3A_281, %mul3A_283 : vector<16xf32>
            %add3A_285 = arith.addf %add3A_278, %mul3A_284 : vector<16xf32>
            tpu.vector_store_idx %arg30[%add3A_162, %broadcast_in_dim3A_239], %add3A_258 : memref<128x16xf32, #tpu.memory_space<vmem>>[vector<16xi32>, vector<16xi32>], vector<16xf32>,
            tpu.vector_store_idx %arg30[%add3A_162, %broadcast_in_dim3A_241], %add3A_267 : memref<128x16xf32, #tpu.memory_space<vmem>>[vector<16xi32>, vector<16xi32>], vector<16xf32>,
            tpu.vector_store_idx %arg30[%add3A_162, %broadcast_in_dim3A_243], %add3A_276 : memref<128x16xf32, #tpu.memory_space<vmem>>[vector<16xi32>, vector<16xi32>], vector<16xf32>,
            tpu.vector_store_idx %arg30[%add3A_162, %broadcast_in_dim3A_245], %add3A_285 : memref<128x16xf32, #tpu.memory_space<vmem>>[vector<16xi32>, vector<16xi32>], vector<16xf32>,
            %broadcast_in_dim3A_286 = arith.constant 4 : i32
            %broadcast_in_dim3A_287 = vector.broadcast %broadcast_in_dim3A_286 : i32 to vector<16xi32>
            %broadcast_in_dim3A_288 = arith.constant 5 : i32
            %broadcast_in_dim3A_289 = vector.broadcast %broadcast_in_dim3A_288 : i32 to vector<16xi32>
            %broadcast_in_dim3A_290 = arith.constant 6 : i32
            %broadcast_in_dim3A_291 = vector.broadcast %broadcast_in_dim3A_290 : i32 to vector<16xi32>
            %broadcast_in_dim3A_292 = arith.constant 7 : i32
            %broadcast_in_dim3A_293 = vector.broadcast %broadcast_in_dim3A_292 : i32 to vector<16xi32>
            %gather3A_294 = tpu.vector_load_idx %arg28[%add3A_162, %broadcast_in_dim3A_287] : memref<128x16xf32, #tpu.memory_space<vmem>>[vector<16xi32>, vector<16xi32>], vector<16xf32>,
            %gather3A_295 = tpu.vector_load_idx %arg28[%add3A_162, %broadcast_in_dim3A_289] : memref<128x16xf32, #tpu.memory_space<vmem>>[vector<16xi32>, vector<16xi32>], vector<16xf32>,
            %gather3A_296 = tpu.vector_load_idx %arg28[%add3A_162, %broadcast_in_dim3A_291] : memref<128x16xf32, #tpu.memory_space<vmem>>[vector<16xi32>, vector<16xi32>], vector<16xf32>,
            %gather3A_297 = tpu.vector_load_idx %arg28[%add3A_162, %broadcast_in_dim3A_293] : memref<128x16xf32, #tpu.memory_space<vmem>>[vector<16xi32>, vector<16xi32>], vector<16xf32>,
            %mul3A_298 = arith.mulf %gather3A_295, %mul3A_235 : vector<16xf32>
            %mul3A_299 = arith.mulf %gather3A_296, %mul3A_236 : vector<16xf32>
            %add3A_300 = arith.addf %mul3A_298, %mul3A_299 : vector<16xf32>
            %mul3A_301 = arith.mulf %gather3A_297, %mul3A_237 : vector<16xf32>
            %add3A_302 = arith.addf %add3A_300, %mul3A_301 : vector<16xf32>
            %mul3A_303 = arith.constant 0.577350259 : f32
            %mul3A_304 = vector.broadcast %mul3A_303 : f32 to vector<16xf32>
            %mul3A_305 = arith.mulf %add3A_302, %mul3A_304 : vector<16xf32>
            %add3A_306 = arith.addf %gather3A_294, %mul3A_305 : vector<16xf32>
            %mul3A_307 = arith.mulf %gather3A_294, %mul3A_235 : vector<16xf32>
            %add3A_308 = arith.addf %mul3A_307, %gather3A_295 : vector<16xf32>
            %mul3A_309 = arith.mulf %gather3A_296, %mul3A_237 : vector<16xf32>
            %mul3A_310 = arith.mulf %gather3A_297, %mul3A_236 : vector<16xf32>
            %sub3A_311 = arith.subf %mul3A_309, %mul3A_310 : vector<16xf32>
            %mul3A_312 = arith.constant 0.707106769 : f32
            %mul3A_313 = vector.broadcast %mul3A_312 : f32 to vector<16xf32>
            %mul3A_314 = arith.mulf %sub3A_311, %mul3A_313 : vector<16xf32>
            %add3A_315 = arith.addf %add3A_308, %mul3A_314 : vector<16xf32>
            %mul3A_316 = arith.mulf %gather3A_294, %mul3A_236 : vector<16xf32>
            %add3A_317 = arith.addf %mul3A_316, %gather3A_296 : vector<16xf32>
            %mul3A_318 = arith.mulf %gather3A_297, %mul3A_235 : vector<16xf32>
            %mul3A_319 = arith.mulf %gather3A_295, %mul3A_237 : vector<16xf32>
            %sub3A_320 = arith.subf %mul3A_318, %mul3A_319 : vector<16xf32>
            %mul3A_321 = arith.constant 0.707106769 : f32
            %mul3A_322 = vector.broadcast %mul3A_321 : f32 to vector<16xf32>
            %mul3A_323 = arith.mulf %sub3A_320, %mul3A_322 : vector<16xf32>
            %add3A_324 = arith.addf %add3A_317, %mul3A_323 : vector<16xf32>
            %mul3A_325 = arith.mulf %gather3A_294, %mul3A_237 : vector<16xf32>
            %add3A_326 = arith.addf %mul3A_325, %gather3A_297 : vector<16xf32>
            %mul3A_327 = arith.mulf %gather3A_295, %mul3A_236 : vector<16xf32>
            %mul3A_328 = arith.mulf %gather3A_296, %mul3A_235 : vector<16xf32>
            %sub3A_329 = arith.subf %mul3A_327, %mul3A_328 : vector<16xf32>
            %mul3A_330 = arith.constant 0.707106769 : f32
            %mul3A_331 = vector.broadcast %mul3A_330 : f32 to vector<16xf32>
            %mul3A_332 = arith.mulf %sub3A_329, %mul3A_331 : vector<16xf32>
            %add3A_333 = arith.addf %add3A_326, %mul3A_332 : vector<16xf32>
            tpu.vector_store_idx %arg30[%add3A_162, %broadcast_in_dim3A_287], %add3A_306 : memref<128x16xf32, #tpu.memory_space<vmem>>[vector<16xi32>, vector<16xi32>], vector<16xf32>,
            tpu.vector_store_idx %arg30[%add3A_162, %broadcast_in_dim3A_289], %add3A_315 : memref<128x16xf32, #tpu.memory_space<vmem>>[vector<16xi32>, vector<16xi32>], vector<16xf32>,
            tpu.vector_store_idx %arg30[%add3A_162, %broadcast_in_dim3A_291], %add3A_324 : memref<128x16xf32, #tpu.memory_space<vmem>>[vector<16xi32>, vector<16xi32>], vector<16xf32>,
            tpu.vector_store_idx %arg30[%add3A_162, %broadcast_in_dim3A_293], %add3A_333 : memref<128x16xf32, #tpu.memory_space<vmem>>[vector<16xi32>, vector<16xi32>], vector<16xf32>,
            %broadcast_in_dim3A_334 = arith.constant 8 : i32
            %broadcast_in_dim3A_335 = vector.broadcast %broadcast_in_dim3A_334 : i32 to vector<16xi32>
            %broadcast_in_dim3A_336 = arith.constant 9 : i32
            %broadcast_in_dim3A_337 = vector.broadcast %broadcast_in_dim3A_336 : i32 to vector<16xi32>
            %broadcast_in_dim3A_338 = arith.constant 10 : i32
            %broadcast_in_dim3A_339 = vector.broadcast %broadcast_in_dim3A_338 : i32 to vector<16xi32>
            %broadcast_in_dim3A_340 = arith.constant 11 : i32
            %broadcast_in_dim3A_341 = vector.broadcast %broadcast_in_dim3A_340 : i32 to vector<16xi32>
            %gather3A_342 = tpu.vector_load_idx %arg28[%add3A_162, %broadcast_in_dim3A_335] : memref<128x16xf32, #tpu.memory_space<vmem>>[vector<16xi32>, vector<16xi32>], vector<16xf32>,
            %gather3A_343 = tpu.vector_load_idx %arg28[%add3A_162, %broadcast_in_dim3A_337] : memref<128x16xf32, #tpu.memory_space<vmem>>[vector<16xi32>, vector<16xi32>], vector<16xf32>,
            %gather3A_344 = tpu.vector_load_idx %arg28[%add3A_162, %broadcast_in_dim3A_339] : memref<128x16xf32, #tpu.memory_space<vmem>>[vector<16xi32>, vector<16xi32>], vector<16xf32>,
            %gather3A_345 = tpu.vector_load_idx %arg28[%add3A_162, %broadcast_in_dim3A_341] : memref<128x16xf32, #tpu.memory_space<vmem>>[vector<16xi32>, vector<16xi32>], vector<16xf32>,
            %mul3A_346 = arith.mulf %gather3A_343, %mul3A_235 : vector<16xf32>
            %mul3A_347 = arith.mulf %gather3A_344, %mul3A_236 : vector<16xf32>
            %add3A_348 = arith.addf %mul3A_346, %mul3A_347 : vector<16xf32>
            %mul3A_349 = arith.mulf %gather3A_345, %mul3A_237 : vector<16xf32>
            %add3A_350 = arith.addf %add3A_348, %mul3A_349 : vector<16xf32>
            %mul3A_351 = arith.constant 0.577350259 : f32
            %mul3A_352 = vector.broadcast %mul3A_351 : f32 to vector<16xf32>
            %mul3A_353 = arith.mulf %add3A_350, %mul3A_352 : vector<16xf32>
            %add3A_354 = arith.addf %gather3A_342, %mul3A_353 : vector<16xf32>
            %mul3A_355 = arith.mulf %gather3A_342, %mul3A_235 : vector<16xf32>
            %add3A_356 = arith.addf %mul3A_355, %gather3A_343 : vector<16xf32>
            %mul3A_357 = arith.mulf %gather3A_344, %mul3A_237 : vector<16xf32>
            %mul3A_358 = arith.mulf %gather3A_345, %mul3A_236 : vector<16xf32>
            %sub3A_359 = arith.subf %mul3A_357, %mul3A_358 : vector<16xf32>
            %mul3A_360 = arith.constant 0.707106769 : f32
            %mul3A_361 = vector.broadcast %mul3A_360 : f32 to vector<16xf32>
            %mul3A_362 = arith.mulf %sub3A_359, %mul3A_361 : vector<16xf32>
            %add3A_363 = arith.addf %add3A_356, %mul3A_362 : vector<16xf32>
            %mul3A_364 = arith.mulf %gather3A_342, %mul3A_236 : vector<16xf32>
            %add3A_365 = arith.addf %mul3A_364, %gather3A_344 : vector<16xf32>
            %mul3A_366 = arith.mulf %gather3A_345, %mul3A_235 : vector<16xf32>
            %mul3A_367 = arith.mulf %gather3A_343, %mul3A_237 : vector<16xf32>
            %sub3A_368 = arith.subf %mul3A_366, %mul3A_367 : vector<16xf32>
            %mul3A_369 = arith.constant 0.707106769 : f32
            %mul3A_370 = vector.broadcast %mul3A_369 : f32 to vector<16xf32>
            %mul3A_371 = arith.mulf %sub3A_368, %mul3A_370 : vector<16xf32>
            %add3A_372 = arith.addf %add3A_365, %mul3A_371 : vector<16xf32>
            %mul3A_373 = arith.mulf %gather3A_342, %mul3A_237 : vector<16xf32>
            %add3A_374 = arith.addf %mul3A_373, %gather3A_345 : vector<16xf32>
            %mul3A_375 = arith.mulf %gather3A_343, %mul3A_236 : vector<16xf32>
            %mul3A_376 = arith.mulf %gather3A_344, %mul3A_235 : vector<16xf32>
            %sub3A_377 = arith.subf %mul3A_375, %mul3A_376 : vector<16xf32>
            %mul3A_378 = arith.constant 0.707106769 : f32
            %mul3A_379 = vector.broadcast %mul3A_378 : f32 to vector<16xf32>
            %mul3A_380 = arith.mulf %sub3A_377, %mul3A_379 : vector<16xf32>
            %add3A_381 = arith.addf %add3A_374, %mul3A_380 : vector<16xf32>
            tpu.vector_store_idx %arg30[%add3A_162, %broadcast_in_dim3A_335], %add3A_354 : memref<128x16xf32, #tpu.memory_space<vmem>>[vector<16xi32>, vector<16xi32>], vector<16xf32>,
            tpu.vector_store_idx %arg30[%add3A_162, %broadcast_in_dim3A_337], %add3A_363 : memref<128x16xf32, #tpu.memory_space<vmem>>[vector<16xi32>, vector<16xi32>], vector<16xf32>,
            tpu.vector_store_idx %arg30[%add3A_162, %broadcast_in_dim3A_339], %add3A_372 : memref<128x16xf32, #tpu.memory_space<vmem>>[vector<16xi32>, vector<16xi32>], vector<16xf32>,
            tpu.vector_store_idx %arg30[%add3A_162, %broadcast_in_dim3A_341], %add3A_381 : memref<128x16xf32, #tpu.memory_space<vmem>>[vector<16xi32>, vector<16xi32>], vector<16xf32>,
            %broadcast_in_dim3A_382 = arith.constant 12 : i32
            %broadcast_in_dim3A_383 = vector.broadcast %broadcast_in_dim3A_382 : i32 to vector<16xi32>
            %broadcast_in_dim3A_384 = arith.constant 13 : i32
            %broadcast_in_dim3A_385 = vector.broadcast %broadcast_in_dim3A_384 : i32 to vector<16xi32>
            %broadcast_in_dim3A_386 = arith.constant 14 : i32
            %broadcast_in_dim3A_387 = vector.broadcast %broadcast_in_dim3A_386 : i32 to vector<16xi32>
            %broadcast_in_dim3A_388 = arith.constant 15 : i32
            %broadcast_in_dim3A_389 = vector.broadcast %broadcast_in_dim3A_388 : i32 to vector<16xi32>
            %gather3A_390 = tpu.vector_load_idx %arg28[%add3A_162, %broadcast_in_dim3A_383] : memref<128x16xf32, #tpu.memory_space<vmem>>[vector<16xi32>, vector<16xi32>], vector<16xf32>,
            %gather3A_391 = tpu.vector_load_idx %arg28[%add3A_162, %broadcast_in_dim3A_385] : memref<128x16xf32, #tpu.memory_space<vmem>>[vector<16xi32>, vector<16xi32>], vector<16xf32>,
            %gather3A_392 = tpu.vector_load_idx %arg28[%add3A_162, %broadcast_in_dim3A_387] : memref<128x16xf32, #tpu.memory_space<vmem>>[vector<16xi32>, vector<16xi32>], vector<16xf32>,
            %gather3A_393 = tpu.vector_load_idx %arg28[%add3A_162, %broadcast_in_dim3A_389] : memref<128x16xf32, #tpu.memory_space<vmem>>[vector<16xi32>, vector<16xi32>], vector<16xf32>,
            %mul3A_394 = arith.mulf %gather3A_391, %mul3A_235 : vector<16xf32>
            %mul3A_395 = arith.mulf %gather3A_392, %mul3A_236 : vector<16xf32>
            %add3A_396 = arith.addf %mul3A_394, %mul3A_395 : vector<16xf32>
            %mul3A_397 = arith.mulf %gather3A_393, %mul3A_237 : vector<16xf32>
            %add3A_398 = arith.addf %add3A_396, %mul3A_397 : vector<16xf32>
            %mul3A_399 = arith.constant 0.577350259 : f32
            %mul3A_400 = vector.broadcast %mul3A_399 : f32 to vector<16xf32>
            %mul3A_401 = arith.mulf %add3A_398, %mul3A_400 : vector<16xf32>
            %add3A_402 = arith.addf %gather3A_390, %mul3A_401 : vector<16xf32>
            %mul3A_403 = arith.mulf %gather3A_390, %mul3A_235 : vector<16xf32>
            %add3A_404 = arith.addf %mul3A_403, %gather3A_391 : vector<16xf32>
            %mul3A_405 = arith.mulf %gather3A_392, %mul3A_237 : vector<16xf32>
            %mul3A_406 = arith.mulf %gather3A_393, %mul3A_236 : vector<16xf32>
            %sub3A_407 = arith.subf %mul3A_405, %mul3A_406 : vector<16xf32>
            %mul3A_408 = arith.constant 0.707106769 : f32
            %mul3A_409 = vector.broadcast %mul3A_408 : f32 to vector<16xf32>
            %mul3A_410 = arith.mulf %sub3A_407, %mul3A_409 : vector<16xf32>
            %add3A_411 = arith.addf %add3A_404, %mul3A_410 : vector<16xf32>
            %mul3A_412 = arith.mulf %gather3A_390, %mul3A_236 : vector<16xf32>
            %add3A_413 = arith.addf %mul3A_412, %gather3A_392 : vector<16xf32>
            %mul3A_414 = arith.mulf %gather3A_393, %mul3A_235 : vector<16xf32>
            %mul3A_415 = arith.mulf %gather3A_391, %mul3A_237 : vector<16xf32>
            %sub3A_416 = arith.subf %mul3A_414, %mul3A_415 : vector<16xf32>
            %mul3A_417 = arith.constant 0.707106769 : f32
            %mul3A_418 = vector.broadcast %mul3A_417 : f32 to vector<16xf32>
            %mul3A_419 = arith.mulf %sub3A_416, %mul3A_418 : vector<16xf32>
            %add3A_420 = arith.addf %add3A_413, %mul3A_419 : vector<16xf32>
            %mul3A_421 = arith.mulf %gather3A_390, %mul3A_237 : vector<16xf32>
            %add3A_422 = arith.addf %mul3A_421, %gather3A_393 : vector<16xf32>
            %mul3A_423 = arith.mulf %gather3A_391, %mul3A_236 : vector<16xf32>
            %mul3A_424 = arith.mulf %gather3A_392, %mul3A_235 : vector<16xf32>
            %sub3A_425 = arith.subf %mul3A_423, %mul3A_424 : vector<16xf32>
            %mul3A_426 = arith.constant 0.707106769 : f32
            %mul3A_427 = vector.broadcast %mul3A_426 : f32 to vector<16xf32>
            %mul3A_428 = arith.mulf %sub3A_425, %mul3A_427 : vector<16xf32>
            %add3A_429 = arith.addf %add3A_422, %mul3A_428 : vector<16xf32>
            tpu.vector_store_idx %arg30[%add3A_162, %broadcast_in_dim3A_383], %add3A_402 : memref<128x16xf32, #tpu.memory_space<vmem>>[vector<16xi32>, vector<16xi32>], vector<16xf32>,
            tpu.vector_store_idx %arg30[%add3A_162, %broadcast_in_dim3A_385], %add3A_411 : memref<128x16xf32, #tpu.memory_space<vmem>>[vector<16xi32>, vector<16xi32>], vector<16xf32>,
            tpu.vector_store_idx %arg30[%add3A_162, %broadcast_in_dim3A_387], %add3A_420 : memref<128x16xf32, #tpu.memory_space<vmem>>[vector<16xi32>, vector<16xi32>], vector<16xf32>,
            tpu.vector_store_idx %arg30[%add3A_162, %broadcast_in_dim3A_389], %add3A_429 : memref<128x16xf32, #tpu.memory_space<vmem>>[vector<16xi32>, vector<16xi32>], vector<16xf32>,
            %scan3A_430 = arith.constant 0 : i32
            scf.yield %scan3A_430 : i32
          }
          %scan3A_154 = arith.constant 8 : i32
          %dma_start3A = arith.constant 0 : i32
          %dma_start3A_155 = arith.constant 0 : i32
          %dma_start3A_156 = tpu.memref_slice %arg32[%dma_start3A, %dma_start3A_155] : memref<100000x16xf32, #tpu.memory_space<vmem_shared>> -> memref<100000x16xf32, #tpu.memory_space<vmem_shared>>
          tpu.enqueue_indirect_dma source(%arg30 : memref<128x16xf32, #tpu.memory_space<vmem>>) target(%dma_start3A_156 : memref<100000x16xf32, #tpu.memory_space<vmem_shared>>) offsets(%arg22 : memref<128xi32, #tpu.memory_space<vmem>>) semaphore(%arg38 : memref<!tpu.dma_semaphore, #tpu.memory_space<semaphore_mem>>) {add = true}
        } else {
        }
      } else {
      }
      %add3A_99 = arith.constant 1 : i32
      %add3A_100 = arith.addi %sub3A_95, %add3A_99 : i32
      %lt3A_101 = arith.cmpi slt, %add3A_100, %select_n3A : i32
      %convert_element_type3A_102 = arith.extui %lt3A_101 : i1 to i32
      %cond3A_103 = arith.constant 0 : i32
      %cond3A_104 = arith.cmpi ne, %convert_element_type3A_102, %cond3A_103 : i32
      scf.if %cond3A_104 {
        %add3A_106 = arith.constant 1 : i32
        %add3A_107 = arith.addi %add3A_100, %add3A_106 : i32
        %ge3A = arith.constant 0 : i32
        %ge3A_108 = arith.cmpi sge, %add3A_107, %ge3A : i32
        %add3A_109 = arith.constant 1 : i32
        %add3A_110 = arith.addi %add3A_100, %add3A_109 : i32
        %lt3A_111 = arith.cmpi slt, %add3A_110, %select_n3A : i32
        %and3A_112 = arith.andi %ge3A_108, %lt3A_111 : i1
        %convert_element_type3A_113 = arith.extui %and3A_112 : i1 to i32
        %cond3A_114 = arith.constant 0 : i32
        %cond3A_115 = arith.cmpi ne, %convert_element_type3A_113, %cond3A_114 : i32
        scf.if %cond3A_115 {
          %le3A = arith.constant 0 : i32
          %le3A_121 = arith.cmpi sle, %add3A_100, %le3A : i32
          %convert_element_type3A_122 = arith.extui %le3A_121 : i1 to i32
          %cond3A_123 = arith.constant 0 : i32
          %cond3A_124 = arith.cmpi ne, %convert_element_type3A_122, %cond3A_123 : i32
          scf.if %cond3A_124 {
            %add3A_151 = arith.constant 1 : i32
            %add3A_152 = arith.addi %add3A_100, %add3A_151 : i32
            %mul3A_153 = arith.constant 16 : i32
            %mul3A_154 = arith.muli %mul3A_153, %add3A_152 : i32
            %add3A_155 = arith.addi %arg1, %mul3A_154 : i32
            %mul3A_156 = arith.constant 128 : i32
            %mul3A_157 = arith.muli %add3A_155, %mul3A_156 : i32
            %dma_start3A_158 = tpu.memref_slice %arg4[%mul3A_157] : memref<1600000xi32, #tpu.memory_space<hbm>> -> memref<128xi32, #tpu.memory_space<hbm>>
            %dma_start3A_159 = tpu.memref_slice %arg4[%mul3A_157] : memref<1600000xi32, #tpu.memory_space<hbm>> -> memref<128xi32, #tpu.memory_space<hbm>>
            tpu.enqueue_dma source(%dma_start3A_159 : memref<128xi32, #tpu.memory_space<hbm>>) target(%arg8 : memref<128xi32, #tpu.memory_space<vmem>>) target_semaphore(%arg34 : memref<!tpu.dma_semaphore, #tpu.memory_space<semaphore_mem>>)
            %dma_start3A_160 = tpu.memref_slice %arg5[%mul3A_157] : memref<1600000xi32, #tpu.memory_space<hbm>> -> memref<128xi32, #tpu.memory_space<hbm>>
            %dma_start3A_161 = tpu.memref_slice %arg5[%mul3A_157] : memref<1600000xi32, #tpu.memory_space<hbm>> -> memref<128xi32, #tpu.memory_space<hbm>>
            tpu.enqueue_dma source(%dma_start3A_161 : memref<128xi32, #tpu.memory_space<hbm>>) target(%arg10 : memref<128xi32, #tpu.memory_space<vmem>>) target_semaphore(%arg34 : memref<!tpu.dma_semaphore, #tpu.memory_space<semaphore_mem>>)
          } else {
          }
          %add3A_125 = arith.constant 1 : i32
          %add3A_126 = arith.addi %add3A_100, %add3A_125 : i32
          %mul3A_127 = arith.constant 16 : i32
          %mul3A_128 = arith.muli %mul3A_127, %add3A_126 : i32
          %add3A_129 = arith.addi %arg1, %mul3A_128 : i32
          %mul3A_130 = arith.constant 128 : i32
          %mul3A_131 = arith.muli %add3A_129, %mul3A_130 : i32
          %dma_wait3A_132 = tpu.memref_slice %arg4[%mul3A_131] : memref<1600000xi32, #tpu.memory_space<hbm>> -> memref<128xi32, #tpu.memory_space<hbm>>
          %dma_wait3A_133 = tpu.memref_slice %arg4[%mul3A_131] : memref<1600000xi32, #tpu.memory_space<hbm>> -> memref<128xi32, #tpu.memory_space<hbm>>
          tpu.wait_dma2 semaphore(%arg34 : memref<!tpu.dma_semaphore, #tpu.memory_space<semaphore_mem>>) src(%dma_wait3A_133 : memref<128xi32, #tpu.memory_space<hbm>>) dst(%arg8 : memref<128xi32, #tpu.memory_space<vmem>>)
          %dma_wait3A_134 = tpu.memref_slice %arg5[%mul3A_131] : memref<1600000xi32, #tpu.memory_space<hbm>> -> memref<128xi32, #tpu.memory_space<hbm>>
          %dma_wait3A_135 = tpu.memref_slice %arg5[%mul3A_131] : memref<1600000xi32, #tpu.memory_space<hbm>> -> memref<128xi32, #tpu.memory_space<hbm>>
          tpu.wait_dma2 semaphore(%arg34 : memref<!tpu.dma_semaphore, #tpu.memory_space<semaphore_mem>>) src(%dma_wait3A_135 : memref<128xi32, #tpu.memory_space<hbm>>) dst(%arg10 : memref<128xi32, #tpu.memory_space<vmem>>)
          %scan3A_136 = arith.constant 0 : i32
          %scan3A_137 = arith.constant 0 : i32
          %scan3A_138 = arith.constant 8 : i32
          %scan3A_139 = arith.addi %scan3A_137, %scan3A_138 : i32
          %scan3A_140 = arith.constant 1 : i32
          %scan3A_141 = scf.for %scan3A_151 = %scan3A_137 to %scan3A_139 step %scan3A_140 iter_args(%scan3A_152 = %scan3A_136) -> (i32)  : i32 {
            %mul3A_153 = arith.constant 16 : i32
            %mul3A_154 = arith.muli %scan3A_151, %mul3A_153 : i32
            %get3A = arith.index_cast %mul3A_154 : i32 to index
            %get3A_155 = tpu.vector_load %arg8[%get3A] {strides = array<i32>} : memref<128xi32, #tpu.memory_space<vmem>>, vector<16xi32>,
            %get3A_156 = arith.index_cast %mul3A_154 : i32 to index
            %get3A_157 = tpu.vector_load %arg10[%get3A_156] {strides = array<i32>} : memref<128xi32, #tpu.memory_space<vmem>>, vector<16xi32>,
            %mul3A_158 = arith.constant 2 : i32
            %mul3A_159 = vector.broadcast %mul3A_158 : i32 to vector<16xi32>
            %mul3A_160 = arith.muli %get3A_155, %mul3A_159 : vector<16xi32>
            %add3A_161 = vector.broadcast %arg0 : i32 to vector<16xi32>
            %add3A_162 = arith.addi %mul3A_160, %add3A_161 : vector<16xi32>
            %swap3A = arith.index_cast %mul3A_154 : i32 to index
            %swap3A_163 = tpu.vector_load %arg12[%swap3A] {strides = array<i32>} : memref<128xi32, #tpu.memory_space<vmem>>, vector<16xi32>,
            tpu.vector_store %arg12[%swap3A], %add3A_162 {strides = array<i32>} : memref<128xi32, #tpu.memory_space<vmem>>, vector<16xi32>,
            %shift_right_arithmetic3A = arith.constant 2 : i32
            %shift_right_arithmetic3A_164 = vector.broadcast %shift_right_arithmetic3A : i32 to vector<16xi32>
            %shift_right_arithmetic3A_165 = arith.shrsi %get3A_155, %shift_right_arithmetic3A_164 : vector<16xi32>
            %swap3A_166 = arith.index_cast %mul3A_154 : i32 to index
            %swap3A_167 = tpu.vector_load %arg14[%swap3A_166] {strides = array<i32>} : memref<128xi32, #tpu.memory_space<vmem>>, vector<16xi32>,
            tpu.vector_store %arg14[%swap3A_166], %shift_right_arithmetic3A_165 {strides = array<i32>} : memref<128xi32, #tpu.memory_space<vmem>>, vector<16xi32>,
            %shift_right_arithmetic3A_168 = arith.constant 2 : i32
            %shift_right_arithmetic3A_169 = vector.broadcast %shift_right_arithmetic3A_168 : i32 to vector<16xi32>
            %shift_right_arithmetic3A_170 = arith.shrsi %get3A_157, %shift_right_arithmetic3A_169 : vector<16xi32>
            %swap3A_171 = arith.index_cast %mul3A_154 : i32 to index
            %swap3A_172 = tpu.vector_load %arg16[%swap3A_171] {strides = array<i32>} : memref<128xi32, #tpu.memory_space<vmem>>, vector<16xi32>,
            tpu.vector_store %arg16[%swap3A_171], %shift_right_arithmetic3A_170 {strides = array<i32>} : memref<128xi32, #tpu.memory_space<vmem>>, vector<16xi32>,
            %scan3A_173 = arith.constant 0 : i32
            scf.yield %scan3A_173 : i32
          }
          %scan3A_142 = arith.constant 8 : i32
          %dma_start3A = arith.constant 0 : i32
          %dma_start3A_143 = arith.constant 0 : i32
          %dma_start3A_144 = tpu.memref_slice %arg2[%dma_start3A, %dma_start3A_143] : memref<25000x16xf32, #tpu.memory_space<hbm>> -> memref<25000x16xf32, #tpu.memory_space<hbm>>
          tpu.enqueue_indirect_dma source(%dma_start3A_144 : memref<25000x16xf32, #tpu.memory_space<hbm>>) target(%arg24 : memref<128x16xf32, #tpu.memory_space<vmem>>) offsets(%arg16 : memref<128xi32, #tpu.memory_space<vmem>>) semaphore(%arg36 : memref<!tpu.dma_semaphore, #tpu.memory_space<semaphore_mem>>)
          %dma_start3A_145 = arith.constant 0 : i32
          %dma_start3A_146 = arith.constant 0 : i32
          %dma_start3A_147 = tpu.memref_slice %arg2[%dma_start3A_145, %dma_start3A_146] : memref<25000x16xf32, #tpu.memory_space<hbm>> -> memref<25000x16xf32, #tpu.memory_space<hbm>>
          tpu.enqueue_indirect_dma source(%dma_start3A_147 : memref<25000x16xf32, #tpu.memory_space<hbm>>) target(%arg26 : memref<128x16xf32, #tpu.memory_space<vmem>>) offsets(%arg14 : memref<128xi32, #tpu.memory_space<vmem>>) semaphore(%arg36 : memref<!tpu.dma_semaphore, #tpu.memory_space<semaphore_mem>>)
          %dma_start3A_148 = arith.constant 0 : i32
          %dma_start3A_149 = arith.constant 0 : i32
          %dma_start3A_150 = tpu.memref_slice %arg3[%dma_start3A_148, %dma_start3A_149] : memref<200000x16xf32, #tpu.memory_space<hbm>> -> memref<200000x16xf32, #tpu.memory_space<hbm>>
          tpu.enqueue_indirect_dma source(%dma_start3A_150 : memref<200000x16xf32, #tpu.memory_space<hbm>>) target(%arg28 : memref<128x16xf32, #tpu.memory_space<vmem>>) offsets(%arg12 : memref<128xi32, #tpu.memory_space<vmem>>) semaphore(%arg36 : memref<!tpu.dma_semaphore, #tpu.memory_space<semaphore_mem>>)
        } else {
        }
        %ge3A_116 = arith.constant 0 : i32
        %ge3A_117 = arith.cmpi sge, %add3A_100, %ge3A_116 : i32
        %convert_element_type3A_118 = arith.extui %ge3A_117 : i1 to i32
        %cond3A_119 = arith.constant 0 : i32
        %cond3A_120 = arith.cmpi ne, %convert_element_type3A_118, %cond3A_119 : i32
        scf.if %cond3A_120 {
          %ge3A_121 = arith.constant 2 : i32
          %ge3A_122 = arith.cmpi sge, %add3A_100, %ge3A_121 : i32
          %convert_element_type3A_123 = arith.extui %ge3A_122 : i1 to i32
          %cond3A_124 = arith.constant 0 : i32
          %cond3A_125 = arith.cmpi ne, %convert_element_type3A_123, %cond3A_124 : i32
          scf.if %cond3A_125 {
            %dma_wait3A_157 = arith.constant 0 : i32
            %dma_wait3A_158 = arith.constant 0 : i32
            %dma_wait3A_159 = tpu.memref_slice %arg32[%dma_wait3A_157, %dma_wait3A_158] : memref<100000x16xf32, #tpu.memory_space<vmem_shared>> -> memref<100000x16xf32, #tpu.memory_space<vmem_shared>>
            tpu.wait_indirect_dma semaphore(%arg37 : memref<!tpu.dma_semaphore, #tpu.memory_space<semaphore_mem>>) src(%arg29 : memref<128x16xf32, #tpu.memory_space<vmem>>) dst(%dma_wait3A_159 : memref<100000x16xf32, #tpu.memory_space<vmem_shared>>)
          } else {
          }
          %scan3A_126 = arith.constant 0 : i32
          %scan3A_127 = arith.constant 0 : i32
          %scan3A_128 = arith.constant 8 : i32
          %scan3A_129 = arith.addi %scan3A_127, %scan3A_128 : i32
          %scan3A_130 = arith.constant 1 : i32
          %scan3A_131 = scf.for %scan3A_157 = %scan3A_127 to %scan3A_129 step %scan3A_130 iter_args(%scan3A_158 = %scan3A_126) -> (i32)  : i32 {
            %mul3A_159 = arith.constant 16 : i32
            %mul3A_160 = arith.muli %scan3A_157, %mul3A_159 : i32
            %get3A = arith.index_cast %mul3A_160 : i32 to index
            %get3A_161 = tpu.vector_load %arg7[%get3A] {strides = array<i32>} : memref<128xi32, #tpu.memory_space<vmem>>, vector<16xi32>,
            %get3A_162 = arith.index_cast %mul3A_160 : i32 to index
            %get3A_163 = tpu.vector_load %arg9[%get3A_162] {strides = array<i32>} : memref<128xi32, #tpu.memory_space<vmem>>, vector<16xi32>,
            %and3A_164 = arith.constant 3 : i32
            %and3A_165 = vector.broadcast %and3A_164 : i32 to vector<16xi32>
            %and3A_166 = arith.andi %get3A_161, %and3A_165 : vector<16xi32>
            %mul3A_167 = arith.constant 4 : i32
            %mul3A_168 = vector.broadcast %mul3A_167 : i32 to vector<16xi32>
            %mul3A_169 = arith.muli %and3A_166, %mul3A_168 : vector<16xi32>
            %swap3A = arith.index_cast %mul3A_160 : i32 to index
            %swap3A_170 = tpu.vector_load %arg19[%swap3A] {strides = array<i32>} : memref<128xi32, #tpu.memory_space<vmem>>, vector<16xi32>,
            tpu.vector_store %arg19[%swap3A], %mul3A_169 {strides = array<i32>} : memref<128xi32, #tpu.memory_space<vmem>>, vector<16xi32>,
            %and3A_171 = arith.constant 3 : i32
            %and3A_172 = vector.broadcast %and3A_171 : i32 to vector<16xi32>
            %and3A_173 = arith.andi %get3A_163, %and3A_172 : vector<16xi32>
            %mul3A_174 = arith.constant 4 : i32
            %mul3A_175 = vector.broadcast %mul3A_174 : i32 to vector<16xi32>
            %mul3A_176 = arith.muli %and3A_173, %mul3A_175 : vector<16xi32>
            %swap3A_177 = arith.index_cast %mul3A_160 : i32 to index
            %swap3A_178 = tpu.vector_load %arg17[%swap3A_177] {strides = array<i32>} : memref<128xi32, #tpu.memory_space<vmem>>, vector<16xi32>,
            tpu.vector_store %arg17[%swap3A_177], %mul3A_176 {strides = array<i32>} : memref<128xi32, #tpu.memory_space<vmem>>, vector<16xi32>,
            %swap3A_179 = arith.index_cast %mul3A_160 : i32 to index
            %swap3A_180 = tpu.vector_load %arg21[%swap3A_179] {strides = array<i32>} : memref<128xi32, #tpu.memory_space<vmem>>, vector<16xi32>,
            tpu.vector_store %arg21[%swap3A_179], %get3A_163 {strides = array<i32>} : memref<128xi32, #tpu.memory_space<vmem>>, vector<16xi32>,
            %scan3A_181 = arith.constant 0 : i32
            scf.yield %scan3A_181 : i32
          }
          %scan3A_132 = arith.constant 8 : i32
          %add3A_133 = arith.constant 2 : i32
          %add3A_134 = arith.addi %add3A_100, %add3A_133 : i32
          %lt3A_135 = arith.cmpi slt, %add3A_134, %select_n3A : i32
          %convert_element_type3A_136 = arith.extui %lt3A_135 : i1 to i32
          %cond3A_137 = arith.constant 0 : i32
          %cond3A_138 = arith.cmpi ne, %convert_element_type3A_136, %cond3A_137 : i32
          scf.if %cond3A_138 {
            %add3A_157 = arith.constant 2 : i32
            %add3A_158 = arith.addi %add3A_100, %add3A_157 : i32
            %mul3A_159 = arith.constant 16 : i32
            %mul3A_160 = arith.muli %mul3A_159, %add3A_158 : i32
            %add3A_161 = arith.addi %arg1, %mul3A_160 : i32
            %mul3A_162 = arith.constant 128 : i32
            %mul3A_163 = arith.muli %add3A_161, %mul3A_162 : i32
            %dma_start3A_164 = tpu.memref_slice %arg4[%mul3A_163] : memref<1600000xi32, #tpu.memory_space<hbm>> -> memref<128xi32, #tpu.memory_space<hbm>>
            %dma_start3A_165 = tpu.memref_slice %arg4[%mul3A_163] : memref<1600000xi32, #tpu.memory_space<hbm>> -> memref<128xi32, #tpu.memory_space<hbm>>
            tpu.enqueue_dma source(%dma_start3A_165 : memref<128xi32, #tpu.memory_space<hbm>>) target(%arg7 : memref<128xi32, #tpu.memory_space<vmem>>) target_semaphore(%arg33 : memref<!tpu.dma_semaphore, #tpu.memory_space<semaphore_mem>>)
            %dma_start3A_166 = tpu.memref_slice %arg5[%mul3A_163] : memref<1600000xi32, #tpu.memory_space<hbm>> -> memref<128xi32, #tpu.memory_space<hbm>>
            %dma_start3A_167 = tpu.memref_slice %arg5[%mul3A_163] : memref<1600000xi32, #tpu.memory_space<hbm>> -> memref<128xi32, #tpu.memory_space<hbm>>
            tpu.enqueue_dma source(%dma_start3A_167 : memref<128xi32, #tpu.memory_space<hbm>>) target(%arg9 : memref<128xi32, #tpu.memory_space<vmem>>) target_semaphore(%arg33 : memref<!tpu.dma_semaphore, #tpu.memory_space<semaphore_mem>>)
          } else {
          }
          %dma_wait3A_139 = arith.constant 0 : i32
          %dma_wait3A_140 = arith.constant 0 : i32
          %dma_wait3A_141 = tpu.memref_slice %arg2[%dma_wait3A_139, %dma_wait3A_140] : memref<25000x16xf32, #tpu.memory_space<hbm>> -> memref<25000x16xf32, #tpu.memory_space<hbm>>
          tpu.wait_indirect_dma semaphore(%arg35 : memref<!tpu.dma_semaphore, #tpu.memory_space<semaphore_mem>>) src(%dma_wait3A_141 : memref<25000x16xf32, #tpu.memory_space<hbm>>) dst(%arg23 : memref<128x16xf32, #tpu.memory_space<vmem>>)
          %dma_wait3A_142 = arith.constant 0 : i32
          %dma_wait3A_143 = arith.constant 0 : i32
          %dma_wait3A_144 = tpu.memref_slice %arg2[%dma_wait3A_142, %dma_wait3A_143] : memref<25000x16xf32, #tpu.memory_space<hbm>> -> memref<25000x16xf32, #tpu.memory_space<hbm>>
          tpu.wait_indirect_dma semaphore(%arg35 : memref<!tpu.dma_semaphore, #tpu.memory_space<semaphore_mem>>) src(%dma_wait3A_144 : memref<25000x16xf32, #tpu.memory_space<hbm>>) dst(%arg25 : memref<128x16xf32, #tpu.memory_space<vmem>>)
          %dma_wait3A_145 = arith.constant 0 : i32
          %dma_wait3A_146 = arith.constant 0 : i32
          %dma_wait3A_147 = tpu.memref_slice %arg3[%dma_wait3A_145, %dma_wait3A_146] : memref<200000x16xf32, #tpu.memory_space<hbm>> -> memref<200000x16xf32, #tpu.memory_space<hbm>>
          tpu.wait_indirect_dma semaphore(%arg35 : memref<!tpu.dma_semaphore, #tpu.memory_space<semaphore_mem>>) src(%dma_wait3A_147 : memref<200000x16xf32, #tpu.memory_space<hbm>>) dst(%arg27 : memref<128x16xf32, #tpu.memory_space<vmem>>)
          %scan3A_148 = arith.constant 0 : i32
          %scan3A_149 = arith.constant 0 : i32
          %scan3A_150 = arith.constant 8 : i32
          %scan3A_151 = arith.addi %scan3A_149, %scan3A_150 : i32
          %scan3A_152 = arith.constant 1 : i32
          %scan3A_153 = scf.for %scan3A_157 = %scan3A_149 to %scan3A_151 step %scan3A_152 iter_args(%scan3A_158 = %scan3A_148) -> (i32)  : i32 {
            %mul3A_159 = arith.constant 16 : i32
            %mul3A_160 = arith.muli %scan3A_157, %mul3A_159 : i32
            %iota3A = tpu.iota {dimensions = array<i32: 0>} : vector<16xi32>
            %add3A_161 = vector.broadcast %mul3A_160 : i32 to vector<16xi32>
            %add3A_162 = arith.addi %add3A_161, %iota3A : vector<16xi32>
            %mul3A_163 = arith.constant 16 : i32
            %mul3A_164 = arith.muli %scan3A_157, %mul3A_163 : i32
            %get3A = arith.index_cast %mul3A_164 : i32 to index
            %get3A_165 = tpu.vector_load %arg17[%get3A] {strides = array<i32>} : memref<128xi32, #tpu.memory_space<vmem>>, vector<16xi32>,
            %mul3A_166 = arith.constant 16 : i32
            %mul3A_167 = arith.muli %scan3A_157, %mul3A_166 : i32
            %get3A_168 = arith.index_cast %mul3A_167 : i32 to index
            %get3A_169 = tpu.vector_load %arg19[%get3A_168] {strides = array<i32>} : memref<128xi32, #tpu.memory_space<vmem>>, vector<16xi32>,
            %gather3A = tpu.vector_load_idx %arg23[%add3A_162, %get3A_165] : memref<128x16xf32, #tpu.memory_space<vmem>>[vector<16xi32>, vector<16xi32>], vector<16xf32>,
            %gather3A_170 = tpu.vector_load_idx %arg25[%add3A_162, %get3A_169] : memref<128x16xf32, #tpu.memory_space<vmem>>[vector<16xi32>, vector<16xi32>], vector<16xf32>,
            %sub3A_171 = arith.subf %gather3A, %gather3A_170 : vector<16xf32>
            %add3A_172 = arith.constant 1 : i32
            %add3A_173 = vector.broadcast %add3A_172 : i32 to vector<16xi32>
            %add3A_174 = arith.addi %get3A_165, %add3A_173 : vector<16xi32>
            %gather3A_175 = tpu.vector_load_idx %arg23[%add3A_162, %add3A_174] : memref<128x16xf32, #tpu.memory_space<vmem>>[vector<16xi32>, vector<16xi32>], vector<16xf32>,
            %add3A_176 = arith.constant 1 : i32
            %add3A_177 = vector.broadcast %add3A_176 : i32 to vector<16xi32>
            %add3A_178 = arith.addi %get3A_169, %add3A_177 : vector<16xi32>
            %gather3A_179 = tpu.vector_load_idx %arg25[%add3A_162, %add3A_178] : memref<128x16xf32, #tpu.memory_space<vmem>>[vector<16xi32>, vector<16xi32>], vector<16xf32>,
            %sub3A_180 = arith.subf %gather3A_175, %gather3A_179 : vector<16xf32>
            %add3A_181 = arith.constant 2 : i32
            %add3A_182 = vector.broadcast %add3A_181 : i32 to vector<16xi32>
            %add3A_183 = arith.addi %get3A_165, %add3A_182 : vector<16xi32>
            %gather3A_184 = tpu.vector_load_idx %arg23[%add3A_162, %add3A_183] : memref<128x16xf32, #tpu.memory_space<vmem>>[vector<16xi32>, vector<16xi32>], vector<16xf32>,
            %add3A_185 = arith.constant 2 : i32
            %add3A_186 = vector.broadcast %add3A_185 : i32 to vector<16xi32>
            %add3A_187 = arith.addi %get3A_169, %add3A_186 : vector<16xi32>
            %gather3A_188 = tpu.vector_load_idx %arg25[%add3A_162, %add3A_187] : memref<128x16xf32, #tpu.memory_space<vmem>>[vector<16xi32>, vector<16xi32>], vector<16xf32>,
            %sub3A_189 = arith.subf %gather3A_184, %gather3A_188 : vector<16xf32>
            %mul3A_190 = arith.mulf %sub3A_171, %sub3A_171 : vector<16xf32>
            %mul3A_191 = arith.mulf %sub3A_180, %sub3A_180 : vector<16xf32>
            %add3A_192 = arith.addf %mul3A_190, %mul3A_191 : vector<16xf32>
            %mul3A_193 = arith.mulf %sub3A_189, %sub3A_189 : vector<16xf32>
            %add3A_194 = arith.addf %add3A_192, %mul3A_193 : vector<16xf32>
            %bitcast3A = vector.bitcast %add3A_194 : vector<16xf32> to vector<16xi32>
            %shift_right_arithmetic3A = arith.constant 1 : i32
            %shift_right_arithmetic3A_195 = vector.broadcast %shift_right_arithmetic3A : i32 to vector<16xi32>
            %shift_right_arithmetic3A_196 = arith.shrsi %bitcast3A, %shift_right_arithmetic3A_195 : vector<16xi32>
            %sub3A_197 = arith.constant 1597463007 : i32
            %sub3A_198 = vector.broadcast %sub3A_197 : i32 to vector<16xi32>
            %sub3A_199 = arith.subi %sub3A_198, %shift_right_arithmetic3A_196 : vector<16xi32>
            %bitcast3A_200 = vector.bitcast %sub3A_199 : vector<16xi32> to vector<16xf32>
            %mul3A_201 = arith.constant 5.000000e-01 : f32
            %mul3A_202 = vector.broadcast %mul3A_201 : f32 to vector<16xf32>
            %mul3A_203 = arith.mulf %mul3A_202, %add3A_194 : vector<16xf32>
            %mul3A_204 = arith.mulf %mul3A_203, %bitcast3A_200 : vector<16xf32>
            %mul3A_205 = arith.mulf %mul3A_204, %bitcast3A_200 : vector<16xf32>
            %sub3A_206 = arith.constant 1.500000e+00 : f32
            %sub3A_207 = vector.broadcast %sub3A_206 : f32 to vector<16xf32>
            %sub3A_208 = arith.subf %sub3A_207, %mul3A_205 : vector<16xf32>
            %mul3A_209 = arith.mulf %bitcast3A_200, %sub3A_208 : vector<16xf32>
            %mul3A_210 = arith.constant 5.000000e-01 : f32
            %mul3A_211 = vector.broadcast %mul3A_210 : f32 to vector<16xf32>
            %mul3A_212 = arith.mulf %mul3A_211, %add3A_194 : vector<16xf32>
            %mul3A_213 = arith.mulf %mul3A_212, %mul3A_209 : vector<16xf32>
            %mul3A_214 = arith.mulf %mul3A_213, %mul3A_209 : vector<16xf32>
            %sub3A_215 = arith.constant 1.500000e+00 : f32
            %sub3A_216 = vector.broadcast %sub3A_215 : f32 to vector<16xf32>
            %sub3A_217 = arith.subf %sub3A_216, %mul3A_214 : vector<16xf32>
            %mul3A_218 = arith.mulf %mul3A_209, %sub3A_217 : vector<16xf32>
            %mul3A_219 = arith.constant 5.000000e-01 : f32
            %mul3A_220 = vector.broadcast %mul3A_219 : f32 to vector<16xf32>
            %mul3A_221 = arith.mulf %mul3A_220, %add3A_194 : vector<16xf32>
            %mul3A_222 = arith.mulf %mul3A_221, %mul3A_218 : vector<16xf32>
            %mul3A_223 = arith.mulf %mul3A_222, %mul3A_218 : vector<16xf32>
            %sub3A_224 = arith.constant 1.500000e+00 : f32
            %sub3A_225 = vector.broadcast %sub3A_224 : f32 to vector<16xf32>
            %sub3A_226 = arith.subf %sub3A_225, %mul3A_223 : vector<16xf32>
            %mul3A_227 = arith.mulf %mul3A_218, %sub3A_226 : vector<16xf32>
            %mul3A_228 = arith.mulf %add3A_194, %mul3A_227 : vector<16xf32>
            %add3A_229 = arith.constant 9.99999971E-10 : f32
            %add3A_230 = vector.broadcast %add3A_229 : f32 to vector<16xf32>
            %add3A_231 = arith.addf %mul3A_228, %add3A_230 : vector<16xf32>
            %div3A_232 = arith.constant 1.000000e+00 : f32
            %div3A_233 = vector.broadcast %div3A_232 : f32 to vector<16xf32>
            %div3A_234 = arith.divf %div3A_233, %add3A_231 : vector<16xf32>
            %mul3A_235 = arith.mulf %sub3A_171, %div3A_234 : vector<16xf32>
            %mul3A_236 = arith.mulf %sub3A_180, %div3A_234 : vector<16xf32>
            %mul3A_237 = arith.mulf %sub3A_189, %div3A_234 : vector<16xf32>
            %broadcast_in_dim3A_238 = arith.constant 0 : i32
            %broadcast_in_dim3A_239 = vector.broadcast %broadcast_in_dim3A_238 : i32 to vector<16xi32>
            %broadcast_in_dim3A_240 = arith.constant 1 : i32
            %broadcast_in_dim3A_241 = vector.broadcast %broadcast_in_dim3A_240 : i32 to vector<16xi32>
            %broadcast_in_dim3A_242 = arith.constant 2 : i32
            %broadcast_in_dim3A_243 = vector.broadcast %broadcast_in_dim3A_242 : i32 to vector<16xi32>
            %broadcast_in_dim3A_244 = arith.constant 3 : i32
            %broadcast_in_dim3A_245 = vector.broadcast %broadcast_in_dim3A_244 : i32 to vector<16xi32>
            %gather3A_246 = tpu.vector_load_idx %arg27[%add3A_162, %broadcast_in_dim3A_239] : memref<128x16xf32, #tpu.memory_space<vmem>>[vector<16xi32>, vector<16xi32>], vector<16xf32>,
            %gather3A_247 = tpu.vector_load_idx %arg27[%add3A_162, %broadcast_in_dim3A_241] : memref<128x16xf32, #tpu.memory_space<vmem>>[vector<16xi32>, vector<16xi32>], vector<16xf32>,
            %gather3A_248 = tpu.vector_load_idx %arg27[%add3A_162, %broadcast_in_dim3A_243] : memref<128x16xf32, #tpu.memory_space<vmem>>[vector<16xi32>, vector<16xi32>], vector<16xf32>,
            %gather3A_249 = tpu.vector_load_idx %arg27[%add3A_162, %broadcast_in_dim3A_245] : memref<128x16xf32, #tpu.memory_space<vmem>>[vector<16xi32>, vector<16xi32>], vector<16xf32>,
            %mul3A_250 = arith.mulf %gather3A_247, %mul3A_235 : vector<16xf32>
            %mul3A_251 = arith.mulf %gather3A_248, %mul3A_236 : vector<16xf32>
            %add3A_252 = arith.addf %mul3A_250, %mul3A_251 : vector<16xf32>
            %mul3A_253 = arith.mulf %gather3A_249, %mul3A_237 : vector<16xf32>
            %add3A_254 = arith.addf %add3A_252, %mul3A_253 : vector<16xf32>
            %mul3A_255 = arith.constant 0.577350259 : f32
            %mul3A_256 = vector.broadcast %mul3A_255 : f32 to vector<16xf32>
            %mul3A_257 = arith.mulf %add3A_254, %mul3A_256 : vector<16xf32>
            %add3A_258 = arith.addf %gather3A_246, %mul3A_257 : vector<16xf32>
            %mul3A_259 = arith.mulf %gather3A_246, %mul3A_235 : vector<16xf32>
            %add3A_260 = arith.addf %mul3A_259, %gather3A_247 : vector<16xf32>
            %mul3A_261 = arith.mulf %gather3A_248, %mul3A_237 : vector<16xf32>
            %mul3A_262 = arith.mulf %gather3A_249, %mul3A_236 : vector<16xf32>
            %sub3A_263 = arith.subf %mul3A_261, %mul3A_262 : vector<16xf32>
            %mul3A_264 = arith.constant 0.707106769 : f32
            %mul3A_265 = vector.broadcast %mul3A_264 : f32 to vector<16xf32>
            %mul3A_266 = arith.mulf %sub3A_263, %mul3A_265 : vector<16xf32>
            %add3A_267 = arith.addf %add3A_260, %mul3A_266 : vector<16xf32>
            %mul3A_268 = arith.mulf %gather3A_246, %mul3A_236 : vector<16xf32>
            %add3A_269 = arith.addf %mul3A_268, %gather3A_248 : vector<16xf32>
            %mul3A_270 = arith.mulf %gather3A_249, %mul3A_235 : vector<16xf32>
            %mul3A_271 = arith.mulf %gather3A_247, %mul3A_237 : vector<16xf32>
            %sub3A_272 = arith.subf %mul3A_270, %mul3A_271 : vector<16xf32>
            %mul3A_273 = arith.constant 0.707106769 : f32
            %mul3A_274 = vector.broadcast %mul3A_273 : f32 to vector<16xf32>
            %mul3A_275 = arith.mulf %sub3A_272, %mul3A_274 : vector<16xf32>
            %add3A_276 = arith.addf %add3A_269, %mul3A_275 : vector<16xf32>
            %mul3A_277 = arith.mulf %gather3A_246, %mul3A_237 : vector<16xf32>
            %add3A_278 = arith.addf %mul3A_277, %gather3A_249 : vector<16xf32>
            %mul3A_279 = arith.mulf %gather3A_247, %mul3A_236 : vector<16xf32>
            %mul3A_280 = arith.mulf %gather3A_248, %mul3A_235 : vector<16xf32>
            %sub3A_281 = arith.subf %mul3A_279, %mul3A_280 : vector<16xf32>
            %mul3A_282 = arith.constant 0.707106769 : f32
            %mul3A_283 = vector.broadcast %mul3A_282 : f32 to vector<16xf32>
            %mul3A_284 = arith.mulf %sub3A_281, %mul3A_283 : vector<16xf32>
            %add3A_285 = arith.addf %add3A_278, %mul3A_284 : vector<16xf32>
            tpu.vector_store_idx %arg29[%add3A_162, %broadcast_in_dim3A_239], %add3A_258 : memref<128x16xf32, #tpu.memory_space<vmem>>[vector<16xi32>, vector<16xi32>], vector<16xf32>,
            tpu.vector_store_idx %arg29[%add3A_162, %broadcast_in_dim3A_241], %add3A_267 : memref<128x16xf32, #tpu.memory_space<vmem>>[vector<16xi32>, vector<16xi32>], vector<16xf32>,
            tpu.vector_store_idx %arg29[%add3A_162, %broadcast_in_dim3A_243], %add3A_276 : memref<128x16xf32, #tpu.memory_space<vmem>>[vector<16xi32>, vector<16xi32>], vector<16xf32>,
            tpu.vector_store_idx %arg29[%add3A_162, %broadcast_in_dim3A_245], %add3A_285 : memref<128x16xf32, #tpu.memory_space<vmem>>[vector<16xi32>, vector<16xi32>], vector<16xf32>,
            %broadcast_in_dim3A_286 = arith.constant 4 : i32
            %broadcast_in_dim3A_287 = vector.broadcast %broadcast_in_dim3A_286 : i32 to vector<16xi32>
            %broadcast_in_dim3A_288 = arith.constant 5 : i32
            %broadcast_in_dim3A_289 = vector.broadcast %broadcast_in_dim3A_288 : i32 to vector<16xi32>
            %broadcast_in_dim3A_290 = arith.constant 6 : i32
            %broadcast_in_dim3A_291 = vector.broadcast %broadcast_in_dim3A_290 : i32 to vector<16xi32>
            %broadcast_in_dim3A_292 = arith.constant 7 : i32
            %broadcast_in_dim3A_293 = vector.broadcast %broadcast_in_dim3A_292 : i32 to vector<16xi32>
            %gather3A_294 = tpu.vector_load_idx %arg27[%add3A_162, %broadcast_in_dim3A_287] : memref<128x16xf32, #tpu.memory_space<vmem>>[vector<16xi32>, vector<16xi32>], vector<16xf32>,
            %gather3A_295 = tpu.vector_load_idx %arg27[%add3A_162, %broadcast_in_dim3A_289] : memref<128x16xf32, #tpu.memory_space<vmem>>[vector<16xi32>, vector<16xi32>], vector<16xf32>,
            %gather3A_296 = tpu.vector_load_idx %arg27[%add3A_162, %broadcast_in_dim3A_291] : memref<128x16xf32, #tpu.memory_space<vmem>>[vector<16xi32>, vector<16xi32>], vector<16xf32>,
            %gather3A_297 = tpu.vector_load_idx %arg27[%add3A_162, %broadcast_in_dim3A_293] : memref<128x16xf32, #tpu.memory_space<vmem>>[vector<16xi32>, vector<16xi32>], vector<16xf32>,
            %mul3A_298 = arith.mulf %gather3A_295, %mul3A_235 : vector<16xf32>
            %mul3A_299 = arith.mulf %gather3A_296, %mul3A_236 : vector<16xf32>
            %add3A_300 = arith.addf %mul3A_298, %mul3A_299 : vector<16xf32>
            %mul3A_301 = arith.mulf %gather3A_297, %mul3A_237 : vector<16xf32>
            %add3A_302 = arith.addf %add3A_300, %mul3A_301 : vector<16xf32>
            %mul3A_303 = arith.constant 0.577350259 : f32
            %mul3A_304 = vector.broadcast %mul3A_303 : f32 to vector<16xf32>
            %mul3A_305 = arith.mulf %add3A_302, %mul3A_304 : vector<16xf32>
            %add3A_306 = arith.addf %gather3A_294, %mul3A_305 : vector<16xf32>
            %mul3A_307 = arith.mulf %gather3A_294, %mul3A_235 : vector<16xf32>
            %add3A_308 = arith.addf %mul3A_307, %gather3A_295 : vector<16xf32>
            %mul3A_309 = arith.mulf %gather3A_296, %mul3A_237 : vector<16xf32>
            %mul3A_310 = arith.mulf %gather3A_297, %mul3A_236 : vector<16xf32>
            %sub3A_311 = arith.subf %mul3A_309, %mul3A_310 : vector<16xf32>
            %mul3A_312 = arith.constant 0.707106769 : f32
            %mul3A_313 = vector.broadcast %mul3A_312 : f32 to vector<16xf32>
            %mul3A_314 = arith.mulf %sub3A_311, %mul3A_313 : vector<16xf32>
            %add3A_315 = arith.addf %add3A_308, %mul3A_314 : vector<16xf32>
            %mul3A_316 = arith.mulf %gather3A_294, %mul3A_236 : vector<16xf32>
            %add3A_317 = arith.addf %mul3A_316, %gather3A_296 : vector<16xf32>
            %mul3A_318 = arith.mulf %gather3A_297, %mul3A_235 : vector<16xf32>
            %mul3A_319 = arith.mulf %gather3A_295, %mul3A_237 : vector<16xf32>
            %sub3A_320 = arith.subf %mul3A_318, %mul3A_319 : vector<16xf32>
            %mul3A_321 = arith.constant 0.707106769 : f32
            %mul3A_322 = vector.broadcast %mul3A_321 : f32 to vector<16xf32>
            %mul3A_323 = arith.mulf %sub3A_320, %mul3A_322 : vector<16xf32>
            %add3A_324 = arith.addf %add3A_317, %mul3A_323 : vector<16xf32>
            %mul3A_325 = arith.mulf %gather3A_294, %mul3A_237 : vector<16xf32>
            %add3A_326 = arith.addf %mul3A_325, %gather3A_297 : vector<16xf32>
            %mul3A_327 = arith.mulf %gather3A_295, %mul3A_236 : vector<16xf32>
            %mul3A_328 = arith.mulf %gather3A_296, %mul3A_235 : vector<16xf32>
            %sub3A_329 = arith.subf %mul3A_327, %mul3A_328 : vector<16xf32>
            %mul3A_330 = arith.constant 0.707106769 : f32
            %mul3A_331 = vector.broadcast %mul3A_330 : f32 to vector<16xf32>
            %mul3A_332 = arith.mulf %sub3A_329, %mul3A_331 : vector<16xf32>
            %add3A_333 = arith.addf %add3A_326, %mul3A_332 : vector<16xf32>
            tpu.vector_store_idx %arg29[%add3A_162, %broadcast_in_dim3A_287], %add3A_306 : memref<128x16xf32, #tpu.memory_space<vmem>>[vector<16xi32>, vector<16xi32>], vector<16xf32>,
            tpu.vector_store_idx %arg29[%add3A_162, %broadcast_in_dim3A_289], %add3A_315 : memref<128x16xf32, #tpu.memory_space<vmem>>[vector<16xi32>, vector<16xi32>], vector<16xf32>,
            tpu.vector_store_idx %arg29[%add3A_162, %broadcast_in_dim3A_291], %add3A_324 : memref<128x16xf32, #tpu.memory_space<vmem>>[vector<16xi32>, vector<16xi32>], vector<16xf32>,
            tpu.vector_store_idx %arg29[%add3A_162, %broadcast_in_dim3A_293], %add3A_333 : memref<128x16xf32, #tpu.memory_space<vmem>>[vector<16xi32>, vector<16xi32>], vector<16xf32>,
            %broadcast_in_dim3A_334 = arith.constant 8 : i32
            %broadcast_in_dim3A_335 = vector.broadcast %broadcast_in_dim3A_334 : i32 to vector<16xi32>
            %broadcast_in_dim3A_336 = arith.constant 9 : i32
            %broadcast_in_dim3A_337 = vector.broadcast %broadcast_in_dim3A_336 : i32 to vector<16xi32>
            %broadcast_in_dim3A_338 = arith.constant 10 : i32
            %broadcast_in_dim3A_339 = vector.broadcast %broadcast_in_dim3A_338 : i32 to vector<16xi32>
            %broadcast_in_dim3A_340 = arith.constant 11 : i32
            %broadcast_in_dim3A_341 = vector.broadcast %broadcast_in_dim3A_340 : i32 to vector<16xi32>
            %gather3A_342 = tpu.vector_load_idx %arg27[%add3A_162, %broadcast_in_dim3A_335] : memref<128x16xf32, #tpu.memory_space<vmem>>[vector<16xi32>, vector<16xi32>], vector<16xf32>,
            %gather3A_343 = tpu.vector_load_idx %arg27[%add3A_162, %broadcast_in_dim3A_337] : memref<128x16xf32, #tpu.memory_space<vmem>>[vector<16xi32>, vector<16xi32>], vector<16xf32>,
            %gather3A_344 = tpu.vector_load_idx %arg27[%add3A_162, %broadcast_in_dim3A_339] : memref<128x16xf32, #tpu.memory_space<vmem>>[vector<16xi32>, vector<16xi32>], vector<16xf32>,
            %gather3A_345 = tpu.vector_load_idx %arg27[%add3A_162, %broadcast_in_dim3A_341] : memref<128x16xf32, #tpu.memory_space<vmem>>[vector<16xi32>, vector<16xi32>], vector<16xf32>,
            %mul3A_346 = arith.mulf %gather3A_343, %mul3A_235 : vector<16xf32>
            %mul3A_347 = arith.mulf %gather3A_344, %mul3A_236 : vector<16xf32>
            %add3A_348 = arith.addf %mul3A_346, %mul3A_347 : vector<16xf32>
            %mul3A_349 = arith.mulf %gather3A_345, %mul3A_237 : vector<16xf32>
            %add3A_350 = arith.addf %add3A_348, %mul3A_349 : vector<16xf32>
            %mul3A_351 = arith.constant 0.577350259 : f32
            %mul3A_352 = vector.broadcast %mul3A_351 : f32 to vector<16xf32>
            %mul3A_353 = arith.mulf %add3A_350, %mul3A_352 : vector<16xf32>
            %add3A_354 = arith.addf %gather3A_342, %mul3A_353 : vector<16xf32>
            %mul3A_355 = arith.mulf %gather3A_342, %mul3A_235 : vector<16xf32>
            %add3A_356 = arith.addf %mul3A_355, %gather3A_343 : vector<16xf32>
            %mul3A_357 = arith.mulf %gather3A_344, %mul3A_237 : vector<16xf32>
            %mul3A_358 = arith.mulf %gather3A_345, %mul3A_236 : vector<16xf32>
            %sub3A_359 = arith.subf %mul3A_357, %mul3A_358 : vector<16xf32>
            %mul3A_360 = arith.constant 0.707106769 : f32
            %mul3A_361 = vector.broadcast %mul3A_360 : f32 to vector<16xf32>
            %mul3A_362 = arith.mulf %sub3A_359, %mul3A_361 : vector<16xf32>
            %add3A_363 = arith.addf %add3A_356, %mul3A_362 : vector<16xf32>
            %mul3A_364 = arith.mulf %gather3A_342, %mul3A_236 : vector<16xf32>
            %add3A_365 = arith.addf %mul3A_364, %gather3A_344 : vector<16xf32>
            %mul3A_366 = arith.mulf %gather3A_345, %mul3A_235 : vector<16xf32>
            %mul3A_367 = arith.mulf %gather3A_343, %mul3A_237 : vector<16xf32>
            %sub3A_368 = arith.subf %mul3A_366, %mul3A_367 : vector<16xf32>
            %mul3A_369 = arith.constant 0.707106769 : f32
            %mul3A_370 = vector.broadcast %mul3A_369 : f32 to vector<16xf32>
            %mul3A_371 = arith.mulf %sub3A_368, %mul3A_370 : vector<16xf32>
            %add3A_372 = arith.addf %add3A_365, %mul3A_371 : vector<16xf32>
            %mul3A_373 = arith.mulf %gather3A_342, %mul3A_237 : vector<16xf32>
            %add3A_374 = arith.addf %mul3A_373, %gather3A_345 : vector<16xf32>
            %mul3A_375 = arith.mulf %gather3A_343, %mul3A_236 : vector<16xf32>
            %mul3A_376 = arith.mulf %gather3A_344, %mul3A_235 : vector<16xf32>
            %sub3A_377 = arith.subf %mul3A_375, %mul3A_376 : vector<16xf32>
            %mul3A_378 = arith.constant 0.707106769 : f32
            %mul3A_379 = vector.broadcast %mul3A_378 : f32 to vector<16xf32>
            %mul3A_380 = arith.mulf %sub3A_377, %mul3A_379 : vector<16xf32>
            %add3A_381 = arith.addf %add3A_374, %mul3A_380 : vector<16xf32>
            tpu.vector_store_idx %arg29[%add3A_162, %broadcast_in_dim3A_335], %add3A_354 : memref<128x16xf32, #tpu.memory_space<vmem>>[vector<16xi32>, vector<16xi32>], vector<16xf32>,
            tpu.vector_store_idx %arg29[%add3A_162, %broadcast_in_dim3A_337], %add3A_363 : memref<128x16xf32, #tpu.memory_space<vmem>>[vector<16xi32>, vector<16xi32>], vector<16xf32>,
            tpu.vector_store_idx %arg29[%add3A_162, %broadcast_in_dim3A_339], %add3A_372 : memref<128x16xf32, #tpu.memory_space<vmem>>[vector<16xi32>, vector<16xi32>], vector<16xf32>,
            tpu.vector_store_idx %arg29[%add3A_162, %broadcast_in_dim3A_341], %add3A_381 : memref<128x16xf32, #tpu.memory_space<vmem>>[vector<16xi32>, vector<16xi32>], vector<16xf32>,
            %broadcast_in_dim3A_382 = arith.constant 12 : i32
            %broadcast_in_dim3A_383 = vector.broadcast %broadcast_in_dim3A_382 : i32 to vector<16xi32>
            %broadcast_in_dim3A_384 = arith.constant 13 : i32
            %broadcast_in_dim3A_385 = vector.broadcast %broadcast_in_dim3A_384 : i32 to vector<16xi32>
            %broadcast_in_dim3A_386 = arith.constant 14 : i32
            %broadcast_in_dim3A_387 = vector.broadcast %broadcast_in_dim3A_386 : i32 to vector<16xi32>
            %broadcast_in_dim3A_388 = arith.constant 15 : i32
            %broadcast_in_dim3A_389 = vector.broadcast %broadcast_in_dim3A_388 : i32 to vector<16xi32>
            %gather3A_390 = tpu.vector_load_idx %arg27[%add3A_162, %broadcast_in_dim3A_383] : memref<128x16xf32, #tpu.memory_space<vmem>>[vector<16xi32>, vector<16xi32>], vector<16xf32>,
            %gather3A_391 = tpu.vector_load_idx %arg27[%add3A_162, %broadcast_in_dim3A_385] : memref<128x16xf32, #tpu.memory_space<vmem>>[vector<16xi32>, vector<16xi32>], vector<16xf32>,
            %gather3A_392 = tpu.vector_load_idx %arg27[%add3A_162, %broadcast_in_dim3A_387] : memref<128x16xf32, #tpu.memory_space<vmem>>[vector<16xi32>, vector<16xi32>], vector<16xf32>,
            %gather3A_393 = tpu.vector_load_idx %arg27[%add3A_162, %broadcast_in_dim3A_389] : memref<128x16xf32, #tpu.memory_space<vmem>>[vector<16xi32>, vector<16xi32>], vector<16xf32>,
            %mul3A_394 = arith.mulf %gather3A_391, %mul3A_235 : vector<16xf32>
            %mul3A_395 = arith.mulf %gather3A_392, %mul3A_236 : vector<16xf32>
            %add3A_396 = arith.addf %mul3A_394, %mul3A_395 : vector<16xf32>
            %mul3A_397 = arith.mulf %gather3A_393, %mul3A_237 : vector<16xf32>
            %add3A_398 = arith.addf %add3A_396, %mul3A_397 : vector<16xf32>
            %mul3A_399 = arith.constant 0.577350259 : f32
            %mul3A_400 = vector.broadcast %mul3A_399 : f32 to vector<16xf32>
            %mul3A_401 = arith.mulf %add3A_398, %mul3A_400 : vector<16xf32>
            %add3A_402 = arith.addf %gather3A_390, %mul3A_401 : vector<16xf32>
            %mul3A_403 = arith.mulf %gather3A_390, %mul3A_235 : vector<16xf32>
            %add3A_404 = arith.addf %mul3A_403, %gather3A_391 : vector<16xf32>
            %mul3A_405 = arith.mulf %gather3A_392, %mul3A_237 : vector<16xf32>
            %mul3A_406 = arith.mulf %gather3A_393, %mul3A_236 : vector<16xf32>
            %sub3A_407 = arith.subf %mul3A_405, %mul3A_406 : vector<16xf32>
            %mul3A_408 = arith.constant 0.707106769 : f32
            %mul3A_409 = vector.broadcast %mul3A_408 : f32 to vector<16xf32>
            %mul3A_410 = arith.mulf %sub3A_407, %mul3A_409 : vector<16xf32>
            %add3A_411 = arith.addf %add3A_404, %mul3A_410 : vector<16xf32>
            %mul3A_412 = arith.mulf %gather3A_390, %mul3A_236 : vector<16xf32>
            %add3A_413 = arith.addf %mul3A_412, %gather3A_392 : vector<16xf32>
            %mul3A_414 = arith.mulf %gather3A_393, %mul3A_235 : vector<16xf32>
            %mul3A_415 = arith.mulf %gather3A_391, %mul3A_237 : vector<16xf32>
            %sub3A_416 = arith.subf %mul3A_414, %mul3A_415 : vector<16xf32>
            %mul3A_417 = arith.constant 0.707106769 : f32
            %mul3A_418 = vector.broadcast %mul3A_417 : f32 to vector<16xf32>
            %mul3A_419 = arith.mulf %sub3A_416, %mul3A_418 : vector<16xf32>
            %add3A_420 = arith.addf %add3A_413, %mul3A_419 : vector<16xf32>
            %mul3A_421 = arith.mulf %gather3A_390, %mul3A_237 : vector<16xf32>
            %add3A_422 = arith.addf %mul3A_421, %gather3A_393 : vector<16xf32>
            %mul3A_423 = arith.mulf %gather3A_391, %mul3A_236 : vector<16xf32>
            %mul3A_424 = arith.mulf %gather3A_392, %mul3A_235 : vector<16xf32>
            %sub3A_425 = arith.subf %mul3A_423, %mul3A_424 : vector<16xf32>
            %mul3A_426 = arith.constant 0.707106769 : f32
            %mul3A_427 = vector.broadcast %mul3A_426 : f32 to vector<16xf32>
            %mul3A_428 = arith.mulf %sub3A_425, %mul3A_427 : vector<16xf32>
            %add3A_429 = arith.addf %add3A_422, %mul3A_428 : vector<16xf32>
            tpu.vector_store_idx %arg29[%add3A_162, %broadcast_in_dim3A_383], %add3A_402 : memref<128x16xf32, #tpu.memory_space<vmem>>[vector<16xi32>, vector<16xi32>], vector<16xf32>,
            tpu.vector_store_idx %arg29[%add3A_162, %broadcast_in_dim3A_385], %add3A_411 : memref<128x16xf32, #tpu.memory_space<vmem>>[vector<16xi32>, vector<16xi32>], vector<16xf32>,
            tpu.vector_store_idx %arg29[%add3A_162, %broadcast_in_dim3A_387], %add3A_420 : memref<128x16xf32, #tpu.memory_space<vmem>>[vector<16xi32>, vector<16xi32>], vector<16xf32>,
            tpu.vector_store_idx %arg29[%add3A_162, %broadcast_in_dim3A_389], %add3A_429 : memref<128x16xf32, #tpu.memory_space<vmem>>[vector<16xi32>, vector<16xi32>], vector<16xf32>,
            %scan3A_430 = arith.constant 0 : i32
            scf.yield %scan3A_430 : i32
          }
          %scan3A_154 = arith.constant 8 : i32
          %dma_start3A = arith.constant 0 : i32
          %dma_start3A_155 = arith.constant 0 : i32
          %dma_start3A_156 = tpu.memref_slice %arg32[%dma_start3A, %dma_start3A_155] : memref<100000x16xf32, #tpu.memory_space<vmem_shared>> -> memref<100000x16xf32, #tpu.memory_space<vmem_shared>>
          tpu.enqueue_indirect_dma source(%arg29 : memref<128x16xf32, #tpu.memory_space<vmem>>) target(%dma_start3A_156 : memref<100000x16xf32, #tpu.memory_space<vmem_shared>>) offsets(%arg21 : memref<128xi32, #tpu.memory_space<vmem>>) semaphore(%arg37 : memref<!tpu.dma_semaphore, #tpu.memory_space<semaphore_mem>>) {add = true}
        } else {
        }
      } else {
      }
      %while3A_105 = arith.constant 0 : i32
      scf.yield %while3A_105 : i32
    }
    %dma_wait3A = arith.constant 0 : i32
    %dma_wait3A_77 = arith.constant 0 : i32
    %dma_wait3A_78 = tpu.memref_slice %arg32[%dma_wait3A, %dma_wait3A_77] : memref<100000x16xf32, #tpu.memory_space<vmem_shared>> -> memref<100000x16xf32, #tpu.memory_space<vmem_shared>>
    tpu.wait_indirect_dma semaphore(%arg37 : memref<!tpu.dma_semaphore, #tpu.memory_space<semaphore_mem>>) src(%arg29 : memref<128x16xf32, #tpu.memory_space<vmem>>) dst(%dma_wait3A_78 : memref<100000x16xf32, #tpu.memory_space<vmem_shared>>)
    %dma_wait3A_79 = arith.constant 0 : i32
    %dma_wait3A_80 = arith.constant 0 : i32
    %dma_wait3A_81 = tpu.memref_slice %arg32[%dma_wait3A_79, %dma_wait3A_80] : memref<100000x16xf32, #tpu.memory_space<vmem_shared>> -> memref<100000x16xf32, #tpu.memory_space<vmem_shared>>
    tpu.wait_indirect_dma semaphore(%arg38 : memref<!tpu.dma_semaphore, #tpu.memory_space<semaphore_mem>>) src(%arg30 : memref<128x16xf32, #tpu.memory_space<vmem>>) dst(%dma_wait3A_81 : memref<100000x16xf32, #tpu.memory_space<vmem_shared>>)
    %barrier3A_82 = arith.constant 0 : index
    tpu.barrier barrier_id(%barrier3A_82)
    %scan3A_83 = arith.constant 0 : i32
    %scan3A_84 = arith.constant 0 : i32
    %scan3A_85 = arith.constant 10 : i32
    %scan3A_86 = arith.addi %scan3A_84, %scan3A_85 : i32
    %scan3A_87 = arith.constant 1 : i32
    %scan3A_88 = scf.for %scan3A_90 = %scan3A_84 to %scan3A_86 step %scan3A_87 iter_args(%scan3A_91 = %scan3A_83) -> (i32)  : i32 {
      %mul3A_92 = arith.constant 625 : i32
      %mul3A_93 = arith.muli %scan3A_90, %mul3A_92 : i32
      %add3A_94 = arith.addi %mul3A_0, %mul3A_93 : i32
      "tpu.region"() ({
        %run_scoped3A = tpu.sem_alloc : memref<!tpu.dma_semaphore, #tpu.memory_space<semaphore_mem>>
        %dma_start3A = arith.constant 0 : i32
        %dma_start3A_96 = tpu.memref_slice %arg32[%add3A_94, %dma_start3A] : memref<100000x16xf32, #tpu.memory_space<vmem_shared>> -> memref<625x16xf32, #tpu.memory_space<vmem_shared>>
        %dma_start3A_97 = arith.constant 0 : i32
        %dma_start3A_98 = tpu.memref_slice %arg32[%add3A_94, %dma_start3A_97] : memref<100000x16xf32, #tpu.memory_space<vmem_shared>> -> memref<625x16xf32, #tpu.memory_space<vmem_shared>>
        tpu.enqueue_dma source(%dma_start3A_98 : memref<625x16xf32, #tpu.memory_space<vmem_shared>>) target(%arg31 : memref<625x16xf32, #tpu.memory_space<vmem>>) target_semaphore(%run_scoped3A : memref<!tpu.dma_semaphore, #tpu.memory_space<semaphore_mem>>)
        %dma_wait3A_99 = arith.constant 0 : i32
        %dma_wait3A_100 = tpu.memref_slice %arg32[%add3A_94, %dma_wait3A_99] : memref<100000x16xf32, #tpu.memory_space<vmem_shared>> -> memref<625x16xf32, #tpu.memory_space<vmem_shared>>
        %dma_wait3A_101 = arith.constant 0 : i32
        %dma_wait3A_102 = tpu.memref_slice %arg32[%add3A_94, %dma_wait3A_101] : memref<100000x16xf32, #tpu.memory_space<vmem_shared>> -> memref<625x16xf32, #tpu.memory_space<vmem_shared>>
        tpu.wait_dma2 semaphore(%run_scoped3A : memref<!tpu.dma_semaphore, #tpu.memory_space<semaphore_mem>>) src(%dma_wait3A_102 : memref<625x16xf32, #tpu.memory_space<vmem_shared>>) dst(%arg31 : memref<625x16xf32, #tpu.memory_space<vmem>>)
        tpu.yield
      }) : () -> ()
      "tpu.region"() ({
        %run_scoped3A = tpu.sem_alloc : memref<!tpu.dma_semaphore, #tpu.memory_space<semaphore_mem>>
        %dma_start3A = arith.constant 0 : i32
        %dma_start3A_96 = tpu.memref_slice %arg6[%arg0, %add3A_94, %dma_start3A] : memref<2x100000x16xf32, #tpu.memory_space<hbm>> -> memref<1x625x16xf32, #tpu.memory_space<hbm>>
        %dma_start3A_97 = tpu.memref_squeeze %dma_start3A_96 : memref<1x625x16xf32, #tpu.memory_space<hbm>> -> memref<625x16xf32, #tpu.memory_space<hbm>>
        %dma_start3A_98 = arith.constant 0 : i32
        %dma_start3A_99 = tpu.memref_slice %arg6[%arg0, %add3A_94, %dma_start3A_98] : memref<2x100000x16xf32, #tpu.memory_space<hbm>> -> memref<1x625x16xf32, #tpu.memory_space<hbm>>
        %dma_start3A_100 = tpu.memref_squeeze %dma_start3A_99 : memref<1x625x16xf32, #tpu.memory_space<hbm>> -> memref<625x16xf32, #tpu.memory_space<hbm>>
        tpu.enqueue_dma source(%arg31 : memref<625x16xf32, #tpu.memory_space<vmem>>) target(%dma_start3A_100 : memref<625x16xf32, #tpu.memory_space<hbm>>) target_semaphore(%run_scoped3A : memref<!tpu.dma_semaphore, #tpu.memory_space<semaphore_mem>>)
        %dma_wait3A_101 = arith.constant 0 : i32
        %dma_wait3A_102 = tpu.memref_slice %arg6[%arg0, %add3A_94, %dma_wait3A_101] : memref<2x100000x16xf32, #tpu.memory_space<hbm>> -> memref<1x625x16xf32, #tpu.memory_space<hbm>>
        %dma_wait3A_103 = tpu.memref_squeeze %dma_wait3A_102 : memref<1x625x16xf32, #tpu.memory_space<hbm>> -> memref<625x16xf32, #tpu.memory_space<hbm>>
        %dma_wait3A_104 = arith.constant 0 : i32
        %dma_wait3A_105 = tpu.memref_slice %arg6[%arg0, %add3A_94, %dma_wait3A_104] : memref<2x100000x16xf32, #tpu.memory_space<hbm>> -> memref<1x625x16xf32, #tpu.memory_space<hbm>>
        %dma_wait3A_106 = tpu.memref_squeeze %dma_wait3A_105 : memref<1x625x16xf32, #tpu.memory_space<hbm>> -> memref<625x16xf32, #tpu.memory_space<hbm>>
        tpu.wait_dma2 semaphore(%run_scoped3A : memref<!tpu.dma_semaphore, #tpu.memory_space<semaphore_mem>>) src(%arg31 : memref<625x16xf32, #tpu.memory_space<vmem>>) dst(%dma_wait3A_106 : memref<625x16xf32, #tpu.memory_space<hbm>>)
        tpu.yield
      }) : () -> ()
      %scan3A_95 = arith.constant 0 : i32
      scf.yield %scan3A_95 : i32
    }
    %scan3A_89 = arith.constant 10 : i32
    return
  }
}

module attributes {stable_mosaic.version = 14 : i64} {
  func.func @body(%arg0: i32, %arg1: memref<2x2000x16xf32, #tpu.memory_space<vmem>>, %arg2: memref<32x32xf32, #tpu.memory_space<vmem>>, %arg3: memref<1x32xf32, #tpu.memory_space<vmem>>, %arg4: memref<2000x32xf32, #tpu.memory_space<vmem>>) attributes {dimension_semantics = [#tpu.dimension_semantics<arbitrary>], iteration_bounds = array<i64: 50>, scalar_prefetch = 0 : i64, scratch_operands = 0 : i64, tpu.core_type = #tpu.core_type<tc>, window_params = [{transform_indices = @transform_0, window_bounds = array<i64: 2, 2000, 16>}, {pipeline_mode = #tpu.pipeline_mode<synchronous>, transform_indices = @transform_1, window_bounds = array<i64: 32, 32>}, {pipeline_mode = #tpu.pipeline_mode<synchronous>, transform_indices = @transform_2, window_bounds = array<i64: 1, 32>}, {transform_indices = @transform_3, window_bounds = array<i64: 2000, 32>}]} {
    %get3A = arith.constant 0 : index
    %get3A_0 = arith.constant 0 : index
    %get3A_1 = arith.constant 0 : index
    %get3A_2 = vector.load %arg1[%get3A, %get3A_0, %get3A_1] : memref<2x2000x16xf32, #tpu.memory_space<vmem>>, vector<1x2000x16xf32>
    %get3A_3 = vector.shape_cast %get3A_2 : vector<1x2000x16xf32> to vector<2000x16xf32>
    %get3A_4 = arith.constant 1 : index
    %get3A_5 = arith.constant 0 : index
    %get3A_6 = arith.constant 0 : index
    %get3A_7 = vector.load %arg1[%get3A_4, %get3A_5, %get3A_6] : memref<2x2000x16xf32, #tpu.memory_space<vmem>>, vector<1x2000x16xf32>
    %get3A_8 = vector.shape_cast %get3A_7 : vector<1x2000x16xf32> to vector<2000x16xf32>
    %concatenate3A = tpu.concatenate %get3A_3, %get3A_8 in 1 : vector<2000x16xf32>, vector<2000x16xf32> -> vector<2000x32xf32>
    %get3A_9 = arith.constant 0 : index
    %get3A_10 = arith.constant 0 : index
    %get3A_11 = vector.load %arg2[%get3A_9, %get3A_10] : memref<32x32xf32, #tpu.memory_space<vmem>>, vector<32x32xf32>
    %dot_general3A = arith.constant dense<0.000000e+00> : vector<2000x32xf32>
    %dot_general3A_12 = tpu.matmul %concatenate3A, %get3A_11, %dot_general3A {dimension_numbers = #tpu.dot_dimension_numbers<[1], [0], [0], [1], [0, 0, 1, 1], [], []>, transpose_lhs_hint = false} : vector<2000x32xf32>, vector<32x32xf32>, vector<2000x32xf32> -> vector<2000x32xf32>
    %get3A_13 = arith.constant 0 : index
    %get3A_14 = arith.constant 0 : index
    %get3A_15 = vector.load %arg3[%get3A_13, %get3A_14] : memref<1x32xf32, #tpu.memory_space<vmem>>, vector<1x32xf32>
    %add3A = vector.broadcast %get3A_15 : vector<1x32xf32> to vector<2000x32xf32>
    %add3A_16 = arith.addf %dot_general3A_12, %add3A : vector<2000x32xf32>
    %swap3A = arith.constant 0 : index
    %swap3A_17 = arith.constant 0 : index
    %swap3A_18 = vector.load %arg4[%swap3A, %swap3A_17] : memref<2000x32xf32, #tpu.memory_space<vmem>>, vector<2000x32xf32>
    tpu.vector_store %arg4[%swap3A, %swap3A_17], %add3A_16 {strides = array<i32>} : memref<2000x32xf32, #tpu.memory_space<vmem>>, vector<2000x32xf32>,
    return
  }
  func.func @transform_0(%arg0: i32) -> (i32, i32, i32) {
    %c0_i32 = arith.constant 0 : i32
    %c0_i32_0 = arith.constant 0 : i32
    %c0_i32_1 = arith.constant 0 : i32
    return %c0_i32, %arg0, %c0_i32_0 : i32, i32, i32
  }
  func.func @transform_1(%arg0: i32) -> (i32, i32) {
    %c0_i32 = arith.constant 0 : i32
    %c0_i32_0 = arith.constant 0 : i32
    %c0_i32_1 = arith.constant 0 : i32
    return %c0_i32, %c0_i32_0 : i32, i32
  }
  func.func @transform_2(%arg0: i32) -> (i32, i32) {
    %c0_i32 = arith.constant 0 : i32
    %c0_i32_0 = arith.constant 0 : i32
    %c0_i32_1 = arith.constant 0 : i32
    return %c0_i32, %c0_i32_0 : i32, i32
  }
  func.func @transform_3(%arg0: i32) -> (i32, i32) {
    %c0_i32 = arith.constant 0 : i32
    %c0_i32_0 = arith.constant 0 : i32
    return %arg0, %c0_i32 : i32, i32
  }
}

</mosaic_0001>

<sc_bundles>
// kernel: kernel.4.cloned.1.call-start
scs
__scs_entry_jumppad:
0x0: {  	(pc) =	sbr.rel $0x88, $3  }
0x1: {  	(tag) =	ssettag $0x0;
	lr =	simm.s32 $0x1  }
0x2: {  	[smem:$0x3F9B] =	sst lr;
	_ =	strace $0xD0000000  }
0x3: {  	_ = 	snop  }
0x4: {  	_ = 	snop  }
0x5: {  	_ = 	snop  }
0x6: {  	_ = 	snop  }
0x7: {  	_ = 	snop  }
__scs_overlays_trampoline_lowered:
0x8: {  	[smem:$0x3FAA] =	sst s0  }
0x9: {  	[smem:$0x3FAB] =	sst s1  }
0xa: {  	[smem:$0x3FAC] =	sst s2  }
0xb: {  	[smem:$0x3FAD] =	sst s3  }
0xc: {  	[smem:$0x3FAE] =	sst s4  }
0xd: {  	[smem:$0x3FAF] =	sst s5  }
0xe: {  	[smem:$0x3FB0] =	sst s6  }
0xf: {  	[smem:$0x3FB1] =	sst s7  }
0x10: {  	[smem:$0x3FB2] =	sst s8  }
0x11: {  	[smem:$0x3FB3] =	sst s9;
	s0 =	simm.s32 @!p0 $0x0  }
0x12: {  	s1 =	sld [smem:$0x3F99];
	s0 =	simm.s32 @p0 $0x1  }
0x13: {  	[smem:$0x3FB4] =	sst s0;
	s0 =	simm.s32 @!p1 $0x0  }
0x14: {  	s2 =	sld [smem:$0x3F98];
	s0 =	simm.s32 @p1 $0x1  }
0x15: {  	[smem:$0x3FB5] =	sst s0;
	s0 =	simm.s32 @!p2 $0x0  }
0x16: {  	s3 =	sld [smem:$0x3FDB];
	s0 =	simm.s32 @p2 $0x1  }
0x17: {  	s4 =	simm.s32 $0x1BF5;
	[smem:$0x3FB7] =	sst s0  }
0x18: {  	s0 =	sld [smem:$0x3F9A];
	_ =	swait.ge [sflag:s4], $0x0  }
0x19: {  	s7 =	sld [smem:$0x3F9B]  }
0x1a: {  	s8 =	sadd.s32 $0xFFFFE003, lr  }
0x1b: {  	s9 =	sadd.s32 $0xFFFFFEF7, lr;
	s5 =	simm.s32 $0xFFFFFFFF;
	p2 =	slt.u32 s8, $0xFFFFF086  }
0x1c: {  	p1 =	slt.u32 s9, $0xF7A;
	s5 =	simm.s32 @!p2 $0x0  }
0x1d: {  	s5 =	simm.s32 @p1 $0x1;
	p0 =	seq.s32 s7, s2  }
0x1e: {  	s7 =	smul.u32 @!p0 $0xF7A, s2;
	p2 =	seq.s32 @!p0 s5, $0x0  }
0x1f: {  	s9 =	smul.u32 $0xF7A, s1;
	s8 =	simm.s32 @!p0 $0x1BF5;
	p2 =	por !p2, p0  }
0x20: {  	[sflag:s8] =	ssyncset.s32 @!p0 $0xFFFFF086;
	s6 =	sadd.s32 @!p0 s3, s7;
	s7 =	simm.s32 @!p0 $0x108  }
0x21: {  	s3 =	sadd.s32 s3, s9;
	s6 =	sadd.s32 @!p0 $0x88, s6;
	s7 =	simm.s32 @p2 $0x1082  }
0x22: {  	[simem:s7], [sflag:s8] =	dma.local @!p0 [hbm:s6], $0xF7A  }
0x23: {  	s9 =	sor.u32 $0xD0000000, s2;
	s6 =	simm.s32 $0x108;
	_ =	swait.ge @!p0 [sflag:s8], $0x0  }
0x24: {  	s3 =	sadd.s32 $0x88, s3;
	s6 =	simm.s32 @!p1 $0x1082;
	[sflag:s4] =	ssyncset.s32 $0xFFFFF086  }
0x25: {  	[simem:s6], [sflag:s4] =	dma.local [hbm:s3], $0xF7A  }
0x26: {  	[smem:$0x3F9B] =	sst s1;
	(tag) =	ssettag s2;
	_ =	strace s9  }
0x27: {  	s1 =	sld [smem:$0x3FAB]  }
0x28: {  	s2 =	sld [smem:$0x3FAC]  }
0x29: {  	s4 =	sld [smem:$0x3FAE]  }
0x2a: {  	p0 =	seq.s32 s5, $0x0;
	s5 =	sld [smem:$0x3FAF]  }
0x2b: {  	s6 =	sld [smem:$0x3FB0]  }
0x2c: {  	s7 =	sld [smem:$0x3FB1]  }
0x2d: {  	s3 =	simm.s32 $0x108;
	s8 =	sld [smem:$0x3FB2]  }
0x2e: {  	s3 =	simm.s32 @!p0 $0x1082;
	s9 =	sld [smem:$0x3FB3]  }
0x2f: {  	lr =	sadd.s32 s0, s3;
	s0 =	sld [smem:$0x3FAA]  }
0x30: {  	s3 =	sld [smem:$0x3FAD]  }
0x31: {  	[smem:$0x3FB6] =	sst s10  }
0x32: {  	s10 =	sld [smem:$0x3FB4];
	_ =	sdelay $0x3  }
0x33: {  	p0 =	seq.s32 s10, $0x1;
	s10 =	sld [smem:$0x3FB6];
	_ =	sdelay $0x3  }
0x34: {  	[smem:$0x3FB6] =	sst s10  }
0x35: {  	s10 =	sld [smem:$0x3FB5];
	_ =	sdelay $0x3  }
0x36: {  	p1 =	seq.s32 s10, $0x1;
	s10 =	sld [smem:$0x3FB6];
	_ =	sdelay $0x3  }
0x37: {  	[smem:$0x3FB6] =	sst s10  }
0x38: {  	s10 =	sld [smem:$0x3FB7]  }
0x39: {  	_ = 	snop;
	(pc) =	sbr.ind lr, $3  }
0x3a: {  	_ = 	snop  }
0x3b: {  	_ = 	snop  }
0x3c: {  	p2 =	seq.s32 s10, $0x1;
	s10 =	sld [smem:$0x3FB6]  }
0x3d: {  	_ =	shalt  }
0x3e: {  	_ =	shalt  }
0x3f: {  	_ =	shalt  }
0x40: {  	_ =	shalt  }
0x41: {  	_ =	shalt  }
0x42: {  	_ =	shalt  }
0x43: {  	_ =	shalt  }
0x44: {  	_ =	shalt  }
0x45: {  	_ =	shalt  }
0x46: {  	_ =	shalt  }
0x47: {  	_ =	shalt  }
0x48: {  	_ =	shalt  }
0x49: {  	_ =	shalt  }
0x4a: {  	_ =	shalt  }
0x4b: {  	_ =	shalt  }
0x4c: {  	_ =	shalt  }
0x4d: {  	_ =	shalt  }
0x4e: {  	_ =	shalt  }
0x4f: {  	_ =	shalt  }
0x50: {  	_ =	shalt  }
0x51: {  	_ =	shalt  }
0x52: {  	_ =	shalt  }
0x53: {  	_ =	shalt  }
0x54: {  	_ =	shalt  }
0x55: {  	_ =	shalt  }
0x56: {  	_ =	shalt  }
0x57: {  	_ =	shalt  }
0x58: {  	_ =	shalt  }
0x59: {  	_ =	shalt  }
0x5a: {  	_ =	shalt  }
0x5b: {  	_ =	shalt  }
0x5c: {  	_ =	shalt  }
0x5d: {  	_ =	shalt  }
0x5e: {  	_ =	shalt  }
0x5f: {  	_ =	shalt  }
0x60: {  	_ =	shalt  }
0x61: {  	_ =	shalt  }
0x62: {  	_ =	shalt  }
0x63: {  	_ =	shalt  }
0x64: {  	_ =	shalt  }
0x65: {  	_ =	shalt  }
0x66: {  	_ =	shalt  }
0x67: {  	_ =	shalt  }
0x68: {  	_ =	shalt  }
0x69: {  	_ =	shalt  }
0x6a: {  	_ =	shalt  }
0x6b: {  	_ =	shalt  }
0x6c: {  	_ =	shalt  }
0x6d: {  	_ =	shalt  }
0x6e: {  	_ =	shalt  }
0x6f: {  	_ =	shalt  }
0x70: {  	_ =	shalt  }
0x71: {  	_ =	shalt  }
0x72: {  	_ =	shalt  }
0x73: {  	_ =	shalt  }
0x74: {  	_ =	shalt  }
0x75: {  	_ =	shalt  }
0x76: {  	_ =	shalt  }
0x77: {  	_ =	shalt  }
0x78: {  	_ =	shalt  }
0x79: {  	_ =	shalt  }
0x7a: {  	_ =	shalt  }
0x7b: {  	_ =	shalt  }
0x7c: {  	_ =	shalt  }
0x7d: {  	_ =	shalt  }
0x7e: {  	_ =	shalt  }
0x7f: {  	_ =	shalt  }
0x80: {  	_ =	shalt  }
0x81: {  	_ =	shalt  }
0x82: {  	_ =	shalt  }
0x83: {  	_ =	shalt  }
0x84: {  	_ =	shalt  }
0x85: {  	_ =	shalt  }
0x86: {  	_ =	shalt  }
0x87: {  	_ =	shalt  }
.Lfunc_end0:
.L_simem_size_0:
called_computation_lowered:
.L_overlay_start_0:
0x88: {  	s2 =	sld [smem:$0x3FD9]  }
0x89: {  	s3 =	sld [smem:$0x3FFE];
	_ =	sdelay $0x1  }
0x8a: {  	s1 =	srdreg.scid  }
0x8b: {  	s0 =	sand.u32 $0x1, s1  }
0x8c: {  	s17 =	sshll.u32 s0, $0xA;
	s2 =	sadd.s32 s3, s2  }
0x8d: {  	s2 =	sadd.s32 s2, s17  }
0x8e: {  	[smem:$0x3FC2] =	sst s2  }
0x8f: {  	_ = 	snop  }
0x90: {  	s2 =	sld [smem:$0x3FC7]  }
0x91: {  	s18 =	sld [smem:$0x3FC6]  }
0x92: {  	s4 =	sld [smem:$0x3FD0];
	(tm) =	ssettm $0x1  }
0x93: {  	s5 =	sld [smem:$0x3FFB];
	_ =	sdelay $0x3  }
0x94: {  	_ =	strace s5  }
0x95: {  	s5 =	sld [smem:$0x3FFC];
	_ =	sdelay $0x3  }
0x96: {  	_ =	strace s5  }
0x97: {  	s5 =	sld [smem:$0x3FFD];
	_ =	sdelay $0x3  }
0x98: {  	_ =	strace s5  }
0x99: {  	_ =	strace $0x8FFFFFFF  }
0x9a: {  	s19 =	sld [smem:$0x3FDB];
	_ =	sdelay $0x1  }
0x9b: {  	s6 =	simm.s32 $_scs_section_size  }
0x9c: {  	s7 =	simm.s32 $_size__tile_overlayer_lowered;
	s8 =	simm.s32 $_tile_overlayer_lowered  }
0x9d: {  	s22 =	simm.s32 $0x1BFF;
	s21 =	sshll.u32 s8, $0x1;
	s5 =	sadd.s32 s6, s19  }
0x9e: {  	s9 =	simm.s32 $0x0;
	s20 =	sshll.u32 s7, $0x1;
	s7 =	sadd.s32 s21, s5  }
0x9f: {  	[timem:s9], [sflag:s22] =	dma.local [hbm:s7], s20  }
0xa0: {  	_ =	swait.ge [sflag:s22], s20  }
0xa1: {  	s6 =	ssub.s32 $0x0, s20;
	[sflag:s22] =	ssyncset.done $0x0  }
0xa2: {  	[sflag:s22] =	ssyncadd.s32 s6;
	_ =	sdelay $0x1  }
0xa3: {  	s23 =	simm.s32 $0x1B8B  }
0xa4: {  	_ =	swait.ge [sflag:s23], $0x1  }
0xa5: {  	[sflag:s23] =	ssyncset.done $0x0  }
0xa6: {  	s25 =	simm.s32 $0x1B8E;
	s24 =	sld [smem:$0x3FFE];
	[sflag:s23] =	ssyncadd.s32 $0xFFFFFFFF  }
0xa7: {  	s26 =	simm.s32 $execute0_lowered;
	[smem:$0x3FD2] =	sst s25  }
0xa8: {  	s7 =	sshll.u32 s26, $0x1;
	_ =	strace $0x80000046;
	[dreg:$0x1] =	wrdreg $0xFFFFFFFF  }
0xa9: {  	s28 =	simm.s32 $_size_execute0_lowered;
	s5 =	sadd.s32 s5, s7;
	[dreg:$0x0] =	wrdreg $0x0  }
0xaa: {  	s7 =	sshll.u32 s28, $0x1;
	[dreg:$0x2] =	wrdreg s5  }
0xab: {  	[dreg:$0x3] =	wrdreg s7  }
0xac: {  	[dreg:$0x4] =	wrdreg $0xC0  }
0xad: {  	_ =	task [dreg:s9], $0x5FFFF  }
0xae: {  	[dreg:$0x1] =	wrdreg $0xFFFFFFFF  }
0xaf: {  	[dreg:$0x0] =	wrdreg $0x60  }
0xb0: {  	[dreg:$0x2] =	wrdreg s24  }
0xb1: {  	[dreg:$0x3] =	wrdreg s4  }
0xb2: {  	[dreg:$0x4] =	wrdreg s2  }
0xb3: {  	[dreg:$0x5] =	wrdreg s18  }
0xb4: {  	[dreg:$0x6] =	wrdreg $0x6F100  }
0xb5: {  	[dreg:$0x7] =	wrdreg $0x9  }
0xb6: {  	_ =	task.clear_ibuf [dreg:s9], $0x8FFFF;
	_ =	strace $0x90000046  }
0xb7: {  	s29 =	simm.s32 $0x9;
	_ =	strace $0x80000048  }
0xb8: {  	_ =	swait.ge [sflag:s29], $0x1  }
0xb9: {  	[sflag:s29] =	ssyncadd.s32 $0xFFFFFFFF  }
0xba: {  	_ =	strace $0x90000048  }
0xbb: {  	_ =	sfence  }
0xbc: {  	s30 =	sld [smem:$0x0];
	_ =	sdelay $0x2  }
0xbd: {  	s31 =	sshll.u32 s1, $0xD;
	s1 =	sshrl.u32 s1, $0x2  }
0xbe: {  	s3 =	sand.u32 $0x4000, s31;
	s1 =	sadd.s32 s1, s30  }
0xbf: {  	s0 =	sor.u32 s3, s0;
	s1 =	sshll.u32 s1, $0x11  }
0xc0: {  	s0 =	sor.u32 s1, s0  }
0xc1: {  	s0 =	sadd.s32 $0x8F2B, s0  }
0xc2: {  	[sflag:s0] =	ssyncadd.remote.s32 $0x1  }
0xc3: {  	_ =	sfence.sel $0xFFFF  }
0xc4: {  	[dreg:$0x0] =	wrdreg $0xFFFFFFFF;
	(pc) =	sbr.abs _section_cstart, $3  }
0xc5: {  	[dreg:$0x1] =	wrdreg $0xFFFFFFFF  }
0xc6: {  	_ =	task.clear_ibuf [dreg:s9], $0x2FFFF;
	_ =	strace $0x9FFFFFFF  }
0xc7: {  	(tm) =	ssettm $0x7FFFFFFF  }
tec
execute0_lowered:
.L_overlay_start_1:
0x0: {  	(tag) =	ssettag $0x1  }
0x1: {  	s1 =	rddreg [dreg:$0x0];
	s0 =	srdreg.scid  }
0x2: {  	s2 =	rddreg [dreg:$0x2];
	s20 =	stileid.u32  }
0x3: {  	s5 =	simm.s32 $0x0;
	s28 =	simm.s32 $0x1800;
	s29 =	simm.s32 $0x2800  }
0x4: {  	s30 =	simm.s32 $0x3800;
	s0 =	sand.u32 $0x1, s0;
	s4 =	smul.u32 $0x186A0, s20  }
0x5: {  	s31 =	simm.s32 $0x700;
	[smem:$0x7FF] =	sst s5;
	s3 =	ssub.s32 $0x2, s0  }
0x6: {  	s5 =	sadd.s32 $0xCE00, s1;
	s6 =	sshrl.u32 s3, $0x1;
	s7 =	sadd.s32 $0x2710, s4  }
0x7: {  	s8 =	sadd.s32 $0x4E20, s4;
	s9 =	sadd.s32 $0x7530, s4;
	s10 =	sadd.s32 $0x9C40, s4  }
0x8: {  	s11 =	sadd.s32 $0xC350, s4;
	s3 =	ssub.s32 s3, s6;
	s6 =	smul.u32 $0x186A00, s0  }
0x9: {  	s12 =	sadd.s32 $0xEA60, s4;
	s14 =	sadd.s32 $0x11170, s4;
	s16 =	sadd.s32 $0x13880, s4  }
0xa: {  	s3 =	smax.u32 s3, $0x1;
	s13 =	sadd.s32 s6, s4;
	s15 =	sadd.s32 s6, s7  }
0xb: {  	s19 =	sadd.s32 s6, s8;
	s21 =	sadd.s32 s6, s9;
	s17 =	sadd.s32 s6, s10  }
0xc: {  	s24 =	sadd.s32 s6, s11;
	s25 =	sadd.s32 s6, s12;
	s26 =	sadd.s32 s6, s14  }
0xd: {  	s13 =	sshrl.u32 s13, $0x3;
	s18 =	sshrl.u32 s15, $0x3;
	s15 =	sshrl.u32 s21, $0x3  }
0xe: {  	s23 =	sshrl.u32 s17, $0x3;
	s13 =	sadd.s32 s5, s13;
	s22 =	sadd.s32 s5, s15  }
0xf: {  	s15 =	sshrl.u32 s25, $0x3;
	[dreg:$0x6] =	wrdreg s13;
	s13 =	sadd.s32 s5, s18  }
0x10: {  	[dreg:$0x9] =	wrdreg s22;
	s15 =	sadd.s32 s5, s15;
	s18 =	sshrl.u32 s26, $0x3  }
0x11: {  	s22 =	sadd.s32 $0x15F90, s4;
	[dreg:$0x7] =	wrdreg s13;
	s13 =	sshrl.u32 s19, $0x3  }
0x12: {  	[dreg:$0xc] =	wrdreg s15;
	s19 =	sadd.s32 s6, s16;
	s13 =	sadd.s32 s5, s13  }
0x13: {  	s21 =	sshrl.u32 s19, $0x3;
	[dreg:$0x8] =	wrdreg s13;
	s13 =	sadd.s32 s5, s23  }
0x14: {  	s6 =	sadd.s32 s6, s22;
	s15 =	sadd.s32 s5, s21;
	[dreg:$0xa] =	wrdreg s13  }
0x15: {  	s6 =	sshrl.u32 s6, $0x3;
	s23 =	ssub.s32 $0x30E3, s20;
	[dreg:$0xe] =	wrdreg s15  }
0x16: {  	s13 =	sshrl.u32 s24, $0x3;
	s15 =	rddreg [dreg:$0x4];
	s17 =	sshrl.u32 s23, $0x4  }
0x17: {  	s24 =	sshll.u32 s20, $0x4;
	s23 =	smul.u32 $0x61A80, s20;
	s13 =	sadd.s32 s5, s13  }
0x18: {  	s25 =	sadd.s32 $0x2, s17;
	s8 =	sadd.s32 s8, s15;
	s9 =	sadd.s32 s9, s15  }
0x19: {  	[dreg:$0xb] =	wrdreg s13;
	s13 =	sadd.s32 s5, s18;
	s5 =	sadd.s32 s5, s6  }
0x1a: {  	s18 =	sadd.s32 $0xA00, s1;
	s19 =	sshrl.u32 s25, $0x1;
	[dreg:$0xd] =	wrdreg s13  }
0x1b: {  	s6 =	sshrl.u32 s23, $0x2;
	s23 =	sadd.s32 s10, s15;
	s13 =	rddreg [dreg:$0x3]  }
0x1c: {  	s25 =	sadd.s32 s16, s15;
	s10 =	simm.s32 $0x80;
	[dreg:$0xf] =	wrdreg s5  }
0x1d: {  	s1 =	sadd.s32 s6, s15;
	_ =	strace $0x80000047;
	[dreg:$0x12] =	wrdreg s3  }
0x1e: {  	s16 =	simm.s32 $0x4;
	s5 =	sor.u32 $0x100, s24;
	[dreg:$0x13] =	wrdreg s1  }
0x1f: {  	s24 =	sadd.s32 s14, s15;
	s6 =	sshll.u32 s20, $0x7;
	[dreg:$0x15] =	wrdreg s8  }
0x20: {  	s14 =	simm.s32 $0x1000;
	s26 =	sadd.s32 s2, s5;
	[dreg:$0x16] =	wrdreg s9  }
0x21: {  	s21 =	sadd.s32 s13, s5;
	s5 =	sadd.s32 s4, s15;
	[dreg:$0x17] =	wrdreg s23  }
0x22: {  	s3 =	sadd.s32 s7, s15;
	s4 =	sadd.s32 s11, s15;
	[dreg:$0x1a] =	wrdreg s24  }
0x23: {  	s11 =	sadd.s32 s12, s15;
	[dreg:$0x1b] =	wrdreg s25;
	s7 =	simm.s32 $0x4800  }
0x24: {  	s8 =	simm.s32 $0x7;
	s9 =	simm.s32 $0x2;
	[dreg:$0x10] =	wrdreg s26  }
.Ltmp0:
0x25: {  	s24 =	simm.s32 $0x3000;
	[dreg:$0x11] =	wrdreg s5;
	(pc) =	sbr.rel .LBB2_1-.Ltmp0, $4  }
0x26: {  	s25 =	simm.s32 $0x3;
	s12 =	simm.s32 $0x1;
	[dreg:$0x14] =	wrdreg s3  }
0x27: {  	s23 =	simm.s32 $0x4000;
	s1 =	simm.s32 $0x0;
	[dreg:$0x18] =	wrdreg s4  }
0x28: {  	v2 =	vlaneseq.u32;
	s26 =	sadd.s32 s22, s15;
	s5 =	sadd.s32 $0xFFFFFFFF, s17;
	[dreg:$0x19] =	wrdreg s11  }
0x29: {  	v1 =	vimm.f32 $0.0e+00;
	v2 =	vmul.u32 $0x10, v2;
	v0 =	vmov s0;
	s22 =	simm.s32 $0x2000;
	[dreg:$0x1c] =	wrdreg s26;
	s26 =	simm.s32 $0x800  }
.LBB2_18:
0x2a: {  	s0 =	simm.s32 $0x5  }
0x2b: {  	_ =	swait.ge [sflag:s0], $0x800  }
0x2c: {  	[sflag:s0] =	ssyncset.done $0x0  }
0x2d: {  	s1 =	simm.s32 $0x6;
	[sflag:s0] =	ssyncadd.s32 $0xFFFFF800  }
0x2e: {  	_ =	swait.ge [sflag:s1], $0x800  }
0x2f: {  	[sflag:s1] =	ssyncset.done $0x0  }
0x30: {  	[sflag:s1] =	ssyncadd.s32 $0xFFFFF800  }
0x31: {  	[bflag:$0x0] =	sbarrier.arrive $0xFFFF  }
0x32: {  	s3 =	rddreg [dreg:$0x11]  }
0x33: {  	[tilespmem:s7], [sflag:$0x7] =	stream.linear.gather [spmem:s3], $0x2710, $0x38;
	[tilespmem:$0x1F5B0] =	vst v63  }
0x34: {  	_ =	swait.ge [sflag:s8], $0x2710  }
0x35: {  	[sflag:s8] =	ssyncset.done $0x0  }
0x36: {  	s0 =	simm.s32 $0x0;
	s1 =	rddreg [dreg:$0x6];
	[sflag:s8] =	ssyncadd.s32 $0xFFFFD8F0  }
0x37: {  	[hbm4b:s1+s0] =	stream.linear.scatter [tilespmem:s7], [sflag:$0x7], $0x2710, $0x38;
	[tilespmem:$0x1F5B0] =	vst v63  }
0x38: {  	_ =	swait.ge [sflag:s8], $0x2710  }
0x39: {  	[sflag:s8] =	ssyncset.done $0x0  }
0x3a: {  	s3 =	rddreg [dreg:$0x14];
	[sflag:s8] =	ssyncadd.s32 $0xFFFFD8F0  }
0x3b: {  	[tilespmem:s7], [sflag:$0x7] =	stream.linear.gather [spmem:s3], $0x2710, $0x38;
	[tilespmem:$0x1F5B0] =	vst v63  }
0x3c: {  	_ =	swait.ge [sflag:s8], $0x2710  }
0x3d: {  	[sflag:s8] =	ssyncset.done $0x0  }
0x3e: {  	s4 =	rddreg [dreg:$0x7];
	[sflag:s8] =	ssyncadd.s32 $0xFFFFD8F0  }
0x3f: {  	[hbm4b:s4+s0] =	stream.linear.scatter [tilespmem:s7], [sflag:$0x7], $0x2710, $0x38;
	[tilespmem:$0x1F5B0] =	vst v63  }
0x40: {  	_ =	swait.ge [sflag:s8], $0x2710  }
0x41: {  	[sflag:s8] =	ssyncset.done $0x0  }
0x42: {  	s11 =	rddreg [dreg:$0x15];
	[sflag:s8] =	ssyncadd.s32 $0xFFFFD8F0  }
0x43: {  	[tilespmem:s7], [sflag:$0x7] =	stream.linear.gather [spmem:s11], $0x2710, $0x38;
	[tilespmem:$0x1F5B0] =	vst v63  }
0x44: {  	_ =	swait.ge [sflag:s8], $0x2710  }
0x45: {  	[sflag:s8] =	ssyncset.done $0x0  }
0x46: {  	s20 =	rddreg [dreg:$0x8];
	[sflag:s8] =	ssyncadd.s32 $0xFFFFD8F0  }
0x47: {  	[hbm4b:s20+s0] =	stream.linear.scatter [tilespmem:s7], [sflag:$0x7], $0x2710, $0x38;
	[tilespmem:$0x1F5B0] =	vst v63  }
0x48: {  	_ =	swait.ge [sflag:s8], $0x2710  }
0x49: {  	[sflag:s8] =	ssyncset.done $0x0  }
0x4a: {  	s4 =	rddreg [dreg:$0x16];
	[sflag:s8] =	ssyncadd.s32 $0xFFFFD8F0  }
0x4b: {  	[tilespmem:s7], [sflag:$0x7] =	stream.linear.gather [spmem:s4], $0x2710, $0x38;
	[tilespmem:$0x1F5B0] =	vst v63  }
0x4c: {  	_ =	swait.ge [sflag:s8], $0x2710  }
0x4d: {  	[sflag:s8] =	ssyncset.done $0x0  }
0x4e: {  	s11 =	rddreg [dreg:$0x9];
	[sflag:s8] =	ssyncadd.s32 $0xFFFFD8F0  }
0x4f: {  	[hbm4b:s11+s0] =	stream.linear.scatter [tilespmem:s7], [sflag:$0x7], $0x2710, $0x38;
	[tilespmem:$0x1F5B0] =	vst v63  }
0x50: {  	_ =	swait.ge [sflag:s8], $0x2710  }
0x51: {  	[sflag:s8] =	ssyncset.done $0x0  }
0x52: {  	s20 =	rddreg [dreg:$0x17];
	[sflag:s8] =	ssyncadd.s32 $0xFFFFD8F0  }
0x53: {  	[tilespmem:s7], [sflag:$0x7] =	stream.linear.gather [spmem:s20], $0x2710, $0x38;
	[tilespmem:$0x1F5B0] =	vst v63  }
0x54: {  	_ =	swait.ge [sflag:s8], $0x2710  }
0x55: {  	[sflag:s8] =	ssyncset.done $0x0  }
0x56: {  	s4 =	rddreg [dreg:$0xa];
	[sflag:s8] =	ssyncadd.s32 $0xFFFFD8F0  }
0x57: {  	[hbm4b:s4+s0] =	stream.linear.scatter [tilespmem:s7], [sflag:$0x7], $0x2710, $0x38;
	[tilespmem:$0x1F5B0] =	vst v63  }
0x58: {  	_ =	swait.ge [sflag:s8], $0x2710  }
0x59: {  	[sflag:s8] =	ssyncset.done $0x0  }
0x5a: {  	s4 =	rddreg [dreg:$0x18];
	[sflag:s8] =	ssyncadd.s32 $0xFFFFD8F0  }
0x5b: {  	[tilespmem:s7], [sflag:$0x7] =	stream.linear.gather [spmem:s4], $0x2710, $0x38;
	[tilespmem:$0x1F5B0] =	vst v63  }
0x5c: {  	_ =	swait.ge [sflag:s8], $0x2710  }
0x5d: {  	[sflag:s8] =	ssyncset.done $0x0  }
0x5e: {  	s11 =	rddreg [dreg:$0xb];
	[sflag:s8] =	ssyncadd.s32 $0xFFFFD8F0  }
0x5f: {  	[hbm4b:s11+s0] =	stream.linear.scatter [tilespmem:s7], [sflag:$0x7], $0x2710, $0x38;
	[tilespmem:$0x1F5B0] =	vst v63  }
0x60: {  	_ =	swait.ge [sflag:s8], $0x2710  }
0x61: {  	[sflag:s8] =	ssyncset.done $0x0  }
0x62: {  	s11 =	rddreg [dreg:$0x19];
	[sflag:s8] =	ssyncadd.s32 $0xFFFFD8F0  }
0x63: {  	[tilespmem:s7], [sflag:$0x7] =	stream.linear.gather [spmem:s11], $0x2710, $0x38;
	[tilespmem:$0x1F5B0] =	vst v63  }
0x64: {  	_ =	swait.ge [sflag:s8], $0x2710  }
0x65: {  	[sflag:s8] =	ssyncset.done $0x0  }
0x66: {  	s20 =	rddreg [dreg:$0xc];
	[sflag:s8] =	ssyncadd.s32 $0xFFFFD8F0  }
0x67: {  	[hbm4b:s20+s0] =	stream.linear.scatter [tilespmem:s7], [sflag:$0x7], $0x2710, $0x38;
	[tilespmem:$0x1F5B0] =	vst v63  }
0x68: {  	_ =	swait.ge [sflag:s8], $0x2710  }
0x69: {  	[sflag:s8] =	ssyncset.done $0x0  }
0x6a: {  	s20 =	rddreg [dreg:$0x1a];
	[sflag:s8] =	ssyncadd.s32 $0xFFFFD8F0  }
0x6b: {  	[tilespmem:s7], [sflag:$0x7] =	stream.linear.gather [spmem:s20], $0x2710, $0x38;
	[tilespmem:$0x1F5B0] =	vst v63  }
0x6c: {  	_ =	swait.ge [sflag:s8], $0x2710  }
0x6d: {  	[sflag:s8] =	ssyncset.done $0x0  }
0x6e: {  	s20 =	rddreg [dreg:$0xd];
	[sflag:s8] =	ssyncadd.s32 $0xFFFFD8F0  }
0x6f: {  	[hbm4b:s20+s0] =	stream.linear.scatter [tilespmem:s7], [sflag:$0x7], $0x2710, $0x38;
	[tilespmem:$0x1F5B0] =	vst v63  }
0x70: {  	_ =	swait.ge [sflag:s8], $0x2710  }
0x71: {  	[sflag:s8] =	ssyncset.done $0x0  }
0x72: {  	s20 =	rddreg [dreg:$0x1b];
	[sflag:s8] =	ssyncadd.s32 $0xFFFFD8F0  }
0x73: {  	[tilespmem:s7], [sflag:$0x7] =	stream.linear.gather [spmem:s20], $0x2710, $0x38;
	[tilespmem:$0x1F5B0] =	vst v63  }
0x74: {  	_ =	swait.ge [sflag:s8], $0x2710  }
0x75: {  	[sflag:s8] =	ssyncset.done $0x0  }
0x76: {  	s20 =	rddreg [dreg:$0xe];
	[sflag:s8] =	ssyncadd.s32 $0xFFFFD8F0  }
0x77: {  	[hbm4b:s20+s0] =	stream.linear.scatter [tilespmem:s7], [sflag:$0x7], $0x2710, $0x38;
	[tilespmem:$0x1F5B0] =	vst v63  }
0x78: {  	_ =	swait.ge [sflag:s8], $0x2710  }
0x79: {  	[sflag:s8] =	ssyncset.done $0x0  }
0x7a: {  	s20 =	rddreg [dreg:$0x1c];
	[sflag:s8] =	ssyncadd.s32 $0xFFFFD8F0  }
0x7b: {  	[tilespmem:s7], [sflag:$0x7] =	stream.linear.gather [spmem:s20], $0x2710, $0x38;
	[tilespmem:$0x1F5B0] =	vst v63  }
0x7c: {  	_ =	swait.ge [sflag:s8], $0x2710  }
0x7d: {  	[sflag:s8] =	ssyncset.done $0x0  }
0x7e: {  	s20 =	rddreg [dreg:$0xf];
	[sflag:s8] =	ssyncadd.s32 $0xFFFFD8F0  }
0x7f: {  	[hbm4b:s20+s0] =	stream.linear.scatter [tilespmem:s7], [sflag:$0x7], $0x2710, $0x38;
	[tilespmem:$0x1F5B0] =	vst v63  }
0x80: {  	_ =	swait.ge [sflag:s8], $0x2710  }
0x81: {  	s0 =	rddreg [dreg:$0x1d]  }
0x82: {  	s20 =	rddreg [dreg:$0x12];
	s1 =	sadd.s32 $0x1, s0  }
0x83: {  	p0 =	sne.s32 s1, s20  }
.Ltmp1:
0x84: {  	_ = 	snop;
	(pc) =	sbr.rel @!p0 .LBB2_19-.Ltmp1, $3  }
0x85: {  	_ =	sdelay $0x1  }
0x86: {  	[sflag:s8] =	ssyncset.done $0x0  }
0x87: {  	[sflag:s8] =	ssyncadd.s32 $0xFFFFD8F0  }
.LBB2_1:
0x88: {  	[dreg:$0x1d] =	wrdreg s1;
	s0 =	simm.s32 $0x40;
	s1 =	simm.s32 $0x0  }
.LBB2_2:
0x89: {  	p0 =	sne.s32 s0, $0x9C00;
	[tilespmem:s1+$0x4800] =	vst v1;
	s1 =	smov.u32 s0;
	s0 =	sadd.s32 $0x40, s0  }
.Ltmp2:
0x8a: {  	(pc) =	sbr.rel @p0 .LBB2_2-.Ltmp2, $2  }
0x8b: {  	_ =	sdelay $0x2  }
0x8c: {  	s1 =	sshra.s32 s1, $0x2  }
0x8d: {  	[tilespmem:s1+$0x4800] =	vst v1;
	s0 =	rddreg [dreg:$0x13]  }
0x8e: {  	[spmem:s0] =	stream.linear.scatter [tilespmem:s7], [sflag:$0x7], $0x2710, $0x38;
	[tilespmem:$0x1F5B0] =	vst v63  }
0x8f: {  	_ =	swait.ge [sflag:s8], $0x2710  }
0x90: {  	[sflag:s8] =	ssyncset.done $0x0  }
0x91: {  	[sflag:s8] =	ssyncadd.s32 $0xFFFFD8F0  }
0x92: {  	[spmem:s3] =	stream.linear.scatter [tilespmem:s7], [sflag:$0x7], $0x2710, $0x38;
	[tilespmem:$0x1F5B0] =	vst v63  }
0x93: {  	_ =	swait.ge [sflag:s8], $0x2710  }
0x94: {  	[sflag:s8] =	ssyncset.done $0x0  }
0x95: {  	s20 =	rddreg [dreg:$0x15];
	[sflag:s8] =	ssyncadd.s32 $0xFFFFD8F0  }
0x96: {  	[spmem:s20] =	stream.linear.scatter [tilespmem:s7], [sflag:$0x7], $0x2710, $0x38;
	[tilespmem:$0x1F5B0] =	vst v63  }
0x97: {  	_ =	swait.ge [sflag:s8], $0x2710  }
0x98: {  	[sflag:s8] =	ssyncset.done $0x0  }
0x99: {  	s1 =	rddreg [dreg:$0x16];
	[sflag:s8] =	ssyncadd.s32 $0xFFFFD8F0  }
0x9a: {  	[spmem:s1] =	stream.linear.scatter [tilespmem:s7], [sflag:$0x7], $0x2710, $0x38;
	[tilespmem:$0x1F5B0] =	vst v63  }
0x9b: {  	_ =	swait.ge [sflag:s8], $0x2710  }
0x9c: {  	[sflag:s8] =	ssyncset.done $0x0  }
0x9d: {  	s3 =	rddreg [dreg:$0x17];
	[sflag:s8] =	ssyncadd.s32 $0xFFFFD8F0  }
0x9e: {  	[spmem:s3] =	stream.linear.scatter [tilespmem:s7], [sflag:$0x7], $0x2710, $0x38;
	[tilespmem:$0x1F5B0] =	vst v63  }
0x9f: {  	_ =	swait.ge [sflag:s8], $0x2710  }
0xa0: {  	[sflag:s8] =	ssyncset.done $0x0  }
0xa1: {  	[sflag:s8] =	ssyncadd.s32 $0xFFFFD8F0  }
0xa2: {  	[spmem:s4] =	stream.linear.scatter [tilespmem:s7], [sflag:$0x7], $0x2710, $0x38;
	[tilespmem:$0x1F5B0] =	vst v63  }
0xa3: {  	_ =	swait.ge [sflag:s8], $0x2710  }
0xa4: {  	[sflag:s8] =	ssyncset.done $0x0  }
0xa5: {  	[sflag:s8] =	ssyncadd.s32 $0xFFFFD8F0  }
0xa6: {  	[spmem:s11] =	stream.linear.scatter [tilespmem:s7], [sflag:$0x7], $0x2710, $0x38;
	[tilespmem:$0x1F5B0] =	vst v63  }
0xa7: {  	_ =	swait.ge [sflag:s8], $0x2710  }
0xa8: {  	[sflag:s8] =	ssyncset.done $0x0  }
0xa9: {  	s4 =	rddreg [dreg:$0x1a];
	[sflag:s8] =	ssyncadd.s32 $0xFFFFD8F0  }
0xaa: {  	[spmem:s4] =	stream.linear.scatter [tilespmem:s7], [sflag:$0x7], $0x2710, $0x38;
	[tilespmem:$0x1F5B0] =	vst v63  }
0xab: {  	_ =	swait.ge [sflag:s8], $0x2710  }
0xac: {  	[sflag:s8] =	ssyncset.done $0x0  }
0xad: {  	s11 =	rddreg [dreg:$0x1b];
	[sflag:s8] =	ssyncadd.s32 $0xFFFFD8F0  }
0xae: {  	[spmem:s11] =	stream.linear.scatter [tilespmem:s7], [sflag:$0x7], $0x2710, $0x38;
	[tilespmem:$0x1F5B0] =	vst v63  }
0xaf: {  	_ =	swait.ge [sflag:s8], $0x2710  }
0xb0: {  	[sflag:s8] =	ssyncset.done $0x0  }
0xb1: {  	s20 =	rddreg [dreg:$0x1c];
	[sflag:s8] =	ssyncadd.s32 $0xFFFFD8F0  }
0xb2: {  	[spmem:s20] =	stream.linear.scatter [tilespmem:s7], [sflag:$0x7], $0x2710, $0x38;
	[tilespmem:$0x1F5B0] =	vst v63  }
.Ltmp3:
0xb3: {  	_ =	swait.ge [sflag:s8], $0x2710;
	(pc) =	sbr.rel .LBB2_4-.Ltmp3, $4  }
0xb4: {  	[sflag:s8] =	ssyncset.done $0x0  }
0xb5: {  	[sflag:s8] =	ssyncadd.s32 $0xFFFFD8F0  }
0xb6: {  	[bflag:$0x0] =	sbarrier.arrive $0xFFFF  }
0xb7: {  	s11 =	simm.s32 $0x0  }
.LBB2_17:
0xb8: {  	s11 =	sadd.s32 $0x1, s11  }
0xb9: {  	p0 =	sne.s32 s11, s19  }
.Ltmp4:
0xba: {  	_ = 	snop;
	(pc) =	sbr.rel @!p0 .LBB2_18-.Ltmp4, $1  }
0xbb: {  	_ =	sdelay $0x3  }
.LBB2_4:
0xbc: {  	s3 =	sshll.u32 s11, $0x1  }
0xbd: {  	p0 =	sgt.s32 s3, s17  }
.Ltmp5:
0xbe: {  	_ = 	snop;
	(pc) =	sbr.rel @p0 .LBB2_11-.Ltmp5, $1  }
0xbf: {  	_ =	sdelay $0x3  }
0xc0: {  	p0 =	sge.u32 s3, s17  }
.Ltmp6:
0xc1: {  	_ = 	snop;
	(pc) =	sbr.rel @p0 .LBB2_7-.Ltmp6, $1  }
0xc2: {  	_ =	sdelay $0x3  }
0xc3: {  	p0 =	sgt.s32 s3, $0x1  }
0xc4: {  	s0 =	sshll.u32 @!p0 s11, $0xC  }
0xc5: {  	s0 =	sor.u32 @!p0 s6, s0  }
0xc6: {  	s0 =	sshrl.u32 @!p0 s0, $0x3  }
0xc7: {  	s4 =	simm.s32 @!p0 $0x0;
	s1 =	sadd.s32 @!p0 s2, s0  }
0xc8: {  	[tilespmem:s4], [sflag:$0x1] =	stream.linear.gather @!p0 [hbm4b:s1+s4], $0x80, $0x38;
	[tilespmem:$0x1F5B0] =	vst v63  }
0xc9: {  	s0 =	sadd.s32 @!p0 s13, s0;
	s1 =	simm.s32 @!p0 $0x100  }
0xca: {  	[tilespmem:s1], [sflag:$0x1] =	stream.linear.gather @!p0 [hbm4b:s0+s4], $0x80, $0x38;
	[tilespmem:$0x1F5B0] =	vst v63  }
0xcb: {  	_ =	swait.ge [sflag:s12], $0x80  }
0xcc: {  	[sflag:s12] =	ssyncset.done $0x0  }
0xcd: {  	[sflag:s12] =	ssyncadd.s32 $0xFFFFFF80  }
0xce: {  	_ =	swait.ge [sflag:s12], $0x80  }
0xcf: {  	[sflag:s12] =	ssyncset.done $0x0  }
0xd0: {  	[sflag:s12] =	ssyncadd.s32 $0xFFFFFF80  }
0xd1: {  	v3 =	vld [tilespmem:$0x0]  }
0xd2: {  	v4 =	vld [tilespmem:$0x100]  }
0xd3: {  	v5 =	vld [tilespmem:$0x10];
	_ =	sdelay $0x1  }
0xd4: {  	v7 =	vld [tilespmem:$0x110]  }
0xd5: {  	v8 =	vld [tilespmem:$0x20];
	v6 =	vshll.u32 v3, $0x1;
	v3 =	vshra.s32 v3, $0x2  }
0xd6: {  	v6 =	vor.u32 v0, v6;
	[tilespmem:$0x300] =	vst v3  }
0xd7: {  	v47 =	vld [tilespmem:$0x120];
	v46 =	vshll.u32 v5, $0x1;
	v3 =	vshra.s32 v4, $0x2;
	[tilespmem:$0x200] =	vst v6  }
0xd8: {  	v48 =	vld [tilespmem:$0x30];
	[tilespmem:$0x400] =	vst v3;
	v3 =	vor.u32 v0, v46  }
0xd9: {  	[tilespmem:$0x210] =	vst v3;
	v3 =	vshra.s32 v5, $0x2  }
0xda: {  	v50 =	vld [tilespmem:$0x130];
	v49 =	vshll.u32 v8, $0x1;
	[tilespmem:$0x310] =	vst v3;
	v3 =	vshra.s32 v7, $0x2  }
0xdb: {  	v51 =	vld [tilespmem:$0x40];
	[tilespmem:$0x410] =	vst v3;
	v3 =	vor.u32 v0, v49  }
0xdc: {  	[tilespmem:$0x220] =	vst v3;
	v3 =	vshra.s32 v8, $0x2  }
0xdd: {  	v53 =	vld [tilespmem:$0x140];
	v52 =	vshll.u32 v48, $0x1;
	[tilespmem:$0x320] =	vst v3;
	v3 =	vshra.s32 v47, $0x2  }
0xde: {  	v54 =	vld [tilespmem:$0x50];
	[tilespmem:$0x420] =	vst v3;
	v3 =	vor.u32 v0, v52  }
0xdf: {  	[tilespmem:$0x230] =	vst v3;
	v3 =	vshra.s32 v48, $0x2  }
0xe0: {  	v56 =	vld [tilespmem:$0x150];
	v55 =	vshll.u32 v51, $0x1;
	[tilespmem:$0x330] =	vst v3;
	v3 =	vshra.s32 v50, $0x2  }
0xe1: {  	v57 =	vld [tilespmem:$0x60];
	[tilespmem:$0x430] =	vst v3;
	v3 =	vor.u32 v0, v55  }
0xe2: {  	[tilespmem:$0x240] =	vst v3;
	v3 =	vshra.s32 v51, $0x2  }
0xe3: {  	v59 =	vld [tilespmem:$0x160];
	v58 =	vshll.u32 v54, $0x1;
	[tilespmem:$0x340] =	vst v3;
	v3 =	vshra.s32 v53, $0x2  }
0xe4: {  	v60 =	vld [tilespmem:$0x70];
	[tilespmem:$0x440] =	vst v3;
	v3 =	vor.u32 v0, v58  }
0xe5: {  	[tilespmem:$0x250] =	vst v3;
	v3 =	vshra.s32 v54, $0x2  }
0xe6: {  	v61 =	vshll.u32 v57, $0x1;
	[tilespmem:$0x350] =	vst v3;
	v3 =	vshra.s32 v56, $0x2  }
0xe7: {  	v62 =	vld [tilespmem:$0x170];
	[tilespmem:$0x450] =	vst v3;
	v3 =	vor.u32 v0, v61  }
0xe8: {  	[tilespmem:$0x260] =	vst v3;
	v3 =	vshra.s32 v57, $0x2  }
0xe9: {  	v63 =	vshll.u32 v60, $0x1;
	[tilespmem:$0x360] =	vst v3;
	v3 =	vshra.s32 v59, $0x2  }
0xea: {  	[tilespmem:$0x460] =	vst v3;
	v3 =	vor.u32 v0, v63  }
0xeb: {  	[tilespmem:$0x270] =	vst v3;
	v3 =	vshra.s32 v60, $0x2  }
0xec: {  	[tilespmem:$0x370] =	vst v3;
	v3 =	vshra.s32 v62, $0x2  }
0xed: {  	s20 =	simm.s32 $0x400;
	[tilespmem:$0x470] =	vst v3  }
0xee: {  	[tilespmem:s26], [sflag:$0x3] =	stream.indirect.gather [hbm4b:s18+s10], $0x10, s20, s10, $0xb8;
	[tilespmem:$0x1F5B0] =	vst v63  }
0xef: {  	s1 =	simm.s32 $0x300  }
0xf0: {  	[tilespmem:s28], [sflag:$0x3] =	stream.indirect.gather [hbm4b:s18+s10], $0x10, s1, s10, $0xb8;
	[tilespmem:$0x1F5B0] =	vst v63  }
0xf1: {  	s4 =	rddreg [dreg:$0x1];
	s20 =	simm.s32 $0x200  }
0xf2: {  	[tilespmem:s29], [sflag:$0x3] =	stream.indirect.gather [hbm4b:s4+s10], $0x10, s20, s10, $0xb8;
	[tilespmem:$0x1F5B0] =	vst v63  }
.LBB2_7:
0xf3: {  	p0 =	slt.s32 s3, $0x1  }
.Ltmp7:
0xf4: {  	_ = 	snop;
	(pc) =	sbr.rel @p0 .LBB2_11-.Ltmp7, $1  }
0xf5: {  	_ =	sdelay $0x3  }
0xf6: {  	p0 =	seq.s32 s11, $0x1  }
0xf7: {  	s0 =	simm.s32 @!p0 $0x6  }
0xf8: {  	_ =	swait.ge @!p0 [sflag:s0], $0x800  }
0xf9: {  	[sflag:s0] =	ssyncset.done @!p0 $0x0  }
0xfa: {  	[sflag:s0] =	ssyncadd.s32 @!p0 $0xFFFFF800  }
0xfb: {  	v3 =	vld [tilespmem:$0x80]  }
0xfc: {  	v4 =	vld [tilespmem:$0x180];
	_ =	sdelay $0x1  }
0xfd: {  	v5 =	vld [tilespmem:$0x90]  }
0xfe: {  	v6 =	vld [tilespmem:$0x190]  }
0xff: {  	v3 =	vshll.u32 v3, $0x2  }
0x100: {  	v8 =	vld [tilespmem:$0xA0];
	v7 =	vshll.u32 v4, $0x2;
	[tilespmem:$0x780] =	vst v4;
	v3 =	vand.u32 $0xC, v3  }
0x101: {  	v46 =	vld [tilespmem:$0x1A0];
	[tilespmem:$0x680] =	vst v3;
	v3 =	vand.u32 $0xC, v7  }
0x102: {  	[tilespmem:$0x580] =	vst v3;
	v3 =	vshll.u32 v5, $0x2  }
0x103: {  	v48 =	vld [tilespmem:$0xB0];
	v47 =	vshll.u32 v6, $0x2;
	[tilespmem:$0x790] =	vst v6;
	v3 =	vand.u32 $0xC, v3  }
0x104: {  	v49 =	vld [tilespmem:$0x1B0];
	[tilespmem:$0x690] =	vst v3;
	v3 =	vand.u32 $0xC, v47  }
0x105: {  	[tilespmem:$0x590] =	vst v3;
	v3 =	vshll.u32 v8, $0x2  }
0x106: {  	v51 =	vld [tilespmem:$0xC0];
	v50 =	vshll.u32 v46, $0x2;
	[tilespmem:$0x7A0] =	vst v46;
	v3 =	vand.u32 $0xC, v3  }
0x107: {  	v52 =	vld [tilespmem:$0x1C0];
	[tilespmem:$0x6A0] =	vst v3;
	v3 =	vand.u32 $0xC, v50  }
0x108: {  	[tilespmem:$0x5A0] =	vst v3;
	v3 =	vshll.u32 v48, $0x2  }
0x109: {  	v54 =	vld [tilespmem:$0xD0];
	v53 =	vshll.u32 v49, $0x2;
	[tilespmem:$0x7B0] =	vst v49;
	v3 =	vand.u32 $0xC, v3  }
0x10a: {  	v55 =	vld [tilespmem:$0x1D0];
	[tilespmem:$0x6B0] =	vst v3;
	v3 =	vand.u32 $0xC, v53  }
0x10b: {  	[tilespmem:$0x5B0] =	vst v3;
	v3 =	vshll.u32 v51, $0x2  }
0x10c: {  	v57 =	vld [tilespmem:$0xE0];
	v56 =	vshll.u32 v52, $0x2;
	[tilespmem:$0x7C0] =	vst v52;
	v3 =	vand.u32 $0xC, v3  }
0x10d: {  	v58 =	vld [tilespmem:$0x1E0];
	[tilespmem:$0x6C0] =	vst v3;
	v3 =	vand.u32 $0xC, v56  }
0x10e: {  	[tilespmem:$0x5C0] =	vst v3;
	v3 =	vshll.u32 v54, $0x2  }
0x10f: {  	v60 =	vld [tilespmem:$0xF0];
	v59 =	vshll.u32 v55, $0x2;
	[tilespmem:$0x7D0] =	vst v55;
	v3 =	vand.u32 $0xC, v3  }
0x110: {  	v61 =	vld [tilespmem:$0x1F0];
	[tilespmem:$0x6D0] =	vst v3;
	v3 =	vand.u32 $0xC, v59  }
0x111: {  	[tilespmem:$0x5D0] =	vst v3;
	v3 =	vshll.u32 v57, $0x2  }
0x112: {  	s0 =	sor.u32 $0x1, s3;
	v62 =	vshll.u32 v58, $0x2;
	[tilespmem:$0x7E0] =	vst v58;
	v3 =	vand.u32 $0xC, v3  }
0x113: {  	p0 =	sge.u32 s0, s17;
	[tilespmem:$0x6E0] =	vst v3;
	v3 =	vand.u32 $0xC, v62  }
0x114: {  	s0 =	sshll.u32 @!p0 s0, $0xB;
	[tilespmem:$0x5E0] =	vst v3;
	v3 =	vshll.u32 v60, $0x2  }
0x115: {  	s0 =	sor.u32 @!p0 s6, s0;
	v63 =	vshll.u32 v61, $0x2;
	[tilespmem:$0x7F0] =	vst v61;
	v3 =	vand.u32 $0xC, v3  }
0x116: {  	s0 =	sshrl.u32 @!p0 s0, $0x3;
	[tilespmem:$0x6F0] =	vst v3;
	v3 =	vand.u32 $0xC, v63  }
0x117: {  	s4 =	simm.s32 @!p0 $0x0;
	s20 =	simm.s32 @!p0 $0x80;
	s1 =	sadd.s32 @!p0 s2, s0;
	[tilespmem:$0x5F0] =	vst v3  }
0x118: {  	[tilespmem:s20], [sflag:$0x2] =	stream.linear.gather @!p0 [hbm4b:s1+s4], $0x80, $0x38;
	[tilespmem:$0x1F5B0] =	vst v63  }
0x119: {  	s0 =	sadd.s32 @!p0 s13, s0;
	s1 =	simm.s32 @!p0 $0x180  }
0x11a: {  	[tilespmem:s1], [sflag:$0x2] =	stream.linear.gather @!p0 [hbm4b:s0+s4], $0x80, $0x38;
	[tilespmem:$0x1F5B0] =	vst v63  }
0x11b: {  	_ =	swait.ge [sflag:s16], $0x800  }
0x11c: {  	[sflag:s16] =	ssyncset.done $0x0  }
0x11d: {  	[sflag:s16] =	ssyncadd.s32 $0xFFFFF800  }
0x11e: {  	_ =	swait.ge [sflag:s16], $0x800  }
0x11f: {  	[sflag:s16] =	ssyncset.done $0x0  }
0x120: {  	[sflag:s16] =	ssyncadd.s32 $0xFFFFF800  }
0x121: {  	_ =	swait.ge [sflag:s16], $0x800  }
0x122: {  	s0 =	simm.s32 $0x0;
	[sflag:s16] =	ssyncset.done $0x0  }
0x123: {  	s4 =	simm.s32 $0x580;
	s1 =	simm.s32 $0x680;
	[sflag:s16] =	ssyncadd.s32 $0xFFFFF800  }
.LBB2_9:
0x124: {  	v4 =	vld [tilespmem:s4+$0x0]  }
0x125: {  	v5 =	vld [tilespmem:s1+$0x0];
	_ =	sdelay $0x1  }
0x126: {  	v3 =	vmov s0  }
0x127: {  	v3 =	vshll.u32 v3, $0x4  }
0x128: {  	v3 =	vor.u32 v2, v3  }
0x129: {  	v6 =	vand.u32 $0xFFFFFFF8, v4;
	v7 =	vand.u32 $0x7, v4;
	v40 =	vand.u32 $0xFFFFFFF8, v5  }
0x12a: {  	v8 =	vadd.s32 $0x1, v4;
	v9 =	vand.u32 $0x7, v5;
	v11 =	vadd.s32 $0x1, v5  }
0x12b: {  	v4 =	vadd.s32 $0x2, v4;
	v5 =	vadd.s32 $0x2, v5;
	v6 =	vadd.s32 v3, v6  }
0x12c: {  	v10 =	vand.u32 $0xFFFFFFF8, v8;
	v8 =	vand.u32 $0x7, v8;
	v41 =	vand.u32 $0xFFFFFFF8, v11  }
0x12d: {  	v42 =	vand.u32 $0x7, v11;
	v6 =	vor.u32 v7, v6;
	v7 =	vadd.s32 v3, v40  }
0x12e: {  	v43 =	vand.u32 $0xFFFFFFF8, v4;
	v10 =	vadd.s32 v3, v10;
	v7 =	vor.u32 v9, v7  }
0x12f: {  	v44 =	vand.u32 $0xFFFFFFF8, v5;
	v8 =	vor.u32 v8, v10;
	v9 =	vadd.s32 v3, v41  }
0x130: {  	v5 =	vand.u32 $0x7, v5;
	v45 =	vadd.s32 v3, v44;
	v9 =	vor.u32 v42, v9  }
0x131: {  	v4 =	vand.u32 $0x7, v4;
	v10 =	vadd.s32 v3, v43;
	v5 =	vor.u32 v5, v45  }
0x132: {  	v4 =	vor.u32 v4, v10;
	v6 =	vld.idx.msk [tilespmem:v6+s14+$0x0], $0xffff  }
0x133: {  	v7 =	vld.idx.msk [tilespmem:v7+s22+$0x0], $0xffff  }
0x134: {  	v8 =	vld.idx.msk [tilespmem:v8+s14+$0x0], $0xffff  }
0x135: {  	v9 =	vld.idx.msk [tilespmem:v9+s22+$0x0], $0xffff  }
0x136: {  	v5 =	vld.idx.msk [tilespmem:v5+s22+$0x0], $0xffff  }
0x137: {  	v4 =	vld.idx.msk [tilespmem:v4+s14+$0x0], $0xffff;
	_ =	sdelay $0x2  }
0x138: {  	v6 =	vsub.f32 v6, v7;
	v46 =	vsub.f32 v8, v9;
	_ =	sdelay $0x1  }
0x139: {  	v4 =	vsub.f32 v4, v5;
	v47 =	vmul.f32 v6, v6;
	v8 =	vmul.f32 v46, v46;
	_ =	sdelay $0x1  }
0x13a: {  	v48 =	vmul.f32 v4, v4;
	v5 =	vadd.f32 v8, v47;
	_ =	sdelay $0x1  }
0x13b: {  	v5 =	vadd.f32 v48, v5;
	_ =	sdelay $0x1  }
0x13c: {  	v8 =	vshra.s32 v5, $0x1;
	v49 =	vmul.f32 $5.000000000e-01, v5  }
0x13d: {  	v8 =	vsub.s32 $0x5F3759DF, v8  }
0x13e: {  	v50 =	vmul.f32 v8, v49;
	_ =	sdelay $0x1  }
0x13f: {  	v10 =	vmul.f32 v8, v50;
	_ =	sdelay $0x1  }
0x140: {  	v10 =	vsub.f32 $1.500000000e+00, v10;
	_ =	sdelay $0x1  }
0x141: {  	v8 =	vmul.f32 v8, v10;
	_ =	sdelay $0x1  }
0x142: {  	v10 =	vmul.f32 v8, v49;
	_ =	sdelay $0x1  }
0x143: {  	v10 =	vmul.f32 v10, v8;
	_ =	sdelay $0x1  }
0x144: {  	v10 =	vsub.f32 $1.500000000e+00, v10;
	_ =	sdelay $0x1  }
0x145: {  	v8 =	vmul.f32 v10, v8;
	_ =	sdelay $0x1  }
0x146: {  	v9 =	vmul.f32 v8, v49;
	_ =	sdelay $0x1  }
0x147: {  	v9 =	vmul.f32 v9, v8;
	_ =	sdelay $0x1  }
0x148: {  	v9 =	vsub.f32 $1.500000000e+00, v9;
	_ =	sdelay $0x1  }
0x149: {  	v8 =	vmul.f32 v9, v8;
	_ =	sdelay $0x1  }
0x14a: {  	v5 =	vmul.f32 v8, v5;
	_ =	sdelay $0x1  }
0x14b: {  	v5 =	vadd.f32 $9.999999710e-10, v5;
	_ =	sdelay $0x1  }
0x14c: {  	(erf) = vrcp.f32 v5  }
0x14d: {  	v51 =	vor.u32 $0x1, v3  }
0x14e: {  	v52 =	vor.u32 $0x2, v3;
	_ =	sdelay $0x1  }
0x14f: {  	v53 =	vor.u32 $0x3, v3;
	_ =	sdelay $0x1  }
0x150: {  	v54 =	vld.idx.msk [tilespmem:v51+s24+$0x0], $0xffff  }
0x151: {  	v12 =	vld.idx.msk [tilespmem:v52+s24+$0x0], $0xffff;
	_ =	sdelay $0x1  }
0x152: {  	v14 =	vld.idx.msk [tilespmem:v53+s24+$0x0], $0xffff;
	v13 =	vpop (erf)  }
0x153: {  	v15 =	vld.idx.msk [tilespmem:v3+s24+$0x0], $0xffff;
	v6 =	vmul.f32 v13, v6;
	v5 =	vmul.f32 v13, v46  }
0x154: {  	v4 =	vmul.f32 v13, v4  }
0x155: {  	v55 =	vmul.f32 v6, v54;
	v56 =	vmul.f32 v5, v12;
	_ =	sdelay $0x1  }
0x156: {  	v57 =	vmul.f32 v4, v14;
	v58 =	vmul.f32 v4, v12;
	v7 =	vadd.f32 v56, v55  }
0x157: {  	v16 =	vmul.f32 v5, v14;
	v17 =	vmul.f32 v6, v15  }
0x158: {  	v59 =	vmul.f32 v6, v14;
	v18 =	vmul.f32 v4, v54;
	v7 =	vadd.f32 v7, v57  }
0x159: {  	v11 =	vmul.f32 v5, v54;
	v19 =	vmul.f32 v6, v12  }
0x15a: {  	v13 =	vsub.f32 v58, v16;
	v17 =	vadd.f32 v17, v54;
	v7 =	vmul.f32 $5.773502590e-01, v7  }
0x15b: {  	v20 =	vmul.f32 v5, v15;
	v16 =	vsub.f32 v59, v18;
	v11 =	vsub.f32 v11, v19  }
0x15c: {  	v13 =	vmul.f32 $7.071067690e-01, v13;
	v7 =	vadd.f32 v7, v15;
	v15 =	vmul.f32 v4, v15  }
0x15d: {  	v60 =	vor.u32 $0x5, v3;
	v12 =	vadd.f32 v20, v12;
	v16 =	vmul.f32 $7.071067690e-01, v16  }
0x15e: {  	v11 =	vmul.f32 $7.071067690e-01, v11;
	v13 =	vadd.f32 v13, v17;
	v14 =	vadd.f32 v15, v14  }
0x15f: {  	v61 =	vor.u32 $0x6, v3;
	v12 =	vadd.f32 v16, v12;
	[tilespmem:v3+s23+$0x0] =	vst.idx.msk $0xffff, v7  }
0x160: {  	v62 =	vor.u32 $0x7, v3;
	[tilespmem:v51+s23+$0x0] =	vst.idx.msk $0xffff, v13;
	v11 =	vadd.f32 v11, v14  }
0x161: {  	[tilespmem:v52+s23+$0x0] =	vst.idx.msk $0xffff, v12  }
0x162: {  	v63 =	vor.u32 $0x4, v3;
	[tilespmem:v53+s23+$0x0] =	vst.idx.msk $0xffff, v11  }
0x163: {  	v9 =	vld.idx.msk [tilespmem:v60+s24+$0x0], $0xffff  }
0x164: {  	v10 =	vld.idx.msk [tilespmem:v61+s24+$0x0], $0xffff  }
0x165: {  	v12 =	vld.idx.msk [tilespmem:v62+s24+$0x0], $0xffff;
	_ =	sdelay $0x1  }
0x166: {  	v26 =	vld.idx.msk [tilespmem:v63+s24+$0x0], $0xffff;
	_ =	sdelay $0x1  }
0x167: {  	v24 =	vmul.f32 v6, v9;
	v25 =	vmul.f32 v5, v10  }
0x168: {  	v27 =	vmul.f32 v4, v12  }
0x169: {  	v28 =	vmul.f32 v4, v10;
	v29 =	vmul.f32 v5, v12;
	v13 =	vadd.f32 v25, v24  }
0x16a: {  	v35 =	vor.u32 $0x9, v3;
	v30 =	vmul.f32 v6, v26;
	v31 =	vmul.f32 v6, v12  }
0x16b: {  	v32 =	vmul.f32 v4, v9;
	v33 =	vmul.f32 v6, v10;
	v13 =	vadd.f32 v13, v27  }
0x16c: {  	v14 =	vsub.f32 v28, v29;
	v18 =	vadd.f32 v30, v9;
	v9 =	vmul.f32 v5, v9  }
0x16d: {  	v34 =	vmul.f32 v5, v26;
	v17 =	vsub.f32 v31, v32;
	v13 =	vmul.f32 $5.773502590e-01, v13  }
0x16e: {  	v16 =	vmul.f32 v4, v26;
	v14 =	vmul.f32 $7.071067690e-01, v14;
	v9 =	vsub.f32 v9, v33  }
0x16f: {  	v10 =	vadd.f32 v34, v10;
	v17 =	vmul.f32 $7.071067690e-01, v17;
	v13 =	vadd.f32 v13, v26  }
0x170: {  	v12 =	vadd.f32 v16, v12;
	v14 =	vadd.f32 v14, v18;
	v9 =	vmul.f32 $7.071067690e-01, v9  }
0x171: {  	v36 =	vor.u32 $0xA, v3;
	v10 =	vadd.f32 v17, v10;
	[tilespmem:v63+s23+$0x0] =	vst.idx.msk $0xffff, v13  }
0x172: {  	v9 =	vadd.f32 v9, v12;
	[tilespmem:v60+s23+$0x0] =	vst.idx.msk $0xffff, v14  }
0x173: {  	v37 =	vor.u32 $0xB, v3;
	[tilespmem:v61+s23+$0x0] =	vst.idx.msk $0xffff, v10  }
0x174: {  	[tilespmem:v62+s23+$0x0] =	vst.idx.msk $0xffff, v9  }
0x175: {  	v38 =	vor.u32 $0x8, v3;
	v8 =	vld.idx.msk [tilespmem:v35+s24+$0x0], $0xffff  }
0x176: {  	v9 =	vld.idx.msk [tilespmem:v36+s24+$0x0], $0xffff;
	_ =	sdelay $0x1  }
0x177: {  	v39 =	vld.idx.msk [tilespmem:v37+s24+$0x0], $0xffff;
	_ =	sdelay $0x1  }
0x178: {  	v15 =	vld.idx.msk [tilespmem:v38+s24+$0x0], $0xffff  }
0x179: {  	v40 =	vmul.f32 v6, v8;
	v41 =	vmul.f32 v5, v9;
	_ =	sdelay $0x1  }
0x17a: {  	v42 =	vmul.f32 v4, v39;
	v13 =	vadd.f32 v41, v40  }
0x17b: {  	v43 =	vmul.f32 v4, v9;
	v44 =	vmul.f32 v5, v39  }
0x17c: {  	v45 =	vmul.f32 v6, v15;
	v46 =	vmul.f32 v6, v39;
	v13 =	vadd.f32 v13, v42  }
0x17d: {  	v47 =	vmul.f32 v4, v8;
	v48 =	vmul.f32 v6, v9;
	v14 =	vsub.f32 v43, v44  }
0x17e: {  	v18 =	vadd.f32 v45, v8;
	v8 =	vmul.f32 v5, v8;
	v13 =	vmul.f32 $5.773502590e-01, v13  }
0x17f: {  	v49 =	vmul.f32 v5, v15;
	v17 =	vsub.f32 v46, v47;
	v14 =	vmul.f32 $7.071067690e-01, v14  }
0x180: {  	v8 =	vsub.f32 v8, v48;
	v13 =	vadd.f32 v13, v15;
	v15 =	vmul.f32 v4, v15  }
0x181: {  	v50 =	vor.u32 $0xD, v3;
	v9 =	vadd.f32 v49, v9;
	v17 =	vmul.f32 $7.071067690e-01, v17  }
0x182: {  	v14 =	vadd.f32 v14, v18;
	v8 =	vmul.f32 $7.071067690e-01, v8;
	v12 =	vadd.f32 v15, v39  }
0x183: {  	v51 =	vor.u32 $0xE, v3;
	v9 =	vadd.f32 v17, v9;
	[tilespmem:v38+s23+$0x0] =	vst.idx.msk $0xffff, v13  }
0x184: {  	v52 =	vor.u32 $0xF, v3;
	[tilespmem:v35+s23+$0x0] =	vst.idx.msk $0xffff, v14;
	v8 =	vadd.f32 v8, v12  }
0x185: {  	v3 =	vor.u32 $0xC, v3;
	[tilespmem:v36+s23+$0x0] =	vst.idx.msk $0xffff, v9  }
0x186: {  	[tilespmem:v37+s23+$0x0] =	vst.idx.msk $0xffff, v8  }
0x187: {  	v7 =	vld.idx.msk [tilespmem:v50+s24+$0x0], $0xffff  }
0x188: {  	v8 =	vld.idx.msk [tilespmem:v51+s24+$0x0], $0xffff  }
0x189: {  	v11 =	vld.idx.msk [tilespmem:v52+s24+$0x0], $0xffff  }
0x18a: {  	v14 =	vld.idx.msk [tilespmem:v3+s24+$0x0], $0xffff;
	_ =	sdelay $0x2  }
0x18b: {  	v53 =	vmul.f32 v7, v6;
	v54 =	vmul.f32 v8, v5  }
0x18c: {  	v55 =	vmul.f32 v11, v4  }
0x18d: {  	v56 =	vmul.f32 v14, v6;
	v57 =	vmul.f32 v8, v4;
	v12 =	vadd.f32 v54, v53  }
0x18e: {  	v58 =	vmul.f32 v11, v5;
	v59 =	vmul.f32 v11, v6  }
0x18f: {  	v60 =	vmul.f32 v7, v4;
	v61 =	vmul.f32 v7, v5;
	v12 =	vadd.f32 v55, v12  }
0x190: {  	v6 =	vmul.f32 v8, v6;
	v5 =	vmul.f32 v14, v5;
	v16 =	vsub.f32 v57, v58  }
0x191: {  	v4 =	vmul.f32 v14, v4;
	v62 =	vsub.f32 v59, v60;
	v12 =	vmul.f32 $5.773502590e-01, v12  }
0x192: {  	v7 =	vadd.f32 v7, v56;
	v6 =	vsub.f32 v61, v6;
	v16 =	vmul.f32 $7.071067690e-01, v16  }
0x193: {  	p0 =	sne.s32 s0, $0x70;
	v5 =	vadd.f32 v8, v5;
	v63 =	vmul.f32 $7.071067690e-01, v62;
	v12 =	vadd.f32 v12, v14  }
.Ltmp8:
0x194: {  	v4 =	vadd.f32 v11, v4;
	v6 =	vmul.f32 $7.071067690e-01, v6;
	v7 =	vadd.f32 v16, v7;
	(pc) =	sbr.rel @p0 .LBB2_9-.Ltmp8, $4  }
0x195: {  	v5 =	vadd.f32 v63, v5;
	[tilespmem:v3+s23+$0x0] =	vst.idx.msk $0xffff, v12  }
0x196: {  	v3 =	vadd.f32 v6, v4;
	[tilespmem:v50+s23+$0x0] =	vst.idx.msk $0xffff, v7  }
0x197: {  	[tilespmem:v51+s23+$0x0] =	vst.idx.msk $0xffff, v5  }
0x198: {  	s4 =	sadd.s32 $0x10, s4;
	s1 =	sadd.s32 $0x10, s1;
	s0 =	sadd.s32 $0x10, s0;
	[tilespmem:v52+s23+$0x0] =	vst.idx.msk $0xffff, v3  }
0x199: {  	s0 =	simm.s32 $0x780  }
0x19a: {  	[spmem:s15] =	stream.indirect.scatter.add.f32 [tilespmem:s23], [sflag:$0x6], $0x10, s0, s10, $0xb8;
	[tilespmem:$0x1F5B0] =	vst v63  }
.LBB2_11:
0x19b: {  	p0 =	sge.u32 s3, s17  }
.Ltmp9:
0x19c: {  	_ = 	snop;
	(pc) =	sbr.rel @p0 .LBB2_17-.Ltmp9, $1  }
0x19d: {  	_ =	sdelay $0x3  }
0x19e: {  	p0 =	sge.u32 s3, s5  }
.Ltmp10:
0x19f: {  	_ = 	snop;
	(pc) =	sbr.rel @p0 .LBB2_14-.Ltmp10, $1  }
0x1a0: {  	_ =	sdelay $0x3  }
0x1a1: {  	p0 =	sne.s32 s11, $0x0  }
0x1a2: {  	s4 =	rddreg [dreg:$0x10];
	s0 =	simm.s32 @!p0 $0x0;
	s1 =	simm.s32 @!p0 $0x80  }
0x1a3: {  	[tilespmem:s1], [sflag:$0x2] =	stream.linear.gather @!p0 [hbm4b:s4+s0], $0x80, $0x38;
	[tilespmem:$0x1F5B0] =	vst v63  }
0x1a4: {  	s1 =	simm.s32 @!p0 $0x180  }
0x1a5: {  	[tilespmem:s1], [sflag:$0x2] =	stream.linear.gather @!p0 [hbm4b:s21+s0], $0x80, $0x38;
	[tilespmem:$0x1F5B0] =	vst v63  }
0x1a6: {  	_ =	swait.ge [sflag:s9], $0x80  }
0x1a7: {  	[sflag:s9] =	ssyncset.done $0x0  }
0x1a8: {  	[sflag:s9] =	ssyncadd.s32 $0xFFFFFF80  }
0x1a9: {  	_ =	swait.ge [sflag:s9], $0x80  }
0x1aa: {  	[sflag:s9] =	ssyncset.done $0x0  }
0x1ab: {  	[sflag:s9] =	ssyncadd.s32 $0xFFFFFF80  }
0x1ac: {  	v3 =	vld [tilespmem:$0x80]  }
0x1ad: {  	v4 =	vld [tilespmem:$0x180]  }
0x1ae: {  	v5 =	vld [tilespmem:$0x90];
	_ =	sdelay $0x1  }
0x1af: {  	v7 =	vld [tilespmem:$0x190]  }
0x1b0: {  	v8 =	vld [tilespmem:$0xA0];
	v6 =	vshll.u32 v3, $0x1;
	v3 =	vshra.s32 v3, $0x2  }
0x1b1: {  	v6 =	vor.u32 v0, v6;
	[tilespmem:$0x380] =	vst v3  }
0x1b2: {  	v47 =	vld [tilespmem:$0x1A0];
	v46 =	vshll.u32 v5, $0x1;
	v3 =	vshra.s32 v4, $0x2;
	[tilespmem:$0x280] =	vst v6  }
0x1b3: {  	v48 =	vld [tilespmem:$0xB0];
	[tilespmem:$0x480] =	vst v3;
	v3 =	vor.u32 v0, v46  }
0x1b4: {  	[tilespmem:$0x290] =	vst v3;
	v3 =	vshra.s32 v5, $0x2  }
0x1b5: {  	v50 =	vld [tilespmem:$0x1B0];
	v49 =	vshll.u32 v8, $0x1;
	[tilespmem:$0x390] =	vst v3;
	v3 =	vshra.s32 v7, $0x2  }
0x1b6: {  	v51 =	vld [tilespmem:$0xC0];
	[tilespmem:$0x490] =	vst v3;
	v3 =	vor.u32 v0, v49  }
0x1b7: {  	[tilespmem:$0x2A0] =	vst v3;
	v3 =	vshra.s32 v8, $0x2  }
0x1b8: {  	v53 =	vld [tilespmem:$0x1C0];
	v52 =	vshll.u32 v48, $0x1;
	[tilespmem:$0x3A0] =	vst v3;
	v3 =	vshra.s32 v47, $0x2  }
0x1b9: {  	v54 =	vld [tilespmem:$0xD0];
	[tilespmem:$0x4A0] =	vst v3;
	v3 =	vor.u32 v0, v52  }
0x1ba: {  	[tilespmem:$0x2B0] =	vst v3;
	v3 =	vshra.s32 v48, $0x2  }
0x1bb: {  	v56 =	vld [tilespmem:$0x1D0];
	v55 =	vshll.u32 v51, $0x1;
	[tilespmem:$0x3B0] =	vst v3;
	v3 =	vshra.s32 v50, $0x2  }
0x1bc: {  	v57 =	vld [tilespmem:$0xE0];
	[tilespmem:$0x4B0] =	vst v3;
	v3 =	vor.u32 v0, v55  }
0x1bd: {  	[tilespmem:$0x2C0] =	vst v3;
	v3 =	vshra.s32 v51, $0x2  }
0x1be: {  	v59 =	vld [tilespmem:$0x1E0];
	v58 =	vshll.u32 v54, $0x1;
	[tilespmem:$0x3C0] =	vst v3;
	v3 =	vshra.s32 v53, $0x2  }
0x1bf: {  	v60 =	vld [tilespmem:$0xF0];
	[tilespmem:$0x4C0] =	vst v3;
	v3 =	vor.u32 v0, v58  }
0x1c0: {  	[tilespmem:$0x2D0] =	vst v3;
	v3 =	vshra.s32 v54, $0x2  }
0x1c1: {  	v61 =	vshll.u32 v57, $0x1;
	[tilespmem:$0x3D0] =	vst v3;
	v3 =	vshra.s32 v56, $0x2  }
0x1c2: {  	v62 =	vld [tilespmem:$0x1F0];
	[tilespmem:$0x4D0] =	vst v3;
	v3 =	vor.u32 v0, v61  }
0x1c3: {  	[tilespmem:$0x2E0] =	vst v3;
	v3 =	vshra.s32 v57, $0x2  }
0x1c4: {  	v63 =	vshll.u32 v60, $0x1;
	[tilespmem:$0x3E0] =	vst v3;
	v3 =	vshra.s32 v59, $0x2  }
0x1c5: {  	[tilespmem:$0x4E0] =	vst v3;
	v3 =	vor.u32 v0, v63  }
0x1c6: {  	[tilespmem:$0x2F0] =	vst v3;
	v3 =	vshra.s32 v60, $0x2  }
0x1c7: {  	[tilespmem:$0x3F0] =	vst v3;
	v3 =	vshra.s32 v62, $0x2  }
0x1c8: {  	s20 =	simm.s32 $0x480;
	[tilespmem:$0x4F0] =	vst v3  }
0x1c9: {  	[tilespmem:s14], [sflag:$0x4] =	stream.indirect.gather [hbm4b:s18+s10], $0x10, s20, s10, $0xb8;
	[tilespmem:$0x1F5B0] =	vst v63  }
0x1ca: {  	s1 =	simm.s32 $0x380  }
0x1cb: {  	[tilespmem:s22], [sflag:$0x4] =	stream.indirect.gather [hbm4b:s18+s10], $0x10, s1, s10, $0xb8;
	[tilespmem:$0x1F5B0] =	vst v63  }
0x1cc: {  	s4 =	rddreg [dreg:$0x1];
	s20 =	simm.s32 $0x280  }
0x1cd: {  	[tilespmem:s24], [sflag:$0x4] =	stream.indirect.gather [hbm4b:s4+s10], $0x10, s20, s10, $0xb8;
	[tilespmem:$0x1F5B0] =	vst v63  }
.LBB2_14:
0x1ce: {  	p0 =	seq.s32 s11, $0x0  }
0x1cf: {  	s0 =	simm.s32 @!p0 $0x5  }
0x1d0: {  	_ =	swait.ge @!p0 [sflag:s0], $0x800  }
0x1d1: {  	[sflag:s0] =	ssyncset.done @!p0 $0x0  }
0x1d2: {  	[sflag:s0] =	ssyncadd.s32 @!p0 $0xFFFFF800  }
0x1d3: {  	v3 =	vld [tilespmem:$0x0]  }
0x1d4: {  	v4 =	vld [tilespmem:$0x100];
	_ =	sdelay $0x1  }
0x1d5: {  	v5 =	vld [tilespmem:$0x10]  }
0x1d6: {  	v6 =	vld [tilespmem:$0x110]  }
0x1d7: {  	v3 =	vshll.u32 v3, $0x2  }
0x1d8: {  	v8 =	vld [tilespmem:$0x20];
	v7 =	vshll.u32 v4, $0x2;
	[tilespmem:$0x700] =	vst v4;
	v3 =	vand.u32 $0xC, v3  }
0x1d9: {  	v46 =	vld [tilespmem:$0x120];
	[tilespmem:$0x600] =	vst v3;
	v3 =	vand.u32 $0xC, v7  }
0x1da: {  	[tilespmem:$0x500] =	vst v3;
	v3 =	vshll.u32 v5, $0x2  }
0x1db: {  	v48 =	vld [tilespmem:$0x30];
	v47 =	vshll.u32 v6, $0x2;
	[tilespmem:$0x710] =	vst v6;
	v3 =	vand.u32 $0xC, v3  }
0x1dc: {  	v49 =	vld [tilespmem:$0x130];
	[tilespmem:$0x610] =	vst v3;
	v3 =	vand.u32 $0xC, v47  }
0x1dd: {  	[tilespmem:$0x510] =	vst v3;
	v3 =	vshll.u32 v8, $0x2  }
0x1de: {  	v51 =	vld [tilespmem:$0x40];
	v50 =	vshll.u32 v46, $0x2;
	[tilespmem:$0x720] =	vst v46;
	v3 =	vand.u32 $0xC, v3  }
0x1df: {  	v52 =	vld [tilespmem:$0x140];
	[tilespmem:$0x620] =	vst v3;
	v3 =	vand.u32 $0xC, v50  }
0x1e0: {  	[tilespmem:$0x520] =	vst v3;
	v3 =	vshll.u32 v48, $0x2  }
0x1e1: {  	v54 =	vld [tilespmem:$0x50];
	v53 =	vshll.u32 v49, $0x2;
	[tilespmem:$0x730] =	vst v49;
	v3 =	vand.u32 $0xC, v3  }
0x1e2: {  	v55 =	vld [tilespmem:$0x150];
	[tilespmem:$0x630] =	vst v3;
	v3 =	vand.u32 $0xC, v53  }
0x1e3: {  	[tilespmem:$0x530] =	vst v3;
	v3 =	vshll.u32 v51, $0x2  }
0x1e4: {  	v57 =	vld [tilespmem:$0x60];
	v56 =	vshll.u32 v52, $0x2;
	[tilespmem:$0x740] =	vst v52;
	v3 =	vand.u32 $0xC, v3  }
0x1e5: {  	v58 =	vld [tilespmem:$0x160];
	[tilespmem:$0x640] =	vst v3;
	v3 =	vand.u32 $0xC, v56  }
0x1e6: {  	[tilespmem:$0x540] =	vst v3;
	v3 =	vshll.u32 v54, $0x2  }
0x1e7: {  	v60 =	vld [tilespmem:$0x70];
	v59 =	vshll.u32 v55, $0x2;
	[tilespmem:$0x750] =	vst v55;
	v3 =	vand.u32 $0xC, v3  }
0x1e8: {  	v61 =	vld [tilespmem:$0x170];
	[tilespmem:$0x650] =	vst v3;
	v3 =	vand.u32 $0xC, v59  }
0x1e9: {  	[tilespmem:$0x550] =	vst v3;
	v3 =	vshll.u32 v57, $0x2  }
0x1ea: {  	s0 =	sadd.s32 $0x2, s3;
	v62 =	vshll.u32 v58, $0x2;
	[tilespmem:$0x760] =	vst v58;
	v3 =	vand.u32 $0xC, v3  }
0x1eb: {  	p0 =	sge.u32 s0, s17;
	[tilespmem:$0x660] =	vst v3;
	v3 =	vand.u32 $0xC, v62  }
0x1ec: {  	s0 =	sshll.u32 @!p0 s0, $0xB;
	[tilespmem:$0x560] =	vst v3;
	v3 =	vshll.u32 v60, $0x2  }
0x1ed: {  	s0 =	sor.u32 @!p0 s6, s0;
	v63 =	vshll.u32 v61, $0x2;
	[tilespmem:$0x770] =	vst v61;
	v3 =	vand.u32 $0xC, v3  }
0x1ee: {  	s0 =	sshrl.u32 @!p0 s0, $0x3;
	[tilespmem:$0x670] =	vst v3;
	v3 =	vand.u32 $0xC, v63  }
0x1ef: {  	s3 =	simm.s32 @!p0 $0x0;
	s1 =	sadd.s32 @!p0 s2, s0;
	[tilespmem:$0x570] =	vst v3  }
0x1f0: {  	[tilespmem:s3], [sflag:$0x1] =	stream.linear.gather @!p0 [hbm4b:s1+s3], $0x80, $0x38;
	[tilespmem:$0x1F5B0] =	vst v63  }
0x1f1: {  	s0 =	sadd.s32 @!p0 s13, s0;
	s1 =	simm.s32 @!p0 $0x100  }
0x1f2: {  	[tilespmem:s1], [sflag:$0x1] =	stream.linear.gather @!p0 [hbm4b:s0+s3], $0x80, $0x38;
	[tilespmem:$0x1F5B0] =	vst v63  }
0x1f3: {  	_ =	swait.ge [sflag:s25], $0x800  }
0x1f4: {  	[sflag:s25] =	ssyncset.done $0x0  }
0x1f5: {  	[sflag:s25] =	ssyncadd.s32 $0xFFFFF800  }
0x1f6: {  	_ =	swait.ge [sflag:s25], $0x800  }
0x1f7: {  	[sflag:s25] =	ssyncset.done $0x0  }
0x1f8: {  	[sflag:s25] =	ssyncadd.s32 $0xFFFFF800  }
0x1f9: {  	_ =	swait.ge [sflag:s25], $0x800  }
0x1fa: {  	s0 =	simm.s32 $0x0;
	[sflag:s25] =	ssyncset.done $0x0  }
0x1fb: {  	s3 =	simm.s32 $0x500;
	s1 =	simm.s32 $0x600;
	[sflag:s25] =	ssyncadd.s32 $0xFFFFF800  }
.LBB2_15:
0x1fc: {  	v4 =	vld [tilespmem:s3+$0x0]  }
0x1fd: {  	v5 =	vld [tilespmem:s1+$0x0];
	_ =	sdelay $0x1  }
0x1fe: {  	v3 =	vmov s0  }
0x1ff: {  	v3 =	vshll.u32 v3, $0x4  }
0x200: {  	v3 =	vor.u32 v2, v3  }
0x201: {  	v6 =	vand.u32 $0xFFFFFFF8, v4;
	v7 =	vand.u32 $0x7, v4;
	v40 =	vand.u32 $0xFFFFFFF8, v5  }
0x202: {  	v8 =	vadd.s32 $0x1, v4;
	v9 =	vand.u32 $0x7, v5;
	v11 =	vadd.s32 $0x1, v5  }
0x203: {  	v4 =	vadd.s32 $0x2, v4;
	v5 =	vadd.s32 $0x2, v5;
	v6 =	vadd.s32 v3, v6  }
0x204: {  	v10 =	vand.u32 $0xFFFFFFF8, v8;
	v8 =	vand.u32 $0x7, v8;
	v41 =	vand.u32 $0xFFFFFFF8, v11  }
0x205: {  	v42 =	vand.u32 $0x7, v11;
	v6 =	vor.u32 v7, v6;
	v7 =	vadd.s32 v3, v40  }
0x206: {  	v43 =	vand.u32 $0xFFFFFFF8, v4;
	v10 =	vadd.s32 v3, v10;
	v7 =	vor.u32 v9, v7  }
0x207: {  	v44 =	vand.u32 $0xFFFFFFF8, v5;
	v8 =	vor.u32 v8, v10;
	v9 =	vadd.s32 v3, v41  }
0x208: {  	v5 =	vand.u32 $0x7, v5;
	v45 =	vadd.s32 v3, v44;
	v9 =	vor.u32 v42, v9  }
0x209: {  	v4 =	vand.u32 $0x7, v4;
	v10 =	vadd.s32 v3, v43;
	v5 =	vor.u32 v5, v45  }
0x20a: {  	v4 =	vor.u32 v4, v10;
	v6 =	vld.idx.msk [tilespmem:v6+s26+$0x0], $0xffff  }
0x20b: {  	v7 =	vld.idx.msk [tilespmem:v7+s28+$0x0], $0xffff  }
0x20c: {  	v8 =	vld.idx.msk [tilespmem:v8+s26+$0x0], $0xffff  }
0x20d: {  	v9 =	vld.idx.msk [tilespmem:v9+s28+$0x0], $0xffff  }
0x20e: {  	v5 =	vld.idx.msk [tilespmem:v5+s28+$0x0], $0xffff  }
0x20f: {  	v4 =	vld.idx.msk [tilespmem:v4+s26+$0x0], $0xffff;
	_ =	sdelay $0x2  }
0x210: {  	v6 =	vsub.f32 v6, v7;
	v46 =	vsub.f32 v8, v9;
	_ =	sdelay $0x1  }
0x211: {  	v4 =	vsub.f32 v4, v5;
	v47 =	vmul.f32 v6, v6;
	v8 =	vmul.f32 v46, v46;
	_ =	sdelay $0x1  }
0x212: {  	v48 =	vmul.f32 v4, v4;
	v5 =	vadd.f32 v8, v47;
	_ =	sdelay $0x1  }
0x213: {  	v5 =	vadd.f32 v48, v5;
	_ =	sdelay $0x1  }
0x214: {  	v8 =	vshra.s32 v5, $0x1;
	v49 =	vmul.f32 $5.000000000e-01, v5  }
0x215: {  	v8 =	vsub.s32 $0x5F3759DF, v8  }
0x216: {  	v50 =	vmul.f32 v8, v49;
	_ =	sdelay $0x1  }
0x217: {  	v10 =	vmul.f32 v8, v50;
	_ =	sdelay $0x1  }
0x218: {  	v10 =	vsub.f32 $1.500000000e+00, v10;
	_ =	sdelay $0x1  }
0x219: {  	v8 =	vmul.f32 v8, v10;
	_ =	sdelay $0x1  }
0x21a: {  	v10 =	vmul.f32 v8, v49;
	_ =	sdelay $0x1  }
0x21b: {  	v10 =	vmul.f32 v10, v8;
	_ =	sdelay $0x1  }
0x21c: {  	v10 =	vsub.f32 $1.500000000e+00, v10;
	_ =	sdelay $0x1  }
0x21d: {  	v8 =	vmul.f32 v10, v8;
	_ =	sdelay $0x1  }
0x21e: {  	v9 =	vmul.f32 v8, v49;
	_ =	sdelay $0x1  }
0x21f: {  	v9 =	vmul.f32 v9, v8;
	_ =	sdelay $0x1  }
0x220: {  	v9 =	vsub.f32 $1.500000000e+00, v9;
	_ =	sdelay $0x1  }
0x221: {  	v8 =	vmul.f32 v9, v8;
	_ =	sdelay $0x1  }
0x222: {  	v5 =	vmul.f32 v8, v5;
	_ =	sdelay $0x1  }
0x223: {  	v5 =	vadd.f32 $9.999999710e-10, v5;
	_ =	sdelay $0x1  }
0x224: {  	(erf) = vrcp.f32 v5  }
0x225: {  	v51 =	vor.u32 $0x1, v3  }
0x226: {  	v52 =	vor.u32 $0x2, v3;
	_ =	sdelay $0x1  }
0x227: {  	v53 =	vor.u32 $0x3, v3;
	_ =	sdelay $0x1  }
0x228: {  	v54 =	vld.idx.msk [tilespmem:v51+s29+$0x0], $0xffff  }
0x229: {  	v12 =	vld.idx.msk [tilespmem:v52+s29+$0x0], $0xffff;
	_ =	sdelay $0x1  }
0x22a: {  	v14 =	vld.idx.msk [tilespmem:v53+s29+$0x0], $0xffff;
	v13 =	vpop (erf)  }
0x22b: {  	v15 =	vld.idx.msk [tilespmem:v3+s29+$0x0], $0xffff;
	v6 =	vmul.f32 v13, v6;
	v5 =	vmul.f32 v13, v46  }
0x22c: {  	v4 =	vmul.f32 v13, v4  }
0x22d: {  	v55 =	vmul.f32 v6, v54;
	v56 =	vmul.f32 v5, v12;
	_ =	sdelay $0x1  }
0x22e: {  	v57 =	vmul.f32 v4, v14;
	v58 =	vmul.f32 v4, v12;
	v7 =	vadd.f32 v56, v55  }
0x22f: {  	v16 =	vmul.f32 v5, v14;
	v17 =	vmul.f32 v6, v15  }
0x230: {  	v59 =	vmul.f32 v6, v14;
	v18 =	vmul.f32 v4, v54;
	v7 =	vadd.f32 v7, v57  }
0x231: {  	v11 =	vmul.f32 v5, v54;
	v19 =	vmul.f32 v6, v12  }
0x232: {  	v13 =	vsub.f32 v58, v16;
	v17 =	vadd.f32 v17, v54;
	v7 =	vmul.f32 $5.773502590e-01, v7  }
0x233: {  	v20 =	vmul.f32 v5, v15;
	v16 =	vsub.f32 v59, v18;
	v11 =	vsub.f32 v11, v19  }
0x234: {  	v13 =	vmul.f32 $7.071067690e-01, v13;
	v7 =	vadd.f32 v7, v15;
	v15 =	vmul.f32 v4, v15  }
0x235: {  	v60 =	vor.u32 $0x5, v3;
	v12 =	vadd.f32 v20, v12;
	v16 =	vmul.f32 $7.071067690e-01, v16  }
0x236: {  	v11 =	vmul.f32 $7.071067690e-01, v11;
	v13 =	vadd.f32 v13, v17;
	v14 =	vadd.f32 v15, v14  }
0x237: {  	v61 =	vor.u32 $0x6, v3;
	v12 =	vadd.f32 v16, v12;
	[tilespmem:v3+s30+$0x0] =	vst.idx.msk $0xffff, v7  }
0x238: {  	v62 =	vor.u32 $0x7, v3;
	[tilespmem:v51+s30+$0x0] =	vst.idx.msk $0xffff, v13;
	v11 =	vadd.f32 v11, v14  }
0x239: {  	[tilespmem:v52+s30+$0x0] =	vst.idx.msk $0xffff, v12  }
0x23a: {  	v63 =	vor.u32 $0x4, v3;
	[tilespmem:v53+s30+$0x0] =	vst.idx.msk $0xffff, v11  }
0x23b: {  	v9 =	vld.idx.msk [tilespmem:v60+s29+$0x0], $0xffff  }
0x23c: {  	v10 =	vld.idx.msk [tilespmem:v61+s29+$0x0], $0xffff  }
0x23d: {  	v12 =	vld.idx.msk [tilespmem:v62+s29+$0x0], $0xffff;
	_ =	sdelay $0x1  }
0x23e: {  	v26 =	vld.idx.msk [tilespmem:v63+s29+$0x0], $0xffff;
	_ =	sdelay $0x1  }
0x23f: {  	v24 =	vmul.f32 v6, v9;
	v25 =	vmul.f32 v5, v10  }
0x240: {  	v27 =	vmul.f32 v4, v12  }
0x241: {  	v28 =	vmul.f32 v4, v10;
	v29 =	vmul.f32 v5, v12;
	v13 =	vadd.f32 v25, v24  }
0x242: {  	v35 =	vor.u32 $0x9, v3;
	v30 =	vmul.f32 v6, v26;
	v31 =	vmul.f32 v6, v12  }
0x243: {  	v32 =	vmul.f32 v4, v9;
	v33 =	vmul.f32 v6, v10;
	v13 =	vadd.f32 v13, v27  }
0x244: {  	v14 =	vsub.f32 v28, v29;
	v18 =	vadd.f32 v30, v9;
	v9 =	vmul.f32 v5, v9  }
0x245: {  	v34 =	vmul.f32 v5, v26;
	v17 =	vsub.f32 v31, v32;
	v13 =	vmul.f32 $5.773502590e-01, v13  }
0x246: {  	v16 =	vmul.f32 v4, v26;
	v14 =	vmul.f32 $7.071067690e-01, v14;
	v9 =	vsub.f32 v9, v33  }
0x247: {  	v10 =	vadd.f32 v34, v10;
	v17 =	vmul.f32 $7.071067690e-01, v17;
	v13 =	vadd.f32 v13, v26  }
0x248: {  	v12 =	vadd.f32 v16, v12;
	v14 =	vadd.f32 v14, v18;
	v9 =	vmul.f32 $7.071067690e-01, v9  }
0x249: {  	v36 =	vor.u32 $0xA, v3;
	v10 =	vadd.f32 v17, v10;
	[tilespmem:v63+s30+$0x0] =	vst.idx.msk $0xffff, v13  }
0x24a: {  	v9 =	vadd.f32 v9, v12;
	[tilespmem:v60+s30+$0x0] =	vst.idx.msk $0xffff, v14  }
0x24b: {  	v37 =	vor.u32 $0xB, v3;
	[tilespmem:v61+s30+$0x0] =	vst.idx.msk $0xffff, v10  }
0x24c: {  	[tilespmem:v62+s30+$0x0] =	vst.idx.msk $0xffff, v9  }
0x24d: {  	v38 =	vor.u32 $0x8, v3;
	v8 =	vld.idx.msk [tilespmem:v35+s29+$0x0], $0xffff  }
0x24e: {  	v9 =	vld.idx.msk [tilespmem:v36+s29+$0x0], $0xffff;
	_ =	sdelay $0x1  }
0x24f: {  	v39 =	vld.idx.msk [tilespmem:v37+s29+$0x0], $0xffff;
	_ =	sdelay $0x1  }
0x250: {  	v15 =	vld.idx.msk [tilespmem:v38+s29+$0x0], $0xffff  }
0x251: {  	v40 =	vmul.f32 v6, v8;
	v41 =	vmul.f32 v5, v9;
	_ =	sdelay $0x1  }
0x252: {  	v42 =	vmul.f32 v4, v39;
	v13 =	vadd.f32 v41, v40  }
0x253: {  	v43 =	vmul.f32 v4, v9;
	v44 =	vmul.f32 v5, v39  }
0x254: {  	v45 =	vmul.f32 v6, v15;
	v46 =	vmul.f32 v6, v39;
	v13 =	vadd.f32 v13, v42  }
0x255: {  	v47 =	vmul.f32 v4, v8;
	v48 =	vmul.f32 v6, v9;
	v14 =	vsub.f32 v43, v44  }
0x256: {  	v18 =	vadd.f32 v45, v8;
	v8 =	vmul.f32 v5, v8;
	v13 =	vmul.f32 $5.773502590e-01, v13  }
0x257: {  	v49 =	vmul.f32 v5, v15;
	v17 =	vsub.f32 v46, v47;
	v14 =	vmul.f32 $7.071067690e-01, v14  }
0x258: {  	v8 =	vsub.f32 v8, v48;
	v13 =	vadd.f32 v13, v15;
	v15 =	vmul.f32 v4, v15  }
0x259: {  	v50 =	vor.u32 $0xD, v3;
	v9 =	vadd.f32 v49, v9;
	v17 =	vmul.f32 $7.071067690e-01, v17  }
0x25a: {  	v14 =	vadd.f32 v14, v18;
	v8 =	vmul.f32 $7.071067690e-01, v8;
	v12 =	vadd.f32 v15, v39  }
0x25b: {  	v51 =	vor.u32 $0xE, v3;
	v9 =	vadd.f32 v17, v9;
	[tilespmem:v38+s30+$0x0] =	vst.idx.msk $0xffff, v13  }
0x25c: {  	v52 =	vor.u32 $0xF, v3;
	[tilespmem:v35+s30+$0x0] =	vst.idx.msk $0xffff, v14;
	v8 =	vadd.f32 v8, v12  }
0x25d: {  	v3 =	vor.u32 $0xC, v3;
	[tilespmem:v36+s30+$0x0] =	vst.idx.msk $0xffff, v9  }
0x25e: {  	[tilespmem:v37+s30+$0x0] =	vst.idx.msk $0xffff, v8  }
0x25f: {  	v7 =	vld.idx.msk [tilespmem:v50+s29+$0x0], $0xffff  }
0x260: {  	v8 =	vld.idx.msk [tilespmem:v51+s29+$0x0], $0xffff  }
0x261: {  	v11 =	vld.idx.msk [tilespmem:v52+s29+$0x0], $0xffff  }
0x262: {  	v14 =	vld.idx.msk [tilespmem:v3+s29+$0x0], $0xffff;
	_ =	sdelay $0x2  }
0x263: {  	v53 =	vmul.f32 v7, v6;
	v54 =	vmul.f32 v8, v5  }
0x264: {  	v55 =	vmul.f32 v11, v4  }
0x265: {  	v56 =	vmul.f32 v14, v6;
	v57 =	vmul.f32 v8, v4;
	v12 =	vadd.f32 v54, v53  }
0x266: {  	v58 =	vmul.f32 v11, v5;
	v59 =	vmul.f32 v11, v6  }
0x267: {  	v60 =	vmul.f32 v7, v4;
	v61 =	vmul.f32 v7, v5;
	v12 =	vadd.f32 v55, v12  }
0x268: {  	v6 =	vmul.f32 v8, v6;
	v5 =	vmul.f32 v14, v5;
	v16 =	vsub.f32 v57, v58  }
0x269: {  	v4 =	vmul.f32 v14, v4;
	v62 =	vsub.f32 v59, v60;
	v12 =	vmul.f32 $5.773502590e-01, v12  }
0x26a: {  	v7 =	vadd.f32 v7, v56;
	v6 =	vsub.f32 v61, v6;
	v16 =	vmul.f32 $7.071067690e-01, v16  }
0x26b: {  	p0 =	sne.s32 s0, $0x70;
	v5 =	vadd.f32 v8, v5;
	v63 =	vmul.f32 $7.071067690e-01, v62;
	v12 =	vadd.f32 v12, v14  }
.Ltmp11:
0x26c: {  	v4 =	vadd.f32 v11, v4;
	v6 =	vmul.f32 $7.071067690e-01, v6;
	v7 =	vadd.f32 v16, v7;
	(pc) =	sbr.rel @p0 .LBB2_15-.Ltmp11, $4  }
0x26d: {  	v5 =	vadd.f32 v63, v5;
	[tilespmem:v3+s30+$0x0] =	vst.idx.msk $0xffff, v12  }
0x26e: {  	v3 =	vadd.f32 v6, v4;
	[tilespmem:v50+s30+$0x0] =	vst.idx.msk $0xffff, v7  }
0x26f: {  	[tilespmem:v51+s30+$0x0] =	vst.idx.msk $0xffff, v5  }
0x270: {  	s3 =	sadd.s32 $0x10, s3;
	s1 =	sadd.s32 $0x10, s1;
	s0 =	sadd.s32 $0x10, s0;
	[tilespmem:v52+s30+$0x0] =	vst.idx.msk $0xffff, v3  }
.Ltmp12:
0x271: {  	(pc) =	sbr.rel .LBB2_17-.Ltmp12, $2  }
0x272: {  	_ =	sdelay $0x2  }
0x273: {  	[spmem:s15] =	stream.indirect.scatter.add.f32 [tilespmem:s30], [sflag:$0x5], $0x10, s31, s10, $0xb8;
	[tilespmem:$0x1F5B0] =	vst v63  }
.LBB2_19:
0x274: {  	_ =	sfence.sel $0x180000  }
0x275: {  	[bflag:$0x0] =	sbarrier.arrive $0xFFFF  }
0x276: {  	_ =	strace $0x90000047  }
0x277: {  	s0 =	stileid.u32;
	[bflag:$0x2] =	sbarrier.arrive $0xFFFF  }
0x278: {  	p0 =	sne.s32 s0, $0x0;
	s0 =	rddreg [dreg:$0x5]  }
0x279: {  	s0 =	sadd.s32 @!p0 $0x100000, s0  }
0x27a: {  	[sflag:s0] =	ssyncadd.tile.s32 @!p0 $0x1;
	_ =	shalt  }
.Lfunc_end2:
_tile_overlayer_lowered:
.L_overlay_start_2:
0x27b: {  	(tag) =	ssettag $0x2  }
0x27c: {  	s0 =	rddreg [dreg:$0x0];
	s2 =	stileid.u32  }
0x27d: {  	s1 =	rddreg [dreg:$0x1];
	p0 =	sne.s32 s2, $0x0  }
0x27e: {  	s3 =	rddreg [dreg:$0x2];
	[bflag:$0x3] =	sbarrier.arrive $0xFFFF;
	s2 =	simm.s32 @!p0 $0x1C07  }
0x27f: {  	[timem:s3], [sflag:s2] =	dma.local @!p0 [hbm:s0], s1  }
0x280: {  	s0 =	simm.s32 @!p0 $0x7  }
0x281: {  	_ =	swait.ge @!p0 [sflag:s0], s1  }
0x282: {  	s1 =	ssub.s32 @!p0 $0x0, s1;
	[sflag:s0] =	ssyncset.done @!p0 $0x0  }
0x283: {  	[sflag:s0] =	ssyncadd.s32 @!p0 s1  }
0x284: {  	[bflag:$0x3] =	sbarrier.arrive $0xFFFF  }
0x285: {  	_ =	shalt  }

</sc_bundles>
